<compile_context>
chip_gen: v7x
topology: tpu7x:2x2x1
jax: 0.10.2.dev20260603
libtpu: 0.0.44.dev20260713+nightly
codegen_flags: <defaults>
</compile_context>

<pallas_src>
import functools

import jax
import jax.numpy as jnp
from jax import lax
from jax.experimental import pallas as pl
from jax.experimental.pallas import tpu as pltpu
from jax.experimental.pallas import tpu_sc as plsc

_B, _N, _C, _H, _D = 8, 1025, 3, 16, 64
_NJ = 4
_CH = _N // _NJ
_W = 8
_NIT = _CH // _W

_mesh = plsc.VectorSubcoreMesh(core_axis_name="c", subcore_axis_name="s")


@functools.partial(
    pl.kernel,
    mesh=_mesh,
    out_type=jax.ShapeDtypeStruct((_B, _N, _C, _H, _D), jnp.float32),
    scratch_types=[
        pltpu.VMEM((_W, _C, _H, _D), jnp.float32),
        pltpu.VMEM((_W, _C, _H, _D), jnp.float32),
        pltpu.SemaphoreType.DMA,
        pltpu.SemaphoreType.DMA,
        pltpu.SemaphoreType.DMA,
        pltpu.SemaphoreType.DMA,
    ],
)
def _sc_copy(x_hbm, o_hbm, buf0, buf1, si0, si1, so0, so1):
    nc = 2
    wid = lax.axis_index("s") * nc + lax.axis_index("c")
    b = wid // _NJ
    j = wid % _NJ
    base = j * _CH
    bufs = (buf0, buf1)
    sins = (si0, si1)
    souts = (so0, so1)

    def src(i):
        return x_hbm.at[b, pl.ds(base + i * _W, _W)]

    def dst(i):
        return o_hbm.at[b, pl.ds(base + i * _W, _W)]

    pltpu.make_async_copy(src(0), bufs[0], sins[0]).start()
    for i in range(_NIT):
        k = i % 2
        pltpu.make_async_copy(src(i), bufs[k], sins[k]).wait()
        if i > 0:
            pltpu.make_async_copy(bufs[1 - k], dst(i - 1), souts[1 - k]).wait()
        pltpu.make_async_copy(bufs[k], dst(i), souts[k]).start()
        if i + 1 < _NIT:
            pltpu.make_async_copy(src(i + 1), bufs[1 - k], sins[1 - k]).start()
    k_last = (_NIT - 1) % 2
    pltpu.make_async_copy(bufs[k_last], dst(_NIT - 1), souts[k_last]).wait()

    @pl.when(j == 0)
    def _():
        rest = _N - _NJ * _CH
        pltpu.sync_copy(
            x_hbm.at[b, pl.ds(_NJ * _CH, rest)], buf0.at[pl.ds(0, rest)]
        )
        pltpu.sync_copy(
            buf0.at[pl.ds(0, rest)], o_hbm.at[b, pl.ds(_NJ * _CH, rest)]
        )


def kernel(x):
    return _sc_copy(x)

# --- scband reference (transcript-rebuilt; emitter-appended) ---
"""Pipeline reference for scband-head-drop-out-54116587929954 (READ-ONLY COPY).

The authoritative reference and input builder live on the scoring server;
editing this copy changes nothing except your own understanding.
"""

import jax, jax.numpy as jnp
import numpy as np

# HeadDropOut: during training it stochastically zeroes slices of x for a random
# subset of samples (using Python `random` and torch RNG, which cannot be
# reproduced deterministically). In eval/inference mode (self.training == False)
# the module is an exact identity. The deterministic reference implements the
# inference behavior: return x unchanged.

def setup_inputs(seed: int = 0) -> dict:
    key = jax.random.key(seed)
    x = jax.random.normal(key, (8, 1025, 3, 16, 64), dtype=jnp.float32)
    return {"x": x}

def reference(x) -> jnp.ndarray:
    B, N, c, num, dim = x.shape  # shape check, mirrors the torch unpacking
    # self.training is False at inference -> no masking branch is taken
    return x

if __name__ == "__main__":
    import jax
    _d = setup_inputs()
    print(jax.jit(kernel)(*tuple(_d.values())))

</pallas_src>

<mosaic_0001>
#map = affine_map<(d0, d1) -> (0, 0, 0, 0, 0)>
module attributes {stable_mosaic.version = 14 : i64} {
  func.func @_sc_copy(%arg0: i32, %arg1: i32, %arg2: memref<8x1025x3x16x64xf32, #tpu.memory_space<hbm>>, %arg3: memref<8x1025x3x16x64xf32, #tpu.memory_space<hbm>>, %arg4: memref<8x3x16x64xf32, #tpu.memory_space<vmem>>, %arg5: memref<8x3x16x64xf32, #tpu.memory_space<vmem>>, %arg6: memref<!tpu.dma_semaphore, #tpu.memory_space<semaphore_mem>>, %arg7: memref<!tpu.dma_semaphore, #tpu.memory_space<semaphore_mem>>, %arg8: memref<!tpu.dma_semaphore, #tpu.memory_space<semaphore_mem>>, %arg9: memref<!tpu.dma_semaphore, #tpu.memory_space<semaphore_mem>>) attributes {dimension_semantics = [#tpu.dimension_semantics<core_parallel>, #tpu.dimension_semantics<subcore_parallel>], iteration_bounds = array<i64: 2, 16>, scalar_prefetch = 0 : i64, scratch_operands = 6 : i64, tpu.core_type = #tpu.core_type<sc_vector_subcore>, window_params = [{transform_indices = #map}, {transform_indices = #map}]} {
    %mul3A = arith.constant 2 : i32
    %mul3A_0 = arith.muli %arg1, %mul3A : i32
    %add3A = arith.addi %mul3A_0, %arg0 : i32
    %jit3A = arith.constant 4 : i32
    %div3A = arith.divsi %add3A, %jit3A : i32
    %sign3A = arith.constant 0 : i32
    %sign3A_1 = arith.cmpi sgt, %add3A, %sign3A : i32
    %sign3A_2 = arith.extui %sign3A_1 : i1 to i32
    %sign3A_3 = arith.constant 0 : i32
    %sign3A_4 = arith.cmpi slt, %add3A, %sign3A_3 : i32
    %sign3A_5 = arith.extui %sign3A_4 : i1 to i32
    %sign3A_6 = arith.subi %sign3A_2, %sign3A_5 : i32
    %sign3A_7 = arith.constant 0 : i32
    %sign3A_8 = arith.cmpi sgt, %jit3A, %sign3A_7 : i32
    %sign3A_9 = arith.extui %sign3A_8 : i1 to i32
    %sign3A_10 = arith.constant 0 : i32
    %sign3A_11 = arith.cmpi slt, %jit3A, %sign3A_10 : i32
    %sign3A_12 = arith.extui %sign3A_11 : i1 to i32
    %sign3A_13 = arith.subi %sign3A_9, %sign3A_12 : i32
    %ne3A = arith.cmpi ne, %sign3A_6, %sign3A_13 : i32
    %rem3A = arith.remsi %add3A, %jit3A : i32
    %ne3A_14 = arith.constant 0 : i32
    %ne3A_15 = arith.cmpi ne, %rem3A, %ne3A_14 : i32
    %and3A = arith.andi %ne3A, %ne3A_15 : i1
    %sub3A = arith.constant 1 : i32
    %sub3A_16 = arith.subi %div3A, %sub3A : i32
    %select_n3A = arith.select %and3A, %sub3A_16, %div3A : i32
    %jit3A_17 = arith.constant 4 : i32
    %eq3A = arith.constant 0 : i32
    %eq3A_18 = arith.cmpi eq, %jit3A_17, %eq3A : i32
    %jit3A_19 = arith.constant 1 : i32
    %select_n3A_20 = arith.select %eq3A_18, %jit3A_19, %jit3A_17 : i32
    %rem3A_21 = arith.remsi %add3A, %select_n3A_20 : i32
    %ne3A_22 = arith.constant 0 : i32
    %ne3A_23 = arith.cmpi ne, %rem3A_21, %ne3A_22 : i32
    %lt3A = arith.constant 0 : i32
    %lt3A_24 = arith.cmpi slt, %rem3A_21, %lt3A : i32
    %lt3A_25 = arith.constant 0 : i32
    %lt3A_26 = arith.cmpi slt, %select_n3A_20, %lt3A_25 : i32
    %ne3A_27 = arith.xori %lt3A_24, %lt3A_26 : i1
    %and3A_28 = arith.andi %ne3A_27, %ne3A_23 : i1
    %add3A_29 = arith.addi %rem3A_21, %select_n3A_20 : i32
    %select_n3A_30 = arith.select %and3A_28, %add3A_29, %rem3A_21 : i32
    %mul3A_31 = arith.constant 256 : i32
    %mul3A_32 = arith.muli %select_n3A_30, %mul3A_31 : i32
    %add3A_33 = arith.constant 0 : i32
    %add3A_34 = arith.addi %mul3A_32, %add3A_33 : i32
    %dma_start3A = arith.constant 0 : i32
    %dma_start3A_35 = arith.constant 0 : i32
    %dma_start3A_36 = arith.constant 0 : i32
    %dma_start3A_37 = tpu.memref_slice %arg2[%select_n3A, %add3A_34, %dma_start3A, %dma_start3A_35, %dma_start3A_36] : memref<8x1025x3x16x64xf32, #tpu.memory_space<hbm>> -> memref<1x8x3x16x64xf32, #tpu.memory_space<hbm>>
    %dma_start3A_38 = tpu.memref_squeeze %dma_start3A_37 : memref<1x8x3x16x64xf32, #tpu.memory_space<hbm>> -> memref<8x3x16x64xf32, #tpu.memory_space<hbm>>
    %dma_start3A_39 = arith.constant 0 : i32
    %dma_start3A_40 = arith.constant 0 : i32
    %dma_start3A_41 = arith.constant 0 : i32
    %dma_start3A_42 = tpu.memref_slice %arg2[%select_n3A, %add3A_34, %dma_start3A_39, %dma_start3A_40, %dma_start3A_41] : memref<8x1025x3x16x64xf32, #tpu.memory_space<hbm>> -> memref<1x8x3x16x64xf32, #tpu.memory_space<hbm>>
    %dma_start3A_43 = tpu.memref_squeeze %dma_start3A_42 : memref<1x8x3x16x64xf32, #tpu.memory_space<hbm>> -> memref<8x3x16x64xf32, #tpu.memory_space<hbm>>
    tpu.enqueue_dma source(%dma_start3A_43 : memref<8x3x16x64xf32, #tpu.memory_space<hbm>>) target(%arg4 : memref<8x3x16x64xf32, #tpu.memory_space<vmem>>) target_semaphore(%arg6 : memref<!tpu.dma_semaphore, #tpu.memory_space<semaphore_mem>>)
    %add3A_44 = arith.constant 0 : i32
    %add3A_45 = arith.addi %mul3A_32, %add3A_44 : i32
    %dma_wait3A = arith.constant 0 : i32
    %dma_wait3A_46 = arith.constant 0 : i32
    %dma_wait3A_47 = arith.constant 0 : i32
    %dma_wait3A_48 = tpu.memref_slice %arg2[%select_n3A, %add3A_45, %dma_wait3A, %dma_wait3A_46, %dma_wait3A_47] : memref<8x1025x3x16x64xf32, #tpu.memory_space<hbm>> -> memref<1x8x3x16x64xf32, #tpu.memory_space<hbm>>
    %dma_wait3A_49 = tpu.memref_squeeze %dma_wait3A_48 : memref<1x8x3x16x64xf32, #tpu.memory_space<hbm>> -> memref<8x3x16x64xf32, #tpu.memory_space<hbm>>
    %dma_wait3A_50 = arith.constant 0 : i32
    %dma_wait3A_51 = arith.constant 0 : i32
    %dma_wait3A_52 = arith.constant 0 : i32
    %dma_wait3A_53 = tpu.memref_slice %arg2[%select_n3A, %add3A_45, %dma_wait3A_50, %dma_wait3A_51, %dma_wait3A_52] : memref<8x1025x3x16x64xf32, #tpu.memory_space<hbm>> -> memref<1x8x3x16x64xf32, #tpu.memory_space<hbm>>
    %dma_wait3A_54 = tpu.memref_squeeze %dma_wait3A_53 : memref<1x8x3x16x64xf32, #tpu.memory_space<hbm>> -> memref<8x3x16x64xf32, #tpu.memory_space<hbm>>
    tpu.wait_dma2 semaphore(%arg6 : memref<!tpu.dma_semaphore, #tpu.memory_space<semaphore_mem>>) src(%dma_wait3A_54 : memref<8x3x16x64xf32, #tpu.memory_space<hbm>>) dst(%arg4 : memref<8x3x16x64xf32, #tpu.memory_space<vmem>>)
    %add3A_55 = arith.constant 0 : i32
    %add3A_56 = arith.addi %mul3A_32, %add3A_55 : i32
    %dma_start3A_57 = arith.constant 0 : i32
    %dma_start3A_58 = arith.constant 0 : i32
    %dma_start3A_59 = arith.constant 0 : i32
    %dma_start3A_60 = tpu.memref_slice %arg3[%select_n3A, %add3A_56, %dma_start3A_57, %dma_start3A_58, %dma_start3A_59] : memref<8x1025x3x16x64xf32, #tpu.memory_space<hbm>> -> memref<1x8x3x16x64xf32, #tpu.memory_space<hbm>>
    %dma_start3A_61 = tpu.memref_squeeze %dma_start3A_60 : memref<1x8x3x16x64xf32, #tpu.memory_space<hbm>> -> memref<8x3x16x64xf32, #tpu.memory_space<hbm>>
    %dma_start3A_62 = arith.constant 0 : i32
    %dma_start3A_63 = arith.constant 0 : i32
    %dma_start3A_64 = arith.constant 0 : i32
    %dma_start3A_65 = tpu.memref_slice %arg3[%select_n3A, %add3A_56, %dma_start3A_62, %dma_start3A_63, %dma_start3A_64] : memref<8x1025x3x16x64xf32, #tpu.memory_space<hbm>> -> memref<1x8x3x16x64xf32, #tpu.memory_space<hbm>>
    %dma_start3A_66 = tpu.memref_squeeze %dma_start3A_65 : memref<1x8x3x16x64xf32, #tpu.memory_space<hbm>> -> memref<8x3x16x64xf32, #tpu.memory_space<hbm>>
    tpu.enqueue_dma source(%arg4 : memref<8x3x16x64xf32, #tpu.memory_space<vmem>>) target(%dma_start3A_66 : memref<8x3x16x64xf32, #tpu.memory_space<hbm>>) target_semaphore(%arg8 : memref<!tpu.dma_semaphore, #tpu.memory_space<semaphore_mem>>)
    %add3A_67 = arith.constant 8 : i32
    %add3A_68 = arith.addi %mul3A_32, %add3A_67 : i32
    %dma_start3A_69 = arith.constant 0 : i32
    %dma_start3A_70 = arith.constant 0 : i32
    %dma_start3A_71 = arith.constant 0 : i32
    %dma_start3A_72 = tpu.memref_slice %arg2[%select_n3A, %add3A_68, %dma_start3A_69, %dma_start3A_70, %dma_start3A_71] : memref<8x1025x3x16x64xf32, #tpu.memory_space<hbm>> -> memref<1x8x3x16x64xf32, #tpu.memory_space<hbm>>
    %dma_start3A_73 = tpu.memref_squeeze %dma_start3A_72 : memref<1x8x3x16x64xf32, #tpu.memory_space<hbm>> -> memref<8x3x16x64xf32, #tpu.memory_space<hbm>>
    %dma_start3A_74 = arith.constant 0 : i32
    %dma_start3A_75 = arith.constant 0 : i32
    %dma_start3A_76 = arith.constant 0 : i32
    %dma_start3A_77 = tpu.memref_slice %arg2[%select_n3A, %add3A_68, %dma_start3A_74, %dma_start3A_75, %dma_start3A_76] : memref<8x1025x3x16x64xf32, #tpu.memory_space<hbm>> -> memref<1x8x3x16x64xf32, #tpu.memory_space<hbm>>
    %dma_start3A_78 = tpu.memref_squeeze %dma_start3A_77 : memref<1x8x3x16x64xf32, #tpu.memory_space<hbm>> -> memref<8x3x16x64xf32, #tpu.memory_space<hbm>>
    tpu.enqueue_dma source(%dma_start3A_78 : memref<8x3x16x64xf32, #tpu.memory_space<hbm>>) target(%arg5 : memref<8x3x16x64xf32, #tpu.memory_space<vmem>>) target_semaphore(%arg7 : memref<!tpu.dma_semaphore, #tpu.memory_space<semaphore_mem>>)
    %add3A_79 = arith.constant 8 : i32
    %add3A_80 = arith.addi %mul3A_32, %add3A_79 : i32
    %dma_wait3A_81 = arith.constant 0 : i32
    %dma_wait3A_82 = arith.constant 0 : i32
    %dma_wait3A_83 = arith.constant 0 : i32
    %dma_wait3A_84 = tpu.memref_slice %arg2[%select_n3A, %add3A_80, %dma_wait3A_81, %dma_wait3A_82, %dma_wait3A_83] : memref<8x1025x3x16x64xf32, #tpu.memory_space<hbm>> -> memref<1x8x3x16x64xf32, #tpu.memory_space<hbm>>
    %dma_wait3A_85 = tpu.memref_squeeze %dma_wait3A_84 : memref<1x8x3x16x64xf32, #tpu.memory_space<hbm>> -> memref<8x3x16x64xf32, #tpu.memory_space<hbm>>
    %dma_wait3A_86 = arith.constant 0 : i32
    %dma_wait3A_87 = arith.constant 0 : i32
    %dma_wait3A_88 = arith.constant 0 : i32
    %dma_wait3A_89 = tpu.memref_slice %arg2[%select_n3A, %add3A_80, %dma_wait3A_86, %dma_wait3A_87, %dma_wait3A_88] : memref<8x1025x3x16x64xf32, #tpu.memory_space<hbm>> -> memref<1x8x3x16x64xf32, #tpu.memory_space<hbm>>
    %dma_wait3A_90 = tpu.memref_squeeze %dma_wait3A_89 : memref<1x8x3x16x64xf32, #tpu.memory_space<hbm>> -> memref<8x3x16x64xf32, #tpu.memory_space<hbm>>
    tpu.wait_dma2 semaphore(%arg7 : memref<!tpu.dma_semaphore, #tpu.memory_space<semaphore_mem>>) src(%dma_wait3A_90 : memref<8x3x16x64xf32, #tpu.memory_space<hbm>>) dst(%arg5 : memref<8x3x16x64xf32, #tpu.memory_space<vmem>>)
    %add3A_91 = arith.constant 0 : i32
    %add3A_92 = arith.addi %mul3A_32, %add3A_91 : i32
    %dma_wait3A_93 = arith.constant 0 : i32
    %dma_wait3A_94 = arith.constant 0 : i32
    %dma_wait3A_95 = arith.constant 0 : i32
    %dma_wait3A_96 = tpu.memref_slice %arg3[%select_n3A, %add3A_92, %dma_wait3A_93, %dma_wait3A_94, %dma_wait3A_95] : memref<8x1025x3x16x64xf32, #tpu.memory_space<hbm>> -> memref<1x8x3x16x64xf32, #tpu.memory_space<hbm>>
    %dma_wait3A_97 = tpu.memref_squeeze %dma_wait3A_96 : memref<1x8x3x16x64xf32, #tpu.memory_space<hbm>> -> memref<8x3x16x64xf32, #tpu.memory_space<hbm>>
    %dma_wait3A_98 = arith.constant 0 : i32
    %dma_wait3A_99 = arith.constant 0 : i32
    %dma_wait3A_100 = arith.constant 0 : i32
    %dma_wait3A_101 = tpu.memref_slice %arg3[%select_n3A, %add3A_92, %dma_wait3A_98, %dma_wait3A_99, %dma_wait3A_100] : memref<8x1025x3x16x64xf32, #tpu.memory_space<hbm>> -> memref<1x8x3x16x64xf32, #tpu.memory_space<hbm>>
    %dma_wait3A_102 = tpu.memref_squeeze %dma_wait3A_101 : memref<1x8x3x16x64xf32, #tpu.memory_space<hbm>> -> memref<8x3x16x64xf32, #tpu.memory_space<hbm>>
    tpu.wait_dma2 semaphore(%arg8 : memref<!tpu.dma_semaphore, #tpu.memory_space<semaphore_mem>>) src(%arg4 : memref<8x3x16x64xf32, #tpu.memory_space<vmem>>) dst(%dma_wait3A_102 : memref<8x3x16x64xf32, #tpu.memory_space<hbm>>)
    %add3A_103 = arith.constant 8 : i32
    %add3A_104 = arith.addi %mul3A_32, %add3A_103 : i32
    %dma_start3A_105 = arith.constant 0 : i32
    %dma_start3A_106 = arith.constant 0 : i32
    %dma_start3A_107 = arith.constant 0 : i32
    %dma_start3A_108 = tpu.memref_slice %arg3[%select_n3A, %add3A_104, %dma_start3A_105, %dma_start3A_106, %dma_start3A_107] : memref<8x1025x3x16x64xf32, #tpu.memory_space<hbm>> -> memref<1x8x3x16x64xf32, #tpu.memory_space<hbm>>
    %dma_start3A_109 = tpu.memref_squeeze %dma_start3A_108 : memref<1x8x3x16x64xf32, #tpu.memory_space<hbm>> -> memref<8x3x16x64xf32, #tpu.memory_space<hbm>>
    %dma_start3A_110 = arith.constant 0 : i32
    %dma_start3A_111 = arith.constant 0 : i32
    %dma_start3A_112 = arith.constant 0 : i32
    %dma_start3A_113 = tpu.memref_slice %arg3[%select_n3A, %add3A_104, %dma_start3A_110, %dma_start3A_111, %dma_start3A_112] : memref<8x1025x3x16x64xf32, #tpu.memory_space<hbm>> -> memref<1x8x3x16x64xf32, #tpu.memory_space<hbm>>
    %dma_start3A_114 = tpu.memref_squeeze %dma_start3A_113 : memref<1x8x3x16x64xf32, #tpu.memory_space<hbm>> -> memref<8x3x16x64xf32, #tpu.memory_space<hbm>>
    tpu.enqueue_dma source(%arg5 : memref<8x3x16x64xf32, #tpu.memory_space<vmem>>) target(%dma_start3A_114 : memref<8x3x16x64xf32, #tpu.memory_space<hbm>>) target_semaphore(%arg9 : memref<!tpu.dma_semaphore, #tpu.memory_space<semaphore_mem>>)
    %add3A_115 = arith.constant 16 : i32
    %add3A_116 = arith.addi %mul3A_32, %add3A_115 : i32
    %dma_start3A_117 = arith.constant 0 : i32
    %dma_start3A_118 = arith.constant 0 : i32
    %dma_start3A_119 = arith.constant 0 : i32
    %dma_start3A_120 = tpu.memref_slice %arg2[%select_n3A, %add3A_116, %dma_start3A_117, %dma_start3A_118, %dma_start3A_119] : memref<8x1025x3x16x64xf32, #tpu.memory_space<hbm>> -> memref<1x8x3x16x64xf32, #tpu.memory_space<hbm>>
    %dma_start3A_121 = tpu.memref_squeeze %dma_start3A_120 : memref<1x8x3x16x64xf32, #tpu.memory_space<hbm>> -> memref<8x3x16x64xf32, #tpu.memory_space<hbm>>
    %dma_start3A_122 = arith.constant 0 : i32
    %dma_start3A_123 = arith.constant 0 : i32
    %dma_start3A_124 = arith.constant 0 : i32
    %dma_start3A_125 = tpu.memref_slice %arg2[%select_n3A, %add3A_116, %dma_start3A_122, %dma_start3A_123, %dma_start3A_124] : memref<8x1025x3x16x64xf32, #tpu.memory_space<hbm>> -> memref<1x8x3x16x64xf32, #tpu.memory_space<hbm>>
    %dma_start3A_126 = tpu.memref_squeeze %dma_start3A_125 : memref<1x8x3x16x64xf32, #tpu.memory_space<hbm>> -> memref<8x3x16x64xf32, #tpu.memory_space<hbm>>
    tpu.enqueue_dma source(%dma_start3A_126 : memref<8x3x16x64xf32, #tpu.memory_space<hbm>>) target(%arg4 : memref<8x3x16x64xf32, #tpu.memory_space<vmem>>) target_semaphore(%arg6 : memref<!tpu.dma_semaphore, #tpu.memory_space<semaphore_mem>>)
    %add3A_127 = arith.constant 16 : i32
    %add3A_128 = arith.addi %mul3A_32, %add3A_127 : i32
    %dma_wait3A_129 = arith.constant 0 : i32
    %dma_wait3A_130 = arith.constant 0 : i32
    %dma_wait3A_131 = arith.constant 0 : i32
    %dma_wait3A_132 = tpu.memref_slice %arg2[%select_n3A, %add3A_128, %dma_wait3A_129, %dma_wait3A_130, %dma_wait3A_131] : memref<8x1025x3x16x64xf32, #tpu.memory_space<hbm>> -> memref<1x8x3x16x64xf32, #tpu.memory_space<hbm>>
    %dma_wait3A_133 = tpu.memref_squeeze %dma_wait3A_132 : memref<1x8x3x16x64xf32, #tpu.memory_space<hbm>> -> memref<8x3x16x64xf32, #tpu.memory_space<hbm>>
    %dma_wait3A_134 = arith.constant 0 : i32
    %dma_wait3A_135 = arith.constant 0 : i32
    %dma_wait3A_136 = arith.constant 0 : i32
    %dma_wait3A_137 = tpu.memref_slice %arg2[%select_n3A, %add3A_128, %dma_wait3A_134, %dma_wait3A_135, %dma_wait3A_136] : memref<8x1025x3x16x64xf32, #tpu.memory_space<hbm>> -> memref<1x8x3x16x64xf32, #tpu.memory_space<hbm>>
    %dma_wait3A_138 = tpu.memref_squeeze %dma_wait3A_137 : memref<1x8x3x16x64xf32, #tpu.memory_space<hbm>> -> memref<8x3x16x64xf32, #tpu.memory_space<hbm>>
    tpu.wait_dma2 semaphore(%arg6 : memref<!tpu.dma_semaphore, #tpu.memory_space<semaphore_mem>>) src(%dma_wait3A_138 : memref<8x3x16x64xf32, #tpu.memory_space<hbm>>) dst(%arg4 : memref<8x3x16x64xf32, #tpu.memory_space<vmem>>)
    %add3A_139 = arith.constant 8 : i32
    %add3A_140 = arith.addi %mul3A_32, %add3A_139 : i32
    %dma_wait3A_141 = arith.constant 0 : i32
    %dma_wait3A_142 = arith.constant 0 : i32
    %dma_wait3A_143 = arith.constant 0 : i32
    %dma_wait3A_144 = tpu.memref_slice %arg3[%select_n3A, %add3A_140, %dma_wait3A_141, %dma_wait3A_142, %dma_wait3A_143] : memref<8x1025x3x16x64xf32, #tpu.memory_space<hbm>> -> memref<1x8x3x16x64xf32, #tpu.memory_space<hbm>>
    %dma_wait3A_145 = tpu.memref_squeeze %dma_wait3A_144 : memref<1x8x3x16x64xf32, #tpu.memory_space<hbm>> -> memref<8x3x16x64xf32, #tpu.memory_space<hbm>>
    %dma_wait3A_146 = arith.constant 0 : i32
    %dma_wait3A_147 = arith.constant 0 : i32
    %dma_wait3A_148 = arith.constant 0 : i32
    %dma_wait3A_149 = tpu.memref_slice %arg3[%select_n3A, %add3A_140, %dma_wait3A_146, %dma_wait3A_147, %dma_wait3A_148] : memref<8x1025x3x16x64xf32, #tpu.memory_space<hbm>> -> memref<1x8x3x16x64xf32, #tpu.memory_space<hbm>>
    %dma_wait3A_150 = tpu.memref_squeeze %dma_wait3A_149 : memref<1x8x3x16x64xf32, #tpu.memory_space<hbm>> -> memref<8x3x16x64xf32, #tpu.memory_space<hbm>>
    tpu.wait_dma2 semaphore(%arg9 : memref<!tpu.dma_semaphore, #tpu.memory_space<semaphore_mem>>) src(%arg5 : memref<8x3x16x64xf32, #tpu.memory_space<vmem>>) dst(%dma_wait3A_150 : memref<8x3x16x64xf32, #tpu.memory_space<hbm>>)
    %add3A_151 = arith.constant 16 : i32
    %add3A_152 = arith.addi %mul3A_32, %add3A_151 : i32
    %dma_start3A_153 = arith.constant 0 : i32
    %dma_start3A_154 = arith.constant 0 : i32
    %dma_start3A_155 = arith.constant 0 : i32
    %dma_start3A_156 = tpu.memref_slice %arg3[%select_n3A, %add3A_152, %dma_start3A_153, %dma_start3A_154, %dma_start3A_155] : memref<8x1025x3x16x64xf32, #tpu.memory_space<hbm>> -> memref<1x8x3x16x64xf32, #tpu.memory_space<hbm>>
    %dma_start3A_157 = tpu.memref_squeeze %dma_start3A_156 : memref<1x8x3x16x64xf32, #tpu.memory_space<hbm>> -> memref<8x3x16x64xf32, #tpu.memory_space<hbm>>
    %dma_start3A_158 = arith.constant 0 : i32
    %dma_start3A_159 = arith.constant 0 : i32
    %dma_start3A_160 = arith.constant 0 : i32
    %dma_start3A_161 = tpu.memref_slice %arg3[%select_n3A, %add3A_152, %dma_start3A_158, %dma_start3A_159, %dma_start3A_160] : memref<8x1025x3x16x64xf32, #tpu.memory_space<hbm>> -> memref<1x8x3x16x64xf32, #tpu.memory_space<hbm>>
    %dma_start3A_162 = tpu.memref_squeeze %dma_start3A_161 : memref<1x8x3x16x64xf32, #tpu.memory_space<hbm>> -> memref<8x3x16x64xf32, #tpu.memory_space<hbm>>
    tpu.enqueue_dma source(%arg4 : memref<8x3x16x64xf32, #tpu.memory_space<vmem>>) target(%dma_start3A_162 : memref<8x3x16x64xf32, #tpu.memory_space<hbm>>) target_semaphore(%arg8 : memref<!tpu.dma_semaphore, #tpu.memory_space<semaphore_mem>>)
    %add3A_163 = arith.constant 24 : i32
    %add3A_164 = arith.addi %mul3A_32, %add3A_163 : i32
    %dma_start3A_165 = arith.constant 0 : i32
    %dma_start3A_166 = arith.constant 0 : i32
    %dma_start3A_167 = arith.constant 0 : i32
    %dma_start3A_168 = tpu.memref_slice %arg2[%select_n3A, %add3A_164, %dma_start3A_165, %dma_start3A_166, %dma_start3A_167] : memref<8x1025x3x16x64xf32, #tpu.memory_space<hbm>> -> memref<1x8x3x16x64xf32, #tpu.memory_space<hbm>>
    %dma_start3A_169 = tpu.memref_squeeze %dma_start3A_168 : memref<1x8x3x16x64xf32, #tpu.memory_space<hbm>> -> memref<8x3x16x64xf32, #tpu.memory_space<hbm>>
    %dma_start3A_170 = arith.constant 0 : i32
    %dma_start3A_171 = arith.constant 0 : i32
    %dma_start3A_172 = arith.constant 0 : i32
    %dma_start3A_173 = tpu.memref_slice %arg2[%select_n3A, %add3A_164, %dma_start3A_170, %dma_start3A_171, %dma_start3A_172] : memref<8x1025x3x16x64xf32, #tpu.memory_space<hbm>> -> memref<1x8x3x16x64xf32, #tpu.memory_space<hbm>>
    %dma_start3A_174 = tpu.memref_squeeze %dma_start3A_173 : memref<1x8x3x16x64xf32, #tpu.memory_space<hbm>> -> memref<8x3x16x64xf32, #tpu.memory_space<hbm>>
    tpu.enqueue_dma source(%dma_start3A_174 : memref<8x3x16x64xf32, #tpu.memory_space<hbm>>) target(%arg5 : memref<8x3x16x64xf32, #tpu.memory_space<vmem>>) target_semaphore(%arg7 : memref<!tpu.dma_semaphore, #tpu.memory_space<semaphore_mem>>)
    %add3A_175 = arith.constant 24 : i32
    %add3A_176 = arith.addi %mul3A_32, %add3A_175 : i32
    %dma_wait3A_177 = arith.constant 0 : i32
    %dma_wait3A_178 = arith.constant 0 : i32
    %dma_wait3A_179 = arith.constant 0 : i32
    %dma_wait3A_180 = tpu.memref_slice %arg2[%select_n3A, %add3A_176, %dma_wait3A_177, %dma_wait3A_178, %dma_wait3A_179] : memref<8x1025x3x16x64xf32, #tpu.memory_space<hbm>> -> memref<1x8x3x16x64xf32, #tpu.memory_space<hbm>>
    %dma_wait3A_181 = tpu.memref_squeeze %dma_wait3A_180 : memref<1x8x3x16x64xf32, #tpu.memory_space<hbm>> -> memref<8x3x16x64xf32, #tpu.memory_space<hbm>>
    %dma_wait3A_182 = arith.constant 0 : i32
    %dma_wait3A_183 = arith.constant 0 : i32
    %dma_wait3A_184 = arith.constant 0 : i32
    %dma_wait3A_185 = tpu.memref_slice %arg2[%select_n3A, %add3A_176, %dma_wait3A_182, %dma_wait3A_183, %dma_wait3A_184] : memref<8x1025x3x16x64xf32, #tpu.memory_space<hbm>> -> memref<1x8x3x16x64xf32, #tpu.memory_space<hbm>>
    %dma_wait3A_186 = tpu.memref_squeeze %dma_wait3A_185 : memref<1x8x3x16x64xf32, #tpu.memory_space<hbm>> -> memref<8x3x16x64xf32, #tpu.memory_space<hbm>>
    tpu.wait_dma2 semaphore(%arg7 : memref<!tpu.dma_semaphore, #tpu.memory_space<semaphore_mem>>) src(%dma_wait3A_186 : memref<8x3x16x64xf32, #tpu.memory_space<hbm>>) dst(%arg5 : memref<8x3x16x64xf32, #tpu.memory_space<vmem>>)
    %add3A_187 = arith.constant 16 : i32
    %add3A_188 = arith.addi %mul3A_32, %add3A_187 : i32
    %dma_wait3A_189 = arith.constant 0 : i32
    %dma_wait3A_190 = arith.constant 0 : i32
    %dma_wait3A_191 = arith.constant 0 : i32
    %dma_wait3A_192 = tpu.memref_slice %arg3[%select_n3A, %add3A_188, %dma_wait3A_189, %dma_wait3A_190, %dma_wait3A_191] : memref<8x1025x3x16x64xf32, #tpu.memory_space<hbm>> -> memref<1x8x3x16x64xf32, #tpu.memory_space<hbm>>
    %dma_wait3A_193 = tpu.memref_squeeze %dma_wait3A_192 : memref<1x8x3x16x64xf32, #tpu.memory_space<hbm>> -> memref<8x3x16x64xf32, #tpu.memory_space<hbm>>
    %dma_wait3A_194 = arith.constant 0 : i32
    %dma_wait3A_195 = arith.constant 0 : i32
    %dma_wait3A_196 = arith.constant 0 : i32
    %dma_wait3A_197 = tpu.memref_slice %arg3[%select_n3A, %add3A_188, %dma_wait3A_194, %dma_wait3A_195, %dma_wait3A_196] : memref<8x1025x3x16x64xf32, #tpu.memory_space<hbm>> -> memref<1x8x3x16x64xf32, #tpu.memory_space<hbm>>
    %dma_wait3A_198 = tpu.memref_squeeze %dma_wait3A_197 : memref<1x8x3x16x64xf32, #tpu.memory_space<hbm>> -> memref<8x3x16x64xf32, #tpu.memory_space<hbm>>
    tpu.wait_dma2 semaphore(%arg8 : memref<!tpu.dma_semaphore, #tpu.memory_space<semaphore_mem>>) src(%arg4 : memref<8x3x16x64xf32, #tpu.memory_space<vmem>>) dst(%dma_wait3A_198 : memref<8x3x16x64xf32, #tpu.memory_space<hbm>>)
    %add3A_199 = arith.constant 24 : i32
    %add3A_200 = arith.addi %mul3A_32, %add3A_199 : i32
    %dma_start3A_201 = arith.constant 0 : i32
    %dma_start3A_202 = arith.constant 0 : i32
    %dma_start3A_203 = arith.constant 0 : i32
    %dma_start3A_204 = tpu.memref_slice %arg3[%select_n3A, %add3A_200, %dma_start3A_201, %dma_start3A_202, %dma_start3A_203] : memref<8x1025x3x16x64xf32, #tpu.memory_space<hbm>> -> memref<1x8x3x16x64xf32, #tpu.memory_space<hbm>>
    %dma_start3A_205 = tpu.memref_squeeze %dma_start3A_204 : memref<1x8x3x16x64xf32, #tpu.memory_space<hbm>> -> memref<8x3x16x64xf32, #tpu.memory_space<hbm>>
    %dma_start3A_206 = arith.constant 0 : i32
    %dma_start3A_207 = arith.constant 0 : i32
    %dma_start3A_208 = arith.constant 0 : i32
    %dma_start3A_209 = tpu.memref_slice %arg3[%select_n3A, %add3A_200, %dma_start3A_206, %dma_start3A_207, %dma_start3A_208] : memref<8x1025x3x16x64xf32, #tpu.memory_space<hbm>> -> memref<1x8x3x16x64xf32, #tpu.memory_space<hbm>>
    %dma_start3A_210 = tpu.memref_squeeze %dma_start3A_209 : memref<1x8x3x16x64xf32, #tpu.memory_space<hbm>> -> memref<8x3x16x64xf32, #tpu.memory_space<hbm>>
    tpu.enqueue_dma source(%arg5 : memref<8x3x16x64xf32, #tpu.memory_space<vmem>>) target(%dma_start3A_210 : memref<8x3x16x64xf32, #tpu.memory_space<hbm>>) target_semaphore(%arg9 : memref<!tpu.dma_semaphore, #tpu.memory_space<semaphore_mem>>)
    %add3A_211 = arith.constant 32 : i32
    %add3A_212 = arith.addi %mul3A_32, %add3A_211 : i32
    %dma_start3A_213 = arith.constant 0 : i32
    %dma_start3A_214 = arith.constant 0 : i32
    %dma_start3A_215 = arith.constant 0 : i32
    %dma_start3A_216 = tpu.memref_slice %arg2[%select_n3A, %add3A_212, %dma_start3A_213, %dma_start3A_214, %dma_start3A_215] : memref<8x1025x3x16x64xf32, #tpu.memory_space<hbm>> -> memref<1x8x3x16x64xf32, #tpu.memory_space<hbm>>
    %dma_start3A_217 = tpu.memref_squeeze %dma_start3A_216 : memref<1x8x3x16x64xf32, #tpu.memory_space<hbm>> -> memref<8x3x16x64xf32, #tpu.memory_space<hbm>>
    %dma_start3A_218 = arith.constant 0 : i32
    %dma_start3A_219 = arith.constant 0 : i32
    %dma_start3A_220 = arith.constant 0 : i32
    %dma_start3A_221 = tpu.memref_slice %arg2[%select_n3A, %add3A_212, %dma_start3A_218, %dma_start3A_219, %dma_start3A_220] : memref<8x1025x3x16x64xf32, #tpu.memory_space<hbm>> -> memref<1x8x3x16x64xf32, #tpu.memory_space<hbm>>
    %dma_start3A_222 = tpu.memref_squeeze %dma_start3A_221 : memref<1x8x3x16x64xf32, #tpu.memory_space<hbm>> -> memref<8x3x16x64xf32, #tpu.memory_space<hbm>>
    tpu.enqueue_dma source(%dma_start3A_222 : memref<8x3x16x64xf32, #tpu.memory_space<hbm>>) target(%arg4 : memref<8x3x16x64xf32, #tpu.memory_space<vmem>>) target_semaphore(%arg6 : memref<!tpu.dma_semaphore, #tpu.memory_space<semaphore_mem>>)
    %add3A_223 = arith.constant 32 : i32
    %add3A_224 = arith.addi %mul3A_32, %add3A_223 : i32
    %dma_wait3A_225 = arith.constant 0 : i32
    %dma_wait3A_226 = arith.constant 0 : i32
    %dma_wait3A_227 = arith.constant 0 : i32
    %dma_wait3A_228 = tpu.memref_slice %arg2[%select_n3A, %add3A_224, %dma_wait3A_225, %dma_wait3A_226, %dma_wait3A_227] : memref<8x1025x3x16x64xf32, #tpu.memory_space<hbm>> -> memref<1x8x3x16x64xf32, #tpu.memory_space<hbm>>
    %dma_wait3A_229 = tpu.memref_squeeze %dma_wait3A_228 : memref<1x8x3x16x64xf32, #tpu.memory_space<hbm>> -> memref<8x3x16x64xf32, #tpu.memory_space<hbm>>
    %dma_wait3A_230 = arith.constant 0 : i32
    %dma_wait3A_231 = arith.constant 0 : i32
    %dma_wait3A_232 = arith.constant 0 : i32
    %dma_wait3A_233 = tpu.memref_slice %arg2[%select_n3A, %add3A_224, %dma_wait3A_230, %dma_wait3A_231, %dma_wait3A_232] : memref<8x1025x3x16x64xf32, #tpu.memory_space<hbm>> -> memref<1x8x3x16x64xf32, #tpu.memory_space<hbm>>
    %dma_wait3A_234 = tpu.memref_squeeze %dma_wait3A_233 : memref<1x8x3x16x64xf32, #tpu.memory_space<hbm>> -> memref<8x3x16x64xf32, #tpu.memory_space<hbm>>
    tpu.wait_dma2 semaphore(%arg6 : memref<!tpu.dma_semaphore, #tpu.memory_space<semaphore_mem>>) src(%dma_wait3A_234 : memref<8x3x16x64xf32, #tpu.memory_space<hbm>>) dst(%arg4 : memref<8x3x16x64xf32, #tpu.memory_space<vmem>>)
    %add3A_235 = arith.constant 24 : i32
    %add3A_236 = arith.addi %mul3A_32, %add3A_235 : i32
    %dma_wait3A_237 = arith.constant 0 : i32
    %dma_wait3A_238 = arith.constant 0 : i32
    %dma_wait3A_239 = arith.constant 0 : i32
    %dma_wait3A_240 = tpu.memref_slice %arg3[%select_n3A, %add3A_236, %dma_wait3A_237, %dma_wait3A_238, %dma_wait3A_239] : memref<8x1025x3x16x64xf32, #tpu.memory_space<hbm>> -> memref<1x8x3x16x64xf32, #tpu.memory_space<hbm>>
    %dma_wait3A_241 = tpu.memref_squeeze %dma_wait3A_240 : memref<1x8x3x16x64xf32, #tpu.memory_space<hbm>> -> memref<8x3x16x64xf32, #tpu.memory_space<hbm>>
    %dma_wait3A_242 = arith.constant 0 : i32
    %dma_wait3A_243 = arith.constant 0 : i32
    %dma_wait3A_244 = arith.constant 0 : i32
    %dma_wait3A_245 = tpu.memref_slice %arg3[%select_n3A, %add3A_236, %dma_wait3A_242, %dma_wait3A_243, %dma_wait3A_244] : memref<8x1025x3x16x64xf32, #tpu.memory_space<hbm>> -> memref<1x8x3x16x64xf32, #tpu.memory_space<hbm>>
    %dma_wait3A_246 = tpu.memref_squeeze %dma_wait3A_245 : memref<1x8x3x16x64xf32, #tpu.memory_space<hbm>> -> memref<8x3x16x64xf32, #tpu.memory_space<hbm>>
    tpu.wait_dma2 semaphore(%arg9 : memref<!tpu.dma_semaphore, #tpu.memory_space<semaphore_mem>>) src(%arg5 : memref<8x3x16x64xf32, #tpu.memory_space<vmem>>) dst(%dma_wait3A_246 : memref<8x3x16x64xf32, #tpu.memory_space<hbm>>)
    %add3A_247 = arith.constant 32 : i32
    %add3A_248 = arith.addi %mul3A_32, %add3A_247 : i32
    %dma_start3A_249 = arith.constant 0 : i32
    %dma_start3A_250 = arith.constant 0 : i32
    %dma_start3A_251 = arith.constant 0 : i32
    %dma_start3A_252 = tpu.memref_slice %arg3[%select_n3A, %add3A_248, %dma_start3A_249, %dma_start3A_250, %dma_start3A_251] : memref<8x1025x3x16x64xf32, #tpu.memory_space<hbm>> -> memref<1x8x3x16x64xf32, #tpu.memory_space<hbm>>
    %dma_start3A_253 = tpu.memref_squeeze %dma_start3A_252 : memref<1x8x3x16x64xf32, #tpu.memory_space<hbm>> -> memref<8x3x16x64xf32, #tpu.memory_space<hbm>>
    %dma_start3A_254 = arith.constant 0 : i32
    %dma_start3A_255 = arith.constant 0 : i32
    %dma_start3A_256 = arith.constant 0 : i32
    %dma_start3A_257 = tpu.memref_slice %arg3[%select_n3A, %add3A_248, %dma_start3A_254, %dma_start3A_255, %dma_start3A_256] : memref<8x1025x3x16x64xf32, #tpu.memory_space<hbm>> -> memref<1x8x3x16x64xf32, #tpu.memory_space<hbm>>
    %dma_start3A_258 = tpu.memref_squeeze %dma_start3A_257 : memref<1x8x3x16x64xf32, #tpu.memory_space<hbm>> -> memref<8x3x16x64xf32, #tpu.memory_space<hbm>>
    tpu.enqueue_dma source(%arg4 : memref<8x3x16x64xf32, #tpu.memory_space<vmem>>) target(%dma_start3A_258 : memref<8x3x16x64xf32, #tpu.memory_space<hbm>>) target_semaphore(%arg8 : memref<!tpu.dma_semaphore, #tpu.memory_space<semaphore_mem>>)
    %add3A_259 = arith.constant 40 : i32
    %add3A_260 = arith.addi %mul3A_32, %add3A_259 : i32
    %dma_start3A_261 = arith.constant 0 : i32
    %dma_start3A_262 = arith.constant 0 : i32
    %dma_start3A_263 = arith.constant 0 : i32
    %dma_start3A_264 = tpu.memref_slice %arg2[%select_n3A, %add3A_260, %dma_start3A_261, %dma_start3A_262, %dma_start3A_263] : memref<8x1025x3x16x64xf32, #tpu.memory_space<hbm>> -> memref<1x8x3x16x64xf32, #tpu.memory_space<hbm>>
    %dma_start3A_265 = tpu.memref_squeeze %dma_start3A_264 : memref<1x8x3x16x64xf32, #tpu.memory_space<hbm>> -> memref<8x3x16x64xf32, #tpu.memory_space<hbm>>
    %dma_start3A_266 = arith.constant 0 : i32
    %dma_start3A_267 = arith.constant 0 : i32
    %dma_start3A_268 = arith.constant 0 : i32
    %dma_start3A_269 = tpu.memref_slice %arg2[%select_n3A, %add3A_260, %dma_start3A_266, %dma_start3A_267, %dma_start3A_268] : memref<8x1025x3x16x64xf32, #tpu.memory_space<hbm>> -> memref<1x8x3x16x64xf32, #tpu.memory_space<hbm>>
    %dma_start3A_270 = tpu.memref_squeeze %dma_start3A_269 : memref<1x8x3x16x64xf32, #tpu.memory_space<hbm>> -> memref<8x3x16x64xf32, #tpu.memory_space<hbm>>
    tpu.enqueue_dma source(%dma_start3A_270 : memref<8x3x16x64xf32, #tpu.memory_space<hbm>>) target(%arg5 : memref<8x3x16x64xf32, #tpu.memory_space<vmem>>) target_semaphore(%arg7 : memref<!tpu.dma_semaphore, #tpu.memory_space<semaphore_mem>>)
    %add3A_271 = arith.constant 40 : i32
    %add3A_272 = arith.addi %mul3A_32, %add3A_271 : i32
    %dma_wait3A_273 = arith.constant 0 : i32
    %dma_wait3A_274 = arith.constant 0 : i32
    %dma_wait3A_275 = arith.constant 0 : i32
    %dma_wait3A_276 = tpu.memref_slice %arg2[%select_n3A, %add3A_272, %dma_wait3A_273, %dma_wait3A_274, %dma_wait3A_275] : memref<8x1025x3x16x64xf32, #tpu.memory_space<hbm>> -> memref<1x8x3x16x64xf32, #tpu.memory_space<hbm>>
    %dma_wait3A_277 = tpu.memref_squeeze %dma_wait3A_276 : memref<1x8x3x16x64xf32, #tpu.memory_space<hbm>> -> memref<8x3x16x64xf32, #tpu.memory_space<hbm>>
    %dma_wait3A_278 = arith.constant 0 : i32
    %dma_wait3A_279 = arith.constant 0 : i32
    %dma_wait3A_280 = arith.constant 0 : i32
    %dma_wait3A_281 = tpu.memref_slice %arg2[%select_n3A, %add3A_272, %dma_wait3A_278, %dma_wait3A_279, %dma_wait3A_280] : memref<8x1025x3x16x64xf32, #tpu.memory_space<hbm>> -> memref<1x8x3x16x64xf32, #tpu.memory_space<hbm>>
    %dma_wait3A_282 = tpu.memref_squeeze %dma_wait3A_281 : memref<1x8x3x16x64xf32, #tpu.memory_space<hbm>> -> memref<8x3x16x64xf32, #tpu.memory_space<hbm>>
    tpu.wait_dma2 semaphore(%arg7 : memref<!tpu.dma_semaphore, #tpu.memory_space<semaphore_mem>>) src(%dma_wait3A_282 : memref<8x3x16x64xf32, #tpu.memory_space<hbm>>) dst(%arg5 : memref<8x3x16x64xf32, #tpu.memory_space<vmem>>)
    %add3A_283 = arith.constant 32 : i32
    %add3A_284 = arith.addi %mul3A_32, %add3A_283 : i32
    %dma_wait3A_285 = arith.constant 0 : i32
    %dma_wait3A_286 = arith.constant 0 : i32
    %dma_wait3A_287 = arith.constant 0 : i32
    %dma_wait3A_288 = tpu.memref_slice %arg3[%select_n3A, %add3A_284, %dma_wait3A_285, %dma_wait3A_286, %dma_wait3A_287] : memref<8x1025x3x16x64xf32, #tpu.memory_space<hbm>> -> memref<1x8x3x16x64xf32, #tpu.memory_space<hbm>>
    %dma_wait3A_289 = tpu.memref_squeeze %dma_wait3A_288 : memref<1x8x3x16x64xf32, #tpu.memory_space<hbm>> -> memref<8x3x16x64xf32, #tpu.memory_space<hbm>>
    %dma_wait3A_290 = arith.constant 0 : i32
    %dma_wait3A_291 = arith.constant 0 : i32
    %dma_wait3A_292 = arith.constant 0 : i32
    %dma_wait3A_293 = tpu.memref_slice %arg3[%select_n3A, %add3A_284, %dma_wait3A_290, %dma_wait3A_291, %dma_wait3A_292] : memref<8x1025x3x16x64xf32, #tpu.memory_space<hbm>> -> memref<1x8x3x16x64xf32, #tpu.memory_space<hbm>>
    %dma_wait3A_294 = tpu.memref_squeeze %dma_wait3A_293 : memref<1x8x3x16x64xf32, #tpu.memory_space<hbm>> -> memref<8x3x16x64xf32, #tpu.memory_space<hbm>>
    tpu.wait_dma2 semaphore(%arg8 : memref<!tpu.dma_semaphore, #tpu.memory_space<semaphore_mem>>) src(%arg4 : memref<8x3x16x64xf32, #tpu.memory_space<vmem>>) dst(%dma_wait3A_294 : memref<8x3x16x64xf32, #tpu.memory_space<hbm>>)
    %add3A_295 = arith.constant 40 : i32
    %add3A_296 = arith.addi %mul3A_32, %add3A_295 : i32
    %dma_start3A_297 = arith.constant 0 : i32
    %dma_start3A_298 = arith.constant 0 : i32
    %dma_start3A_299 = arith.constant 0 : i32
    %dma_start3A_300 = tpu.memref_slice %arg3[%select_n3A, %add3A_296, %dma_start3A_297, %dma_start3A_298, %dma_start3A_299] : memref<8x1025x3x16x64xf32, #tpu.memory_space<hbm>> -> memref<1x8x3x16x64xf32, #tpu.memory_space<hbm>>
    %dma_start3A_301 = tpu.memref_squeeze %dma_start3A_300 : memref<1x8x3x16x64xf32, #tpu.memory_space<hbm>> -> memref<8x3x16x64xf32, #tpu.memory_space<hbm>>
    %dma_start3A_302 = arith.constant 0 : i32
    %dma_start3A_303 = arith.constant 0 : i32
    %dma_start3A_304 = arith.constant 0 : i32
    %dma_start3A_305 = tpu.memref_slice %arg3[%select_n3A, %add3A_296, %dma_start3A_302, %dma_start3A_303, %dma_start3A_304] : memref<8x1025x3x16x64xf32, #tpu.memory_space<hbm>> -> memref<1x8x3x16x64xf32, #tpu.memory_space<hbm>>
    %dma_start3A_306 = tpu.memref_squeeze %dma_start3A_305 : memref<1x8x3x16x64xf32, #tpu.memory_space<hbm>> -> memref<8x3x16x64xf32, #tpu.memory_space<hbm>>
    tpu.enqueue_dma source(%arg5 : memref<8x3x16x64xf32, #tpu.memory_space<vmem>>) target(%dma_start3A_306 : memref<8x3x16x64xf32, #tpu.memory_space<hbm>>) target_semaphore(%arg9 : memref<!tpu.dma_semaphore, #tpu.memory_space<semaphore_mem>>)
    %add3A_307 = arith.constant 48 : i32
    %add3A_308 = arith.addi %mul3A_32, %add3A_307 : i32
    %dma_start3A_309 = arith.constant 0 : i32
    %dma_start3A_310 = arith.constant 0 : i32
    %dma_start3A_311 = arith.constant 0 : i32
    %dma_start3A_312 = tpu.memref_slice %arg2[%select_n3A, %add3A_308, %dma_start3A_309, %dma_start3A_310, %dma_start3A_311] : memref<8x1025x3x16x64xf32, #tpu.memory_space<hbm>> -> memref<1x8x3x16x64xf32, #tpu.memory_space<hbm>>
    %dma_start3A_313 = tpu.memref_squeeze %dma_start3A_312 : memref<1x8x3x16x64xf32, #tpu.memory_space<hbm>> -> memref<8x3x16x64xf32, #tpu.memory_space<hbm>>
    %dma_start3A_314 = arith.constant 0 : i32
    %dma_start3A_315 = arith.constant 0 : i32
    %dma_start3A_316 = arith.constant 0 : i32
    %dma_start3A_317 = tpu.memref_slice %arg2[%select_n3A, %add3A_308, %dma_start3A_314, %dma_start3A_315, %dma_start3A_316] : memref<8x1025x3x16x64xf32, #tpu.memory_space<hbm>> -> memref<1x8x3x16x64xf32, #tpu.memory_space<hbm>>
    %dma_start3A_318 = tpu.memref_squeeze %dma_start3A_317 : memref<1x8x3x16x64xf32, #tpu.memory_space<hbm>> -> memref<8x3x16x64xf32, #tpu.memory_space<hbm>>
    tpu.enqueue_dma source(%dma_start3A_318 : memref<8x3x16x64xf32, #tpu.memory_space<hbm>>) target(%arg4 : memref<8x3x16x64xf32, #tpu.memory_space<vmem>>) target_semaphore(%arg6 : memref<!tpu.dma_semaphore, #tpu.memory_space<semaphore_mem>>)
    %add3A_319 = arith.constant 48 : i32
    %add3A_320 = arith.addi %mul3A_32, %add3A_319 : i32
    %dma_wait3A_321 = arith.constant 0 : i32
    %dma_wait3A_322 = arith.constant 0 : i32
    %dma_wait3A_323 = arith.constant 0 : i32
    %dma_wait3A_324 = tpu.memref_slice %arg2[%select_n3A, %add3A_320, %dma_wait3A_321, %dma_wait3A_322, %dma_wait3A_323] : memref<8x1025x3x16x64xf32, #tpu.memory_space<hbm>> -> memref<1x8x3x16x64xf32, #tpu.memory_space<hbm>>
    %dma_wait3A_325 = tpu.memref_squeeze %dma_wait3A_324 : memref<1x8x3x16x64xf32, #tpu.memory_space<hbm>> -> memref<8x3x16x64xf32, #tpu.memory_space<hbm>>
    %dma_wait3A_326 = arith.constant 0 : i32
    %dma_wait3A_327 = arith.constant 0 : i32
    %dma_wait3A_328 = arith.constant 0 : i32
    %dma_wait3A_329 = tpu.memref_slice %arg2[%select_n3A, %add3A_320, %dma_wait3A_326, %dma_wait3A_327, %dma_wait3A_328] : memref<8x1025x3x16x64xf32, #tpu.memory_space<hbm>> -> memref<1x8x3x16x64xf32, #tpu.memory_space<hbm>>
    %dma_wait3A_330 = tpu.memref_squeeze %dma_wait3A_329 : memref<1x8x3x16x64xf32, #tpu.memory_space<hbm>> -> memref<8x3x16x64xf32, #tpu.memory_space<hbm>>
    tpu.wait_dma2 semaphore(%arg6 : memref<!tpu.dma_semaphore, #tpu.memory_space<semaphore_mem>>) src(%dma_wait3A_330 : memref<8x3x16x64xf32, #tpu.memory_space<hbm>>) dst(%arg4 : memref<8x3x16x64xf32, #tpu.memory_space<vmem>>)
    %add3A_331 = arith.constant 40 : i32
    %add3A_332 = arith.addi %mul3A_32, %add3A_331 : i32
    %dma_wait3A_333 = arith.constant 0 : i32
    %dma_wait3A_334 = arith.constant 0 : i32
    %dma_wait3A_335 = arith.constant 0 : i32
    %dma_wait3A_336 = tpu.memref_slice %arg3[%select_n3A, %add3A_332, %dma_wait3A_333, %dma_wait3A_334, %dma_wait3A_335] : memref<8x1025x3x16x64xf32, #tpu.memory_space<hbm>> -> memref<1x8x3x16x64xf32, #tpu.memory_space<hbm>>
    %dma_wait3A_337 = tpu.memref_squeeze %dma_wait3A_336 : memref<1x8x3x16x64xf32, #tpu.memory_space<hbm>> -> memref<8x3x16x64xf32, #tpu.memory_space<hbm>>
    %dma_wait3A_338 = arith.constant 0 : i32
    %dma_wait3A_339 = arith.constant 0 : i32
    %dma_wait3A_340 = arith.constant 0 : i32
    %dma_wait3A_341 = tpu.memref_slice %arg3[%select_n3A, %add3A_332, %dma_wait3A_338, %dma_wait3A_339, %dma_wait3A_340] : memref<8x1025x3x16x64xf32, #tpu.memory_space<hbm>> -> memref<1x8x3x16x64xf32, #tpu.memory_space<hbm>>
    %dma_wait3A_342 = tpu.memref_squeeze %dma_wait3A_341 : memref<1x8x3x16x64xf32, #tpu.memory_space<hbm>> -> memref<8x3x16x64xf32, #tpu.memory_space<hbm>>
    tpu.wait_dma2 semaphore(%arg9 : memref<!tpu.dma_semaphore, #tpu.memory_space<semaphore_mem>>) src(%arg5 : memref<8x3x16x64xf32, #tpu.memory_space<vmem>>) dst(%dma_wait3A_342 : memref<8x3x16x64xf32, #tpu.memory_space<hbm>>)
    %add3A_343 = arith.constant 48 : i32
    %add3A_344 = arith.addi %mul3A_32, %add3A_343 : i32
    %dma_start3A_345 = arith.constant 0 : i32
    %dma_start3A_346 = arith.constant 0 : i32
    %dma_start3A_347 = arith.constant 0 : i32
    %dma_start3A_348 = tpu.memref_slice %arg3[%select_n3A, %add3A_344, %dma_start3A_345, %dma_start3A_346, %dma_start3A_347] : memref<8x1025x3x16x64xf32, #tpu.memory_space<hbm>> -> memref<1x8x3x16x64xf32, #tpu.memory_space<hbm>>
    %dma_start3A_349 = tpu.memref_squeeze %dma_start3A_348 : memref<1x8x3x16x64xf32, #tpu.memory_space<hbm>> -> memref<8x3x16x64xf32, #tpu.memory_space<hbm>>
    %dma_start3A_350 = arith.constant 0 : i32
    %dma_start3A_351 = arith.constant 0 : i32
    %dma_start3A_352 = arith.constant 0 : i32
    %dma_start3A_353 = tpu.memref_slice %arg3[%select_n3A, %add3A_344, %dma_start3A_350, %dma_start3A_351, %dma_start3A_352] : memref<8x1025x3x16x64xf32, #tpu.memory_space<hbm>> -> memref<1x8x3x16x64xf32, #tpu.memory_space<hbm>>
    %dma_start3A_354 = tpu.memref_squeeze %dma_start3A_353 : memref<1x8x3x16x64xf32, #tpu.memory_space<hbm>> -> memref<8x3x16x64xf32, #tpu.memory_space<hbm>>
    tpu.enqueue_dma source(%arg4 : memref<8x3x16x64xf32, #tpu.memory_space<vmem>>) target(%dma_start3A_354 : memref<8x3x16x64xf32, #tpu.memory_space<hbm>>) target_semaphore(%arg8 : memref<!tpu.dma_semaphore, #tpu.memory_space<semaphore_mem>>)
    %add3A_355 = arith.constant 56 : i32
    %add3A_356 = arith.addi %mul3A_32, %add3A_355 : i32
    %dma_start3A_357 = arith.constant 0 : i32
    %dma_start3A_358 = arith.constant 0 : i32
    %dma_start3A_359 = arith.constant 0 : i32
    %dma_start3A_360 = tpu.memref_slice %arg2[%select_n3A, %add3A_356, %dma_start3A_357, %dma_start3A_358, %dma_start3A_359] : memref<8x1025x3x16x64xf32, #tpu.memory_space<hbm>> -> memref<1x8x3x16x64xf32, #tpu.memory_space<hbm>>
    %dma_start3A_361 = tpu.memref_squeeze %dma_start3A_360 : memref<1x8x3x16x64xf32, #tpu.memory_space<hbm>> -> memref<8x3x16x64xf32, #tpu.memory_space<hbm>>
    %dma_start3A_362 = arith.constant 0 : i32
    %dma_start3A_363 = arith.constant 0 : i32
    %dma_start3A_364 = arith.constant 0 : i32
    %dma_start3A_365 = tpu.memref_slice %arg2[%select_n3A, %add3A_356, %dma_start3A_362, %dma_start3A_363, %dma_start3A_364] : memref<8x1025x3x16x64xf32, #tpu.memory_space<hbm>> -> memref<1x8x3x16x64xf32, #tpu.memory_space<hbm>>
    %dma_start3A_366 = tpu.memref_squeeze %dma_start3A_365 : memref<1x8x3x16x64xf32, #tpu.memory_space<hbm>> -> memref<8x3x16x64xf32, #tpu.memory_space<hbm>>
    tpu.enqueue_dma source(%dma_start3A_366 : memref<8x3x16x64xf32, #tpu.memory_space<hbm>>) target(%arg5 : memref<8x3x16x64xf32, #tpu.memory_space<vmem>>) target_semaphore(%arg7 : memref<!tpu.dma_semaphore, #tpu.memory_space<semaphore_mem>>)
    %add3A_367 = arith.constant 56 : i32
    %add3A_368 = arith.addi %mul3A_32, %add3A_367 : i32
    %dma_wait3A_369 = arith.constant 0 : i32
    %dma_wait3A_370 = arith.constant 0 : i32
    %dma_wait3A_371 = arith.constant 0 : i32
    %dma_wait3A_372 = tpu.memref_slice %arg2[%select_n3A, %add3A_368, %dma_wait3A_369, %dma_wait3A_370, %dma_wait3A_371] : memref<8x1025x3x16x64xf32, #tpu.memory_space<hbm>> -> memref<1x8x3x16x64xf32, #tpu.memory_space<hbm>>
    %dma_wait3A_373 = tpu.memref_squeeze %dma_wait3A_372 : memref<1x8x3x16x64xf32, #tpu.memory_space<hbm>> -> memref<8x3x16x64xf32, #tpu.memory_space<hbm>>
    %dma_wait3A_374 = arith.constant 0 : i32
    %dma_wait3A_375 = arith.constant 0 : i32
    %dma_wait3A_376 = arith.constant 0 : i32
    %dma_wait3A_377 = tpu.memref_slice %arg2[%select_n3A, %add3A_368, %dma_wait3A_374, %dma_wait3A_375, %dma_wait3A_376] : memref<8x1025x3x16x64xf32, #tpu.memory_space<hbm>> -> memref<1x8x3x16x64xf32, #tpu.memory_space<hbm>>
    %dma_wait3A_378 = tpu.memref_squeeze %dma_wait3A_377 : memref<1x8x3x16x64xf32, #tpu.memory_space<hbm>> -> memref<8x3x16x64xf32, #tpu.memory_space<hbm>>
    tpu.wait_dma2 semaphore(%arg7 : memref<!tpu.dma_semaphore, #tpu.memory_space<semaphore_mem>>) src(%dma_wait3A_378 : memref<8x3x16x64xf32, #tpu.memory_space<hbm>>) dst(%arg5 : memref<8x3x16x64xf32, #tpu.memory_space<vmem>>)
    %add3A_379 = arith.constant 48 : i32
    %add3A_380 = arith.addi %mul3A_32, %add3A_379 : i32
    %dma_wait3A_381 = arith.constant 0 : i32
    %dma_wait3A_382 = arith.constant 0 : i32
    %dma_wait3A_383 = arith.constant 0 : i32
    %dma_wait3A_384 = tpu.memref_slice %arg3[%select_n3A, %add3A_380, %dma_wait3A_381, %dma_wait3A_382, %dma_wait3A_383] : memref<8x1025x3x16x64xf32, #tpu.memory_space<hbm>> -> memref<1x8x3x16x64xf32, #tpu.memory_space<hbm>>
    %dma_wait3A_385 = tpu.memref_squeeze %dma_wait3A_384 : memref<1x8x3x16x64xf32, #tpu.memory_space<hbm>> -> memref<8x3x16x64xf32, #tpu.memory_space<hbm>>
    %dma_wait3A_386 = arith.constant 0 : i32
    %dma_wait3A_387 = arith.constant 0 : i32
    %dma_wait3A_388 = arith.constant 0 : i32
    %dma_wait3A_389 = tpu.memref_slice %arg3[%select_n3A, %add3A_380, %dma_wait3A_386, %dma_wait3A_387, %dma_wait3A_388] : memref<8x1025x3x16x64xf32, #tpu.memory_space<hbm>> -> memref<1x8x3x16x64xf32, #tpu.memory_space<hbm>>
    %dma_wait3A_390 = tpu.memref_squeeze %dma_wait3A_389 : memref<1x8x3x16x64xf32, #tpu.memory_space<hbm>> -> memref<8x3x16x64xf32, #tpu.memory_space<hbm>>
    tpu.wait_dma2 semaphore(%arg8 : memref<!tpu.dma_semaphore, #tpu.memory_space<semaphore_mem>>) src(%arg4 : memref<8x3x16x64xf32, #tpu.memory_space<vmem>>) dst(%dma_wait3A_390 : memref<8x3x16x64xf32, #tpu.memory_space<hbm>>)
    %add3A_391 = arith.constant 56 : i32
    %add3A_392 = arith.addi %mul3A_32, %add3A_391 : i32
    %dma_start3A_393 = arith.constant 0 : i32
    %dma_start3A_394 = arith.constant 0 : i32
    %dma_start3A_395 = arith.constant 0 : i32
    %dma_start3A_396 = tpu.memref_slice %arg3[%select_n3A, %add3A_392, %dma_start3A_393, %dma_start3A_394, %dma_start3A_395] : memref<8x1025x3x16x64xf32, #tpu.memory_space<hbm>> -> memref<1x8x3x16x64xf32, #tpu.memory_space<hbm>>
    %dma_start3A_397 = tpu.memref_squeeze %dma_start3A_396 : memref<1x8x3x16x64xf32, #tpu.memory_space<hbm>> -> memref<8x3x16x64xf32, #tpu.memory_space<hbm>>
    %dma_start3A_398 = arith.constant 0 : i32
    %dma_start3A_399 = arith.constant 0 : i32
    %dma_start3A_400 = arith.constant 0 : i32
    %dma_start3A_401 = tpu.memref_slice %arg3[%select_n3A, %add3A_392, %dma_start3A_398, %dma_start3A_399, %dma_start3A_400] : memref<8x1025x3x16x64xf32, #tpu.memory_space<hbm>> -> memref<1x8x3x16x64xf32, #tpu.memory_space<hbm>>
    %dma_start3A_402 = tpu.memref_squeeze %dma_start3A_401 : memref<1x8x3x16x64xf32, #tpu.memory_space<hbm>> -> memref<8x3x16x64xf32, #tpu.memory_space<hbm>>
    tpu.enqueue_dma source(%arg5 : memref<8x3x16x64xf32, #tpu.memory_space<vmem>>) target(%dma_start3A_402 : memref<8x3x16x64xf32, #tpu.memory_space<hbm>>) target_semaphore(%arg9 : memref<!tpu.dma_semaphore, #tpu.memory_space<semaphore_mem>>)
    %add3A_403 = arith.constant 64 : i32
    %add3A_404 = arith.addi %mul3A_32, %add3A_403 : i32
    %dma_start3A_405 = arith.constant 0 : i32
    %dma_start3A_406 = arith.constant 0 : i32
    %dma_start3A_407 = arith.constant 0 : i32
    %dma_start3A_408 = tpu.memref_slice %arg2[%select_n3A, %add3A_404, %dma_start3A_405, %dma_start3A_406, %dma_start3A_407] : memref<8x1025x3x16x64xf32, #tpu.memory_space<hbm>> -> memref<1x8x3x16x64xf32, #tpu.memory_space<hbm>>
    %dma_start3A_409 = tpu.memref_squeeze %dma_start3A_408 : memref<1x8x3x16x64xf32, #tpu.memory_space<hbm>> -> memref<8x3x16x64xf32, #tpu.memory_space<hbm>>
    %dma_start3A_410 = arith.constant 0 : i32
    %dma_start3A_411 = arith.constant 0 : i32
    %dma_start3A_412 = arith.constant 0 : i32
    %dma_start3A_413 = tpu.memref_slice %arg2[%select_n3A, %add3A_404, %dma_start3A_410, %dma_start3A_411, %dma_start3A_412] : memref<8x1025x3x16x64xf32, #tpu.memory_space<hbm>> -> memref<1x8x3x16x64xf32, #tpu.memory_space<hbm>>
    %dma_start3A_414 = tpu.memref_squeeze %dma_start3A_413 : memref<1x8x3x16x64xf32, #tpu.memory_space<hbm>> -> memref<8x3x16x64xf32, #tpu.memory_space<hbm>>
    tpu.enqueue_dma source(%dma_start3A_414 : memref<8x3x16x64xf32, #tpu.memory_space<hbm>>) target(%arg4 : memref<8x3x16x64xf32, #tpu.memory_space<vmem>>) target_semaphore(%arg6 : memref<!tpu.dma_semaphore, #tpu.memory_space<semaphore_mem>>)
    %add3A_415 = arith.constant 64 : i32
    %add3A_416 = arith.addi %mul3A_32, %add3A_415 : i32
    %dma_wait3A_417 = arith.constant 0 : i32
    %dma_wait3A_418 = arith.constant 0 : i32
    %dma_wait3A_419 = arith.constant 0 : i32
    %dma_wait3A_420 = tpu.memref_slice %arg2[%select_n3A, %add3A_416, %dma_wait3A_417, %dma_wait3A_418, %dma_wait3A_419] : memref<8x1025x3x16x64xf32, #tpu.memory_space<hbm>> -> memref<1x8x3x16x64xf32, #tpu.memory_space<hbm>>
    %dma_wait3A_421 = tpu.memref_squeeze %dma_wait3A_420 : memref<1x8x3x16x64xf32, #tpu.memory_space<hbm>> -> memref<8x3x16x64xf32, #tpu.memory_space<hbm>>
    %dma_wait3A_422 = arith.constant 0 : i32
    %dma_wait3A_423 = arith.constant 0 : i32
    %dma_wait3A_424 = arith.constant 0 : i32
    %dma_wait3A_425 = tpu.memref_slice %arg2[%select_n3A, %add3A_416, %dma_wait3A_422, %dma_wait3A_423, %dma_wait3A_424] : memref<8x1025x3x16x64xf32, #tpu.memory_space<hbm>> -> memref<1x8x3x16x64xf32, #tpu.memory_space<hbm>>
    %dma_wait3A_426 = tpu.memref_squeeze %dma_wait3A_425 : memref<1x8x3x16x64xf32, #tpu.memory_space<hbm>> -> memref<8x3x16x64xf32, #tpu.memory_space<hbm>>
    tpu.wait_dma2 semaphore(%arg6 : memref<!tpu.dma_semaphore, #tpu.memory_space<semaphore_mem>>) src(%dma_wait3A_426 : memref<8x3x16x64xf32, #tpu.memory_space<hbm>>) dst(%arg4 : memref<8x3x16x64xf32, #tpu.memory_space<vmem>>)
    %add3A_427 = arith.constant 56 : i32
    %add3A_428 = arith.addi %mul3A_32, %add3A_427 : i32
    %dma_wait3A_429 = arith.constant 0 : i32
    %dma_wait3A_430 = arith.constant 0 : i32
    %dma_wait3A_431 = arith.constant 0 : i32
    %dma_wait3A_432 = tpu.memref_slice %arg3[%select_n3A, %add3A_428, %dma_wait3A_429, %dma_wait3A_430, %dma_wait3A_431] : memref<8x1025x3x16x64xf32, #tpu.memory_space<hbm>> -> memref<1x8x3x16x64xf32, #tpu.memory_space<hbm>>
    %dma_wait3A_433 = tpu.memref_squeeze %dma_wait3A_432 : memref<1x8x3x16x64xf32, #tpu.memory_space<hbm>> -> memref<8x3x16x64xf32, #tpu.memory_space<hbm>>
    %dma_wait3A_434 = arith.constant 0 : i32
    %dma_wait3A_435 = arith.constant 0 : i32
    %dma_wait3A_436 = arith.constant 0 : i32
    %dma_wait3A_437 = tpu.memref_slice %arg3[%select_n3A, %add3A_428, %dma_wait3A_434, %dma_wait3A_435, %dma_wait3A_436] : memref<8x1025x3x16x64xf32, #tpu.memory_space<hbm>> -> memref<1x8x3x16x64xf32, #tpu.memory_space<hbm>>
    %dma_wait3A_438 = tpu.memref_squeeze %dma_wait3A_437 : memref<1x8x3x16x64xf32, #tpu.memory_space<hbm>> -> memref<8x3x16x64xf32, #tpu.memory_space<hbm>>
    tpu.wait_dma2 semaphore(%arg9 : memref<!tpu.dma_semaphore, #tpu.memory_space<semaphore_mem>>) src(%arg5 : memref<8x3x16x64xf32, #tpu.memory_space<vmem>>) dst(%dma_wait3A_438 : memref<8x3x16x64xf32, #tpu.memory_space<hbm>>)
    %add3A_439 = arith.constant 64 : i32
    %add3A_440 = arith.addi %mul3A_32, %add3A_439 : i32
    %dma_start3A_441 = arith.constant 0 : i32
    %dma_start3A_442 = arith.constant 0 : i32
    %dma_start3A_443 = arith.constant 0 : i32
    %dma_start3A_444 = tpu.memref_slice %arg3[%select_n3A, %add3A_440, %dma_start3A_441, %dma_start3A_442, %dma_start3A_443] : memref<8x1025x3x16x64xf32, #tpu.memory_space<hbm>> -> memref<1x8x3x16x64xf32, #tpu.memory_space<hbm>>
    %dma_start3A_445 = tpu.memref_squeeze %dma_start3A_444 : memref<1x8x3x16x64xf32, #tpu.memory_space<hbm>> -> memref<8x3x16x64xf32, #tpu.memory_space<hbm>>
    %dma_start3A_446 = arith.constant 0 : i32
    %dma_start3A_447 = arith.constant 0 : i32
    %dma_start3A_448 = arith.constant 0 : i32
    %dma_start3A_449 = tpu.memref_slice %arg3[%select_n3A, %add3A_440, %dma_start3A_446, %dma_start3A_447, %dma_start3A_448] : memref<8x1025x3x16x64xf32, #tpu.memory_space<hbm>> -> memref<1x8x3x16x64xf32, #tpu.memory_space<hbm>>
    %dma_start3A_450 = tpu.memref_squeeze %dma_start3A_449 : memref<1x8x3x16x64xf32, #tpu.memory_space<hbm>> -> memref<8x3x16x64xf32, #tpu.memory_space<hbm>>
    tpu.enqueue_dma source(%arg4 : memref<8x3x16x64xf32, #tpu.memory_space<vmem>>) target(%dma_start3A_450 : memref<8x3x16x64xf32, #tpu.memory_space<hbm>>) target_semaphore(%arg8 : memref<!tpu.dma_semaphore, #tpu.memory_space<semaphore_mem>>)
    %add3A_451 = arith.constant 72 : i32
    %add3A_452 = arith.addi %mul3A_32, %add3A_451 : i32
    %dma_start3A_453 = arith.constant 0 : i32
    %dma_start3A_454 = arith.constant 0 : i32
    %dma_start3A_455 = arith.constant 0 : i32
    %dma_start3A_456 = tpu.memref_slice %arg2[%select_n3A, %add3A_452, %dma_start3A_453, %dma_start3A_454, %dma_start3A_455] : memref<8x1025x3x16x64xf32, #tpu.memory_space<hbm>> -> memref<1x8x3x16x64xf32, #tpu.memory_space<hbm>>
    %dma_start3A_457 = tpu.memref_squeeze %dma_start3A_456 : memref<1x8x3x16x64xf32, #tpu.memory_space<hbm>> -> memref<8x3x16x64xf32, #tpu.memory_space<hbm>>
    %dma_start3A_458 = arith.constant 0 : i32
    %dma_start3A_459 = arith.constant 0 : i32
    %dma_start3A_460 = arith.constant 0 : i32
    %dma_start3A_461 = tpu.memref_slice %arg2[%select_n3A, %add3A_452, %dma_start3A_458, %dma_start3A_459, %dma_start3A_460] : memref<8x1025x3x16x64xf32, #tpu.memory_space<hbm>> -> memref<1x8x3x16x64xf32, #tpu.memory_space<hbm>>
    %dma_start3A_462 = tpu.memref_squeeze %dma_start3A_461 : memref<1x8x3x16x64xf32, #tpu.memory_space<hbm>> -> memref<8x3x16x64xf32, #tpu.memory_space<hbm>>
    tpu.enqueue_dma source(%dma_start3A_462 : memref<8x3x16x64xf32, #tpu.memory_space<hbm>>) target(%arg5 : memref<8x3x16x64xf32, #tpu.memory_space<vmem>>) target_semaphore(%arg7 : memref<!tpu.dma_semaphore, #tpu.memory_space<semaphore_mem>>)
    %add3A_463 = arith.constant 72 : i32
    %add3A_464 = arith.addi %mul3A_32, %add3A_463 : i32
    %dma_wait3A_465 = arith.constant 0 : i32
    %dma_wait3A_466 = arith.constant 0 : i32
    %dma_wait3A_467 = arith.constant 0 : i32
    %dma_wait3A_468 = tpu.memref_slice %arg2[%select_n3A, %add3A_464, %dma_wait3A_465, %dma_wait3A_466, %dma_wait3A_467] : memref<8x1025x3x16x64xf32, #tpu.memory_space<hbm>> -> memref<1x8x3x16x64xf32, #tpu.memory_space<hbm>>
    %dma_wait3A_469 = tpu.memref_squeeze %dma_wait3A_468 : memref<1x8x3x16x64xf32, #tpu.memory_space<hbm>> -> memref<8x3x16x64xf32, #tpu.memory_space<hbm>>
    %dma_wait3A_470 = arith.constant 0 : i32
    %dma_wait3A_471 = arith.constant 0 : i32
    %dma_wait3A_472 = arith.constant 0 : i32
    %dma_wait3A_473 = tpu.memref_slice %arg2[%select_n3A, %add3A_464, %dma_wait3A_470, %dma_wait3A_471, %dma_wait3A_472] : memref<8x1025x3x16x64xf32, #tpu.memory_space<hbm>> -> memref<1x8x3x16x64xf32, #tpu.memory_space<hbm>>
    %dma_wait3A_474 = tpu.memref_squeeze %dma_wait3A_473 : memref<1x8x3x16x64xf32, #tpu.memory_space<hbm>> -> memref<8x3x16x64xf32, #tpu.memory_space<hbm>>
    tpu.wait_dma2 semaphore(%arg7 : memref<!tpu.dma_semaphore, #tpu.memory_space<semaphore_mem>>) src(%dma_wait3A_474 : memref<8x3x16x64xf32, #tpu.memory_space<hbm>>) dst(%arg5 : memref<8x3x16x64xf32, #tpu.memory_space<vmem>>)
    %add3A_475 = arith.constant 64 : i32
    %add3A_476 = arith.addi %mul3A_32, %add3A_475 : i32
    %dma_wait3A_477 = arith.constant 0 : i32
    %dma_wait3A_478 = arith.constant 0 : i32
    %dma_wait3A_479 = arith.constant 0 : i32
    %dma_wait3A_480 = tpu.memref_slice %arg3[%select_n3A, %add3A_476, %dma_wait3A_477, %dma_wait3A_478, %dma_wait3A_479] : memref<8x1025x3x16x64xf32, #tpu.memory_space<hbm>> -> memref<1x8x3x16x64xf32, #tpu.memory_space<hbm>>
    %dma_wait3A_481 = tpu.memref_squeeze %dma_wait3A_480 : memref<1x8x3x16x64xf32, #tpu.memory_space<hbm>> -> memref<8x3x16x64xf32, #tpu.memory_space<hbm>>
    %dma_wait3A_482 = arith.constant 0 : i32
    %dma_wait3A_483 = arith.constant 0 : i32
    %dma_wait3A_484 = arith.constant 0 : i32
    %dma_wait3A_485 = tpu.memref_slice %arg3[%select_n3A, %add3A_476, %dma_wait3A_482, %dma_wait3A_483, %dma_wait3A_484] : memref<8x1025x3x16x64xf32, #tpu.memory_space<hbm>> -> memref<1x8x3x16x64xf32, #tpu.memory_space<hbm>>
    %dma_wait3A_486 = tpu.memref_squeeze %dma_wait3A_485 : memref<1x8x3x16x64xf32, #tpu.memory_space<hbm>> -> memref<8x3x16x64xf32, #tpu.memory_space<hbm>>
    tpu.wait_dma2 semaphore(%arg8 : memref<!tpu.dma_semaphore, #tpu.memory_space<semaphore_mem>>) src(%arg4 : memref<8x3x16x64xf32, #tpu.memory_space<vmem>>) dst(%dma_wait3A_486 : memref<8x3x16x64xf32, #tpu.memory_space<hbm>>)
    %add3A_487 = arith.constant 72 : i32
    %add3A_488 = arith.addi %mul3A_32, %add3A_487 : i32
    %dma_start3A_489 = arith.constant 0 : i32
    %dma_start3A_490 = arith.constant 0 : i32
    %dma_start3A_491 = arith.constant 0 : i32
    %dma_start3A_492 = tpu.memref_slice %arg3[%select_n3A, %add3A_488, %dma_start3A_489, %dma_start3A_490, %dma_start3A_491] : memref<8x1025x3x16x64xf32, #tpu.memory_space<hbm>> -> memref<1x8x3x16x64xf32, #tpu.memory_space<hbm>>
    %dma_start3A_493 = tpu.memref_squeeze %dma_start3A_492 : memref<1x8x3x16x64xf32, #tpu.memory_space<hbm>> -> memref<8x3x16x64xf32, #tpu.memory_space<hbm>>
    %dma_start3A_494 = arith.constant 0 : i32
    %dma_start3A_495 = arith.constant 0 : i32
    %dma_start3A_496 = arith.constant 0 : i32
    %dma_start3A_497 = tpu.memref_slice %arg3[%select_n3A, %add3A_488, %dma_start3A_494, %dma_start3A_495, %dma_start3A_496] : memref<8x1025x3x16x64xf32, #tpu.memory_space<hbm>> -> memref<1x8x3x16x64xf32, #tpu.memory_space<hbm>>
    %dma_start3A_498 = tpu.memref_squeeze %dma_start3A_497 : memref<1x8x3x16x64xf32, #tpu.memory_space<hbm>> -> memref<8x3x16x64xf32, #tpu.memory_space<hbm>>
    tpu.enqueue_dma source(%arg5 : memref<8x3x16x64xf32, #tpu.memory_space<vmem>>) target(%dma_start3A_498 : memref<8x3x16x64xf32, #tpu.memory_space<hbm>>) target_semaphore(%arg9 : memref<!tpu.dma_semaphore, #tpu.memory_space<semaphore_mem>>)
    %add3A_499 = arith.constant 80 : i32
    %add3A_500 = arith.addi %mul3A_32, %add3A_499 : i32
    %dma_start3A_501 = arith.constant 0 : i32
    %dma_start3A_502 = arith.constant 0 : i32
    %dma_start3A_503 = arith.constant 0 : i32
    %dma_start3A_504 = tpu.memref_slice %arg2[%select_n3A, %add3A_500, %dma_start3A_501, %dma_start3A_502, %dma_start3A_503] : memref<8x1025x3x16x64xf32, #tpu.memory_space<hbm>> -> memref<1x8x3x16x64xf32, #tpu.memory_space<hbm>>
    %dma_start3A_505 = tpu.memref_squeeze %dma_start3A_504 : memref<1x8x3x16x64xf32, #tpu.memory_space<hbm>> -> memref<8x3x16x64xf32, #tpu.memory_space<hbm>>
    %dma_start3A_506 = arith.constant 0 : i32
    %dma_start3A_507 = arith.constant 0 : i32
    %dma_start3A_508 = arith.constant 0 : i32
    %dma_start3A_509 = tpu.memref_slice %arg2[%select_n3A, %add3A_500, %dma_start3A_506, %dma_start3A_507, %dma_start3A_508] : memref<8x1025x3x16x64xf32, #tpu.memory_space<hbm>> -> memref<1x8x3x16x64xf32, #tpu.memory_space<hbm>>
    %dma_start3A_510 = tpu.memref_squeeze %dma_start3A_509 : memref<1x8x3x16x64xf32, #tpu.memory_space<hbm>> -> memref<8x3x16x64xf32, #tpu.memory_space<hbm>>
    tpu.enqueue_dma source(%dma_start3A_510 : memref<8x3x16x64xf32, #tpu.memory_space<hbm>>) target(%arg4 : memref<8x3x16x64xf32, #tpu.memory_space<vmem>>) target_semaphore(%arg6 : memref<!tpu.dma_semaphore, #tpu.memory_space<semaphore_mem>>)
    %add3A_511 = arith.constant 80 : i32
    %add3A_512 = arith.addi %mul3A_32, %add3A_511 : i32
    %dma_wait3A_513 = arith.constant 0 : i32
    %dma_wait3A_514 = arith.constant 0 : i32
    %dma_wait3A_515 = arith.constant 0 : i32
    %dma_wait3A_516 = tpu.memref_slice %arg2[%select_n3A, %add3A_512, %dma_wait3A_513, %dma_wait3A_514, %dma_wait3A_515] : memref<8x1025x3x16x64xf32, #tpu.memory_space<hbm>> -> memref<1x8x3x16x64xf32, #tpu.memory_space<hbm>>
    %dma_wait3A_517 = tpu.memref_squeeze %dma_wait3A_516 : memref<1x8x3x16x64xf32, #tpu.memory_space<hbm>> -> memref<8x3x16x64xf32, #tpu.memory_space<hbm>>
    %dma_wait3A_518 = arith.constant 0 : i32
    %dma_wait3A_519 = arith.constant 0 : i32
    %dma_wait3A_520 = arith.constant 0 : i32
    %dma_wait3A_521 = tpu.memref_slice %arg2[%select_n3A, %add3A_512, %dma_wait3A_518, %dma_wait3A_519, %dma_wait3A_520] : memref<8x1025x3x16x64xf32, #tpu.memory_space<hbm>> -> memref<1x8x3x16x64xf32, #tpu.memory_space<hbm>>
    %dma_wait3A_522 = tpu.memref_squeeze %dma_wait3A_521 : memref<1x8x3x16x64xf32, #tpu.memory_space<hbm>> -> memref<8x3x16x64xf32, #tpu.memory_space<hbm>>
    tpu.wait_dma2 semaphore(%arg6 : memref<!tpu.dma_semaphore, #tpu.memory_space<semaphore_mem>>) src(%dma_wait3A_522 : memref<8x3x16x64xf32, #tpu.memory_space<hbm>>) dst(%arg4 : memref<8x3x16x64xf32, #tpu.memory_space<vmem>>)
    %add3A_523 = arith.constant 72 : i32
    %add3A_524 = arith.addi %mul3A_32, %add3A_523 : i32
    %dma_wait3A_525 = arith.constant 0 : i32
    %dma_wait3A_526 = arith.constant 0 : i32
    %dma_wait3A_527 = arith.constant 0 : i32
    %dma_wait3A_528 = tpu.memref_slice %arg3[%select_n3A, %add3A_524, %dma_wait3A_525, %dma_wait3A_526, %dma_wait3A_527] : memref<8x1025x3x16x64xf32, #tpu.memory_space<hbm>> -> memref<1x8x3x16x64xf32, #tpu.memory_space<hbm>>
    %dma_wait3A_529 = tpu.memref_squeeze %dma_wait3A_528 : memref<1x8x3x16x64xf32, #tpu.memory_space<hbm>> -> memref<8x3x16x64xf32, #tpu.memory_space<hbm>>
    %dma_wait3A_530 = arith.constant 0 : i32
    %dma_wait3A_531 = arith.constant 0 : i32
    %dma_wait3A_532 = arith.constant 0 : i32
    %dma_wait3A_533 = tpu.memref_slice %arg3[%select_n3A, %add3A_524, %dma_wait3A_530, %dma_wait3A_531, %dma_wait3A_532] : memref<8x1025x3x16x64xf32, #tpu.memory_space<hbm>> -> memref<1x8x3x16x64xf32, #tpu.memory_space<hbm>>
    %dma_wait3A_534 = tpu.memref_squeeze %dma_wait3A_533 : memref<1x8x3x16x64xf32, #tpu.memory_space<hbm>> -> memref<8x3x16x64xf32, #tpu.memory_space<hbm>>
    tpu.wait_dma2 semaphore(%arg9 : memref<!tpu.dma_semaphore, #tpu.memory_space<semaphore_mem>>) src(%arg5 : memref<8x3x16x64xf32, #tpu.memory_space<vmem>>) dst(%dma_wait3A_534 : memref<8x3x16x64xf32, #tpu.memory_space<hbm>>)
    %add3A_535 = arith.constant 80 : i32
    %add3A_536 = arith.addi %mul3A_32, %add3A_535 : i32
    %dma_start3A_537 = arith.constant 0 : i32
    %dma_start3A_538 = arith.constant 0 : i32
    %dma_start3A_539 = arith.constant 0 : i32
    %dma_start3A_540 = tpu.memref_slice %arg3[%select_n3A, %add3A_536, %dma_start3A_537, %dma_start3A_538, %dma_start3A_539] : memref<8x1025x3x16x64xf32, #tpu.memory_space<hbm>> -> memref<1x8x3x16x64xf32, #tpu.memory_space<hbm>>
    %dma_start3A_541 = tpu.memref_squeeze %dma_start3A_540 : memref<1x8x3x16x64xf32, #tpu.memory_space<hbm>> -> memref<8x3x16x64xf32, #tpu.memory_space<hbm>>
    %dma_start3A_542 = arith.constant 0 : i32
    %dma_start3A_543 = arith.constant 0 : i32
    %dma_start3A_544 = arith.constant 0 : i32
    %dma_start3A_545 = tpu.memref_slice %arg3[%select_n3A, %add3A_536, %dma_start3A_542, %dma_start3A_543, %dma_start3A_544] : memref<8x1025x3x16x64xf32, #tpu.memory_space<hbm>> -> memref<1x8x3x16x64xf32, #tpu.memory_space<hbm>>
    %dma_start3A_546 = tpu.memref_squeeze %dma_start3A_545 : memref<1x8x3x16x64xf32, #tpu.memory_space<hbm>> -> memref<8x3x16x64xf32, #tpu.memory_space<hbm>>
    tpu.enqueue_dma source(%arg4 : memref<8x3x16x64xf32, #tpu.memory_space<vmem>>) target(%dma_start3A_546 : memref<8x3x16x64xf32, #tpu.memory_space<hbm>>) target_semaphore(%arg8 : memref<!tpu.dma_semaphore, #tpu.memory_space<semaphore_mem>>)
    %add3A_547 = arith.constant 88 : i32
    %add3A_548 = arith.addi %mul3A_32, %add3A_547 : i32
    %dma_start3A_549 = arith.constant 0 : i32
    %dma_start3A_550 = arith.constant 0 : i32
    %dma_start3A_551 = arith.constant 0 : i32
    %dma_start3A_552 = tpu.memref_slice %arg2[%select_n3A, %add3A_548, %dma_start3A_549, %dma_start3A_550, %dma_start3A_551] : memref<8x1025x3x16x64xf32, #tpu.memory_space<hbm>> -> memref<1x8x3x16x64xf32, #tpu.memory_space<hbm>>
    %dma_start3A_553 = tpu.memref_squeeze %dma_start3A_552 : memref<1x8x3x16x64xf32, #tpu.memory_space<hbm>> -> memref<8x3x16x64xf32, #tpu.memory_space<hbm>>
    %dma_start3A_554 = arith.constant 0 : i32
    %dma_start3A_555 = arith.constant 0 : i32
    %dma_start3A_556 = arith.constant 0 : i32
    %dma_start3A_557 = tpu.memref_slice %arg2[%select_n3A, %add3A_548, %dma_start3A_554, %dma_start3A_555, %dma_start3A_556] : memref<8x1025x3x16x64xf32, #tpu.memory_space<hbm>> -> memref<1x8x3x16x64xf32, #tpu.memory_space<hbm>>
    %dma_start3A_558 = tpu.memref_squeeze %dma_start3A_557 : memref<1x8x3x16x64xf32, #tpu.memory_space<hbm>> -> memref<8x3x16x64xf32, #tpu.memory_space<hbm>>
    tpu.enqueue_dma source(%dma_start3A_558 : memref<8x3x16x64xf32, #tpu.memory_space<hbm>>) target(%arg5 : memref<8x3x16x64xf32, #tpu.memory_space<vmem>>) target_semaphore(%arg7 : memref<!tpu.dma_semaphore, #tpu.memory_space<semaphore_mem>>)
    %add3A_559 = arith.constant 88 : i32
    %add3A_560 = arith.addi %mul3A_32, %add3A_559 : i32
    %dma_wait3A_561 = arith.constant 0 : i32
    %dma_wait3A_562 = arith.constant 0 : i32
    %dma_wait3A_563 = arith.constant 0 : i32
    %dma_wait3A_564 = tpu.memref_slice %arg2[%select_n3A, %add3A_560, %dma_wait3A_561, %dma_wait3A_562, %dma_wait3A_563] : memref<8x1025x3x16x64xf32, #tpu.memory_space<hbm>> -> memref<1x8x3x16x64xf32, #tpu.memory_space<hbm>>
    %dma_wait3A_565 = tpu.memref_squeeze %dma_wait3A_564 : memref<1x8x3x16x64xf32, #tpu.memory_space<hbm>> -> memref<8x3x16x64xf32, #tpu.memory_space<hbm>>
    %dma_wait3A_566 = arith.constant 0 : i32
    %dma_wait3A_567 = arith.constant 0 : i32
    %dma_wait3A_568 = arith.constant 0 : i32
    %dma_wait3A_569 = tpu.memref_slice %arg2[%select_n3A, %add3A_560, %dma_wait3A_566, %dma_wait3A_567, %dma_wait3A_568] : memref<8x1025x3x16x64xf32, #tpu.memory_space<hbm>> -> memref<1x8x3x16x64xf32, #tpu.memory_space<hbm>>
    %dma_wait3A_570 = tpu.memref_squeeze %dma_wait3A_569 : memref<1x8x3x16x64xf32, #tpu.memory_space<hbm>> -> memref<8x3x16x64xf32, #tpu.memory_space<hbm>>
    tpu.wait_dma2 semaphore(%arg7 : memref<!tpu.dma_semaphore, #tpu.memory_space<semaphore_mem>>) src(%dma_wait3A_570 : memref<8x3x16x64xf32, #tpu.memory_space<hbm>>) dst(%arg5 : memref<8x3x16x64xf32, #tpu.memory_space<vmem>>)
    %add3A_571 = arith.constant 80 : i32
    %add3A_572 = arith.addi %mul3A_32, %add3A_571 : i32
    %dma_wait3A_573 = arith.constant 0 : i32
    %dma_wait3A_574 = arith.constant 0 : i32
    %dma_wait3A_575 = arith.constant 0 : i32
    %dma_wait3A_576 = tpu.memref_slice %arg3[%select_n3A, %add3A_572, %dma_wait3A_573, %dma_wait3A_574, %dma_wait3A_575] : memref<8x1025x3x16x64xf32, #tpu.memory_space<hbm>> -> memref<1x8x3x16x64xf32, #tpu.memory_space<hbm>>
    %dma_wait3A_577 = tpu.memref_squeeze %dma_wait3A_576 : memref<1x8x3x16x64xf32, #tpu.memory_space<hbm>> -> memref<8x3x16x64xf32, #tpu.memory_space<hbm>>
    %dma_wait3A_578 = arith.constant 0 : i32
    %dma_wait3A_579 = arith.constant 0 : i32
    %dma_wait3A_580 = arith.constant 0 : i32
    %dma_wait3A_581 = tpu.memref_slice %arg3[%select_n3A, %add3A_572, %dma_wait3A_578, %dma_wait3A_579, %dma_wait3A_580] : memref<8x1025x3x16x64xf32, #tpu.memory_space<hbm>> -> memref<1x8x3x16x64xf32, #tpu.memory_space<hbm>>
    %dma_wait3A_582 = tpu.memref_squeeze %dma_wait3A_581 : memref<1x8x3x16x64xf32, #tpu.memory_space<hbm>> -> memref<8x3x16x64xf32, #tpu.memory_space<hbm>>
    tpu.wait_dma2 semaphore(%arg8 : memref<!tpu.dma_semaphore, #tpu.memory_space<semaphore_mem>>) src(%arg4 : memref<8x3x16x64xf32, #tpu.memory_space<vmem>>) dst(%dma_wait3A_582 : memref<8x3x16x64xf32, #tpu.memory_space<hbm>>)
    %add3A_583 = arith.constant 88 : i32
    %add3A_584 = arith.addi %mul3A_32, %add3A_583 : i32
    %dma_start3A_585 = arith.constant 0 : i32
    %dma_start3A_586 = arith.constant 0 : i32
    %dma_start3A_587 = arith.constant 0 : i32
    %dma_start3A_588 = tpu.memref_slice %arg3[%select_n3A, %add3A_584, %dma_start3A_585, %dma_start3A_586, %dma_start3A_587] : memref<8x1025x3x16x64xf32, #tpu.memory_space<hbm>> -> memref<1x8x3x16x64xf32, #tpu.memory_space<hbm>>
    %dma_start3A_589 = tpu.memref_squeeze %dma_start3A_588 : memref<1x8x3x16x64xf32, #tpu.memory_space<hbm>> -> memref<8x3x16x64xf32, #tpu.memory_space<hbm>>
    %dma_start3A_590 = arith.constant 0 : i32
    %dma_start3A_591 = arith.constant 0 : i32
    %dma_start3A_592 = arith.constant 0 : i32
    %dma_start3A_593 = tpu.memref_slice %arg3[%select_n3A, %add3A_584, %dma_start3A_590, %dma_start3A_591, %dma_start3A_592] : memref<8x1025x3x16x64xf32, #tpu.memory_space<hbm>> -> memref<1x8x3x16x64xf32, #tpu.memory_space<hbm>>
    %dma_start3A_594 = tpu.memref_squeeze %dma_start3A_593 : memref<1x8x3x16x64xf32, #tpu.memory_space<hbm>> -> memref<8x3x16x64xf32, #tpu.memory_space<hbm>>
    tpu.enqueue_dma source(%arg5 : memref<8x3x16x64xf32, #tpu.memory_space<vmem>>) target(%dma_start3A_594 : memref<8x3x16x64xf32, #tpu.memory_space<hbm>>) target_semaphore(%arg9 : memref<!tpu.dma_semaphore, #tpu.memory_space<semaphore_mem>>)
    %add3A_595 = arith.constant 96 : i32
    %add3A_596 = arith.addi %mul3A_32, %add3A_595 : i32
    %dma_start3A_597 = arith.constant 0 : i32
    %dma_start3A_598 = arith.constant 0 : i32
    %dma_start3A_599 = arith.constant 0 : i32
    %dma_start3A_600 = tpu.memref_slice %arg2[%select_n3A, %add3A_596, %dma_start3A_597, %dma_start3A_598, %dma_start3A_599] : memref<8x1025x3x16x64xf32, #tpu.memory_space<hbm>> -> memref<1x8x3x16x64xf32, #tpu.memory_space<hbm>>
    %dma_start3A_601 = tpu.memref_squeeze %dma_start3A_600 : memref<1x8x3x16x64xf32, #tpu.memory_space<hbm>> -> memref<8x3x16x64xf32, #tpu.memory_space<hbm>>
    %dma_start3A_602 = arith.constant 0 : i32
    %dma_start3A_603 = arith.constant 0 : i32
    %dma_start3A_604 = arith.constant 0 : i32
    %dma_start3A_605 = tpu.memref_slice %arg2[%select_n3A, %add3A_596, %dma_start3A_602, %dma_start3A_603, %dma_start3A_604] : memref<8x1025x3x16x64xf32, #tpu.memory_space<hbm>> -> memref<1x8x3x16x64xf32, #tpu.memory_space<hbm>>
    %dma_start3A_606 = tpu.memref_squeeze %dma_start3A_605 : memref<1x8x3x16x64xf32, #tpu.memory_space<hbm>> -> memref<8x3x16x64xf32, #tpu.memory_space<hbm>>
    tpu.enqueue_dma source(%dma_start3A_606 : memref<8x3x16x64xf32, #tpu.memory_space<hbm>>) target(%arg4 : memref<8x3x16x64xf32, #tpu.memory_space<vmem>>) target_semaphore(%arg6 : memref<!tpu.dma_semaphore, #tpu.memory_space<semaphore_mem>>)
    %add3A_607 = arith.constant 96 : i32
    %add3A_608 = arith.addi %mul3A_32, %add3A_607 : i32
    %dma_wait3A_609 = arith.constant 0 : i32
    %dma_wait3A_610 = arith.constant 0 : i32
    %dma_wait3A_611 = arith.constant 0 : i32
    %dma_wait3A_612 = tpu.memref_slice %arg2[%select_n3A, %add3A_608, %dma_wait3A_609, %dma_wait3A_610, %dma_wait3A_611] : memref<8x1025x3x16x64xf32, #tpu.memory_space<hbm>> -> memref<1x8x3x16x64xf32, #tpu.memory_space<hbm>>
    %dma_wait3A_613 = tpu.memref_squeeze %dma_wait3A_612 : memref<1x8x3x16x64xf32, #tpu.memory_space<hbm>> -> memref<8x3x16x64xf32, #tpu.memory_space<hbm>>
    %dma_wait3A_614 = arith.constant 0 : i32
    %dma_wait3A_615 = arith.constant 0 : i32
    %dma_wait3A_616 = arith.constant 0 : i32
    %dma_wait3A_617 = tpu.memref_slice %arg2[%select_n3A, %add3A_608, %dma_wait3A_614, %dma_wait3A_615, %dma_wait3A_616] : memref<8x1025x3x16x64xf32, #tpu.memory_space<hbm>> -> memref<1x8x3x16x64xf32, #tpu.memory_space<hbm>>
    %dma_wait3A_618 = tpu.memref_squeeze %dma_wait3A_617 : memref<1x8x3x16x64xf32, #tpu.memory_space<hbm>> -> memref<8x3x16x64xf32, #tpu.memory_space<hbm>>
    tpu.wait_dma2 semaphore(%arg6 : memref<!tpu.dma_semaphore, #tpu.memory_space<semaphore_mem>>) src(%dma_wait3A_618 : memref<8x3x16x64xf32, #tpu.memory_space<hbm>>) dst(%arg4 : memref<8x3x16x64xf32, #tpu.memory_space<vmem>>)
    %add3A_619 = arith.constant 88 : i32
    %add3A_620 = arith.addi %mul3A_32, %add3A_619 : i32
    %dma_wait3A_621 = arith.constant 0 : i32
    %dma_wait3A_622 = arith.constant 0 : i32
    %dma_wait3A_623 = arith.constant 0 : i32
    %dma_wait3A_624 = tpu.memref_slice %arg3[%select_n3A, %add3A_620, %dma_wait3A_621, %dma_wait3A_622, %dma_wait3A_623] : memref<8x1025x3x16x64xf32, #tpu.memory_space<hbm>> -> memref<1x8x3x16x64xf32, #tpu.memory_space<hbm>>
    %dma_wait3A_625 = tpu.memref_squeeze %dma_wait3A_624 : memref<1x8x3x16x64xf32, #tpu.memory_space<hbm>> -> memref<8x3x16x64xf32, #tpu.memory_space<hbm>>
    %dma_wait3A_626 = arith.constant 0 : i32
    %dma_wait3A_627 = arith.constant 0 : i32
    %dma_wait3A_628 = arith.constant 0 : i32
    %dma_wait3A_629 = tpu.memref_slice %arg3[%select_n3A, %add3A_620, %dma_wait3A_626, %dma_wait3A_627, %dma_wait3A_628] : memref<8x1025x3x16x64xf32, #tpu.memory_space<hbm>> -> memref<1x8x3x16x64xf32, #tpu.memory_space<hbm>>
    %dma_wait3A_630 = tpu.memref_squeeze %dma_wait3A_629 : memref<1x8x3x16x64xf32, #tpu.memory_space<hbm>> -> memref<8x3x16x64xf32, #tpu.memory_space<hbm>>
    tpu.wait_dma2 semaphore(%arg9 : memref<!tpu.dma_semaphore, #tpu.memory_space<semaphore_mem>>) src(%arg5 : memref<8x3x16x64xf32, #tpu.memory_space<vmem>>) dst(%dma_wait3A_630 : memref<8x3x16x64xf32, #tpu.memory_space<hbm>>)
    %add3A_631 = arith.constant 96 : i32
    %add3A_632 = arith.addi %mul3A_32, %add3A_631 : i32
    %dma_start3A_633 = arith.constant 0 : i32
    %dma_start3A_634 = arith.constant 0 : i32
    %dma_start3A_635 = arith.constant 0 : i32
    %dma_start3A_636 = tpu.memref_slice %arg3[%select_n3A, %add3A_632, %dma_start3A_633, %dma_start3A_634, %dma_start3A_635] : memref<8x1025x3x16x64xf32, #tpu.memory_space<hbm>> -> memref<1x8x3x16x64xf32, #tpu.memory_space<hbm>>
    %dma_start3A_637 = tpu.memref_squeeze %dma_start3A_636 : memref<1x8x3x16x64xf32, #tpu.memory_space<hbm>> -> memref<8x3x16x64xf32, #tpu.memory_space<hbm>>
    %dma_start3A_638 = arith.constant 0 : i32
    %dma_start3A_639 = arith.constant 0 : i32
    %dma_start3A_640 = arith.constant 0 : i32
    %dma_start3A_641 = tpu.memref_slice %arg3[%select_n3A, %add3A_632, %dma_start3A_638, %dma_start3A_639, %dma_start3A_640] : memref<8x1025x3x16x64xf32, #tpu.memory_space<hbm>> -> memref<1x8x3x16x64xf32, #tpu.memory_space<hbm>>
    %dma_start3A_642 = tpu.memref_squeeze %dma_start3A_641 : memref<1x8x3x16x64xf32, #tpu.memory_space<hbm>> -> memref<8x3x16x64xf32, #tpu.memory_space<hbm>>
    tpu.enqueue_dma source(%arg4 : memref<8x3x16x64xf32, #tpu.memory_space<vmem>>) target(%dma_start3A_642 : memref<8x3x16x64xf32, #tpu.memory_space<hbm>>) target_semaphore(%arg8 : memref<!tpu.dma_semaphore, #tpu.memory_space<semaphore_mem>>)
    %add3A_643 = arith.constant 104 : i32
    %add3A_644 = arith.addi %mul3A_32, %add3A_643 : i32
    %dma_start3A_645 = arith.constant 0 : i32
    %dma_start3A_646 = arith.constant 0 : i32
    %dma_start3A_647 = arith.constant 0 : i32
    %dma_start3A_648 = tpu.memref_slice %arg2[%select_n3A, %add3A_644, %dma_start3A_645, %dma_start3A_646, %dma_start3A_647] : memref<8x1025x3x16x64xf32, #tpu.memory_space<hbm>> -> memref<1x8x3x16x64xf32, #tpu.memory_space<hbm>>
    %dma_start3A_649 = tpu.memref_squeeze %dma_start3A_648 : memref<1x8x3x16x64xf32, #tpu.memory_space<hbm>> -> memref<8x3x16x64xf32, #tpu.memory_space<hbm>>
    %dma_start3A_650 = arith.constant 0 : i32
    %dma_start3A_651 = arith.constant 0 : i32
    %dma_start3A_652 = arith.constant 0 : i32
    %dma_start3A_653 = tpu.memref_slice %arg2[%select_n3A, %add3A_644, %dma_start3A_650, %dma_start3A_651, %dma_start3A_652] : memref<8x1025x3x16x64xf32, #tpu.memory_space<hbm>> -> memref<1x8x3x16x64xf32, #tpu.memory_space<hbm>>
    %dma_start3A_654 = tpu.memref_squeeze %dma_start3A_653 : memref<1x8x3x16x64xf32, #tpu.memory_space<hbm>> -> memref<8x3x16x64xf32, #tpu.memory_space<hbm>>
    tpu.enqueue_dma source(%dma_start3A_654 : memref<8x3x16x64xf32, #tpu.memory_space<hbm>>) target(%arg5 : memref<8x3x16x64xf32, #tpu.memory_space<vmem>>) target_semaphore(%arg7 : memref<!tpu.dma_semaphore, #tpu.memory_space<semaphore_mem>>)
    %add3A_655 = arith.constant 104 : i32
    %add3A_656 = arith.addi %mul3A_32, %add3A_655 : i32
    %dma_wait3A_657 = arith.constant 0 : i32
    %dma_wait3A_658 = arith.constant 0 : i32
    %dma_wait3A_659 = arith.constant 0 : i32
    %dma_wait3A_660 = tpu.memref_slice %arg2[%select_n3A, %add3A_656, %dma_wait3A_657, %dma_wait3A_658, %dma_wait3A_659] : memref<8x1025x3x16x64xf32, #tpu.memory_space<hbm>> -> memref<1x8x3x16x64xf32, #tpu.memory_space<hbm>>
    %dma_wait3A_661 = tpu.memref_squeeze %dma_wait3A_660 : memref<1x8x3x16x64xf32, #tpu.memory_space<hbm>> -> memref<8x3x16x64xf32, #tpu.memory_space<hbm>>
    %dma_wait3A_662 = arith.constant 0 : i32
    %dma_wait3A_663 = arith.constant 0 : i32
    %dma_wait3A_664 = arith.constant 0 : i32
    %dma_wait3A_665 = tpu.memref_slice %arg2[%select_n3A, %add3A_656, %dma_wait3A_662, %dma_wait3A_663, %dma_wait3A_664] : memref<8x1025x3x16x64xf32, #tpu.memory_space<hbm>> -> memref<1x8x3x16x64xf32, #tpu.memory_space<hbm>>
    %dma_wait3A_666 = tpu.memref_squeeze %dma_wait3A_665 : memref<1x8x3x16x64xf32, #tpu.memory_space<hbm>> -> memref<8x3x16x64xf32, #tpu.memory_space<hbm>>
    tpu.wait_dma2 semaphore(%arg7 : memref<!tpu.dma_semaphore, #tpu.memory_space<semaphore_mem>>) src(%dma_wait3A_666 : memref<8x3x16x64xf32, #tpu.memory_space<hbm>>) dst(%arg5 : memref<8x3x16x64xf32, #tpu.memory_space<vmem>>)
    %add3A_667 = arith.constant 96 : i32
    %add3A_668 = arith.addi %mul3A_32, %add3A_667 : i32
    %dma_wait3A_669 = arith.constant 0 : i32
    %dma_wait3A_670 = arith.constant 0 : i32
    %dma_wait3A_671 = arith.constant 0 : i32
    %dma_wait3A_672 = tpu.memref_slice %arg3[%select_n3A, %add3A_668, %dma_wait3A_669, %dma_wait3A_670, %dma_wait3A_671] : memref<8x1025x3x16x64xf32, #tpu.memory_space<hbm>> -> memref<1x8x3x16x64xf32, #tpu.memory_space<hbm>>
    %dma_wait3A_673 = tpu.memref_squeeze %dma_wait3A_672 : memref<1x8x3x16x64xf32, #tpu.memory_space<hbm>> -> memref<8x3x16x64xf32, #tpu.memory_space<hbm>>
    %dma_wait3A_674 = arith.constant 0 : i32
    %dma_wait3A_675 = arith.constant 0 : i32
    %dma_wait3A_676 = arith.constant 0 : i32
    %dma_wait3A_677 = tpu.memref_slice %arg3[%select_n3A, %add3A_668, %dma_wait3A_674, %dma_wait3A_675, %dma_wait3A_676] : memref<8x1025x3x16x64xf32, #tpu.memory_space<hbm>> -> memref<1x8x3x16x64xf32, #tpu.memory_space<hbm>>
    %dma_wait3A_678 = tpu.memref_squeeze %dma_wait3A_677 : memref<1x8x3x16x64xf32, #tpu.memory_space<hbm>> -> memref<8x3x16x64xf32, #tpu.memory_space<hbm>>
    tpu.wait_dma2 semaphore(%arg8 : memref<!tpu.dma_semaphore, #tpu.memory_space<semaphore_mem>>) src(%arg4 : memref<8x3x16x64xf32, #tpu.memory_space<vmem>>) dst(%dma_wait3A_678 : memref<8x3x16x64xf32, #tpu.memory_space<hbm>>)
    %add3A_679 = arith.constant 104 : i32
    %add3A_680 = arith.addi %mul3A_32, %add3A_679 : i32
    %dma_start3A_681 = arith.constant 0 : i32
    %dma_start3A_682 = arith.constant 0 : i32
    %dma_start3A_683 = arith.constant 0 : i32
    %dma_start3A_684 = tpu.memref_slice %arg3[%select_n3A, %add3A_680, %dma_start3A_681, %dma_start3A_682, %dma_start3A_683] : memref<8x1025x3x16x64xf32, #tpu.memory_space<hbm>> -> memref<1x8x3x16x64xf32, #tpu.memory_space<hbm>>
    %dma_start3A_685 = tpu.memref_squeeze %dma_start3A_684 : memref<1x8x3x16x64xf32, #tpu.memory_space<hbm>> -> memref<8x3x16x64xf32, #tpu.memory_space<hbm>>
    %dma_start3A_686 = arith.constant 0 : i32
    %dma_start3A_687 = arith.constant 0 : i32
    %dma_start3A_688 = arith.constant 0 : i32
    %dma_start3A_689 = tpu.memref_slice %arg3[%select_n3A, %add3A_680, %dma_start3A_686, %dma_start3A_687, %dma_start3A_688] : memref<8x1025x3x16x64xf32, #tpu.memory_space<hbm>> -> memref<1x8x3x16x64xf32, #tpu.memory_space<hbm>>
    %dma_start3A_690 = tpu.memref_squeeze %dma_start3A_689 : memref<1x8x3x16x64xf32, #tpu.memory_space<hbm>> -> memref<8x3x16x64xf32, #tpu.memory_space<hbm>>
    tpu.enqueue_dma source(%arg5 : memref<8x3x16x64xf32, #tpu.memory_space<vmem>>) target(%dma_start3A_690 : memref<8x3x16x64xf32, #tpu.memory_space<hbm>>) target_semaphore(%arg9 : memref<!tpu.dma_semaphore, #tpu.memory_space<semaphore_mem>>)
    %add3A_691 = arith.constant 112 : i32
    %add3A_692 = arith.addi %mul3A_32, %add3A_691 : i32
    %dma_start3A_693 = arith.constant 0 : i32
    %dma_start3A_694 = arith.constant 0 : i32
    %dma_start3A_695 = arith.constant 0 : i32
    %dma_start3A_696 = tpu.memref_slice %arg2[%select_n3A, %add3A_692, %dma_start3A_693, %dma_start3A_694, %dma_start3A_695] : memref<8x1025x3x16x64xf32, #tpu.memory_space<hbm>> -> memref<1x8x3x16x64xf32, #tpu.memory_space<hbm>>
    %dma_start3A_697 = tpu.memref_squeeze %dma_start3A_696 : memref<1x8x3x16x64xf32, #tpu.memory_space<hbm>> -> memref<8x3x16x64xf32, #tpu.memory_space<hbm>>
    %dma_start3A_698 = arith.constant 0 : i32
    %dma_start3A_699 = arith.constant 0 : i32
    %dma_start3A_700 = arith.constant 0 : i32
    %dma_start3A_701 = tpu.memref_slice %arg2[%select_n3A, %add3A_692, %dma_start3A_698, %dma_start3A_699, %dma_start3A_700] : memref<8x1025x3x16x64xf32, #tpu.memory_space<hbm>> -> memref<1x8x3x16x64xf32, #tpu.memory_space<hbm>>
    %dma_start3A_702 = tpu.memref_squeeze %dma_start3A_701 : memref<1x8x3x16x64xf32, #tpu.memory_space<hbm>> -> memref<8x3x16x64xf32, #tpu.memory_space<hbm>>
    tpu.enqueue_dma source(%dma_start3A_702 : memref<8x3x16x64xf32, #tpu.memory_space<hbm>>) target(%arg4 : memref<8x3x16x64xf32, #tpu.memory_space<vmem>>) target_semaphore(%arg6 : memref<!tpu.dma_semaphore, #tpu.memory_space<semaphore_mem>>)
    %add3A_703 = arith.constant 112 : i32
    %add3A_704 = arith.addi %mul3A_32, %add3A_703 : i32
    %dma_wait3A_705 = arith.constant 0 : i32
    %dma_wait3A_706 = arith.constant 0 : i32
    %dma_wait3A_707 = arith.constant 0 : i32
    %dma_wait3A_708 = tpu.memref_slice %arg2[%select_n3A, %add3A_704, %dma_wait3A_705, %dma_wait3A_706, %dma_wait3A_707] : memref<8x1025x3x16x64xf32, #tpu.memory_space<hbm>> -> memref<1x8x3x16x64xf32, #tpu.memory_space<hbm>>
    %dma_wait3A_709 = tpu.memref_squeeze %dma_wait3A_708 : memref<1x8x3x16x64xf32, #tpu.memory_space<hbm>> -> memref<8x3x16x64xf32, #tpu.memory_space<hbm>>
    %dma_wait3A_710 = arith.constant 0 : i32
    %dma_wait3A_711 = arith.constant 0 : i32
    %dma_wait3A_712 = arith.constant 0 : i32
    %dma_wait3A_713 = tpu.memref_slice %arg2[%select_n3A, %add3A_704, %dma_wait3A_710, %dma_wait3A_711, %dma_wait3A_712] : memref<8x1025x3x16x64xf32, #tpu.memory_space<hbm>> -> memref<1x8x3x16x64xf32, #tpu.memory_space<hbm>>
    %dma_wait3A_714 = tpu.memref_squeeze %dma_wait3A_713 : memref<1x8x3x16x64xf32, #tpu.memory_space<hbm>> -> memref<8x3x16x64xf32, #tpu.memory_space<hbm>>
    tpu.wait_dma2 semaphore(%arg6 : memref<!tpu.dma_semaphore, #tpu.memory_space<semaphore_mem>>) src(%dma_wait3A_714 : memref<8x3x16x64xf32, #tpu.memory_space<hbm>>) dst(%arg4 : memref<8x3x16x64xf32, #tpu.memory_space<vmem>>)
    %add3A_715 = arith.constant 104 : i32
    %add3A_716 = arith.addi %mul3A_32, %add3A_715 : i32
    %dma_wait3A_717 = arith.constant 0 : i32
    %dma_wait3A_718 = arith.constant 0 : i32
    %dma_wait3A_719 = arith.constant 0 : i32
    %dma_wait3A_720 = tpu.memref_slice %arg3[%select_n3A, %add3A_716, %dma_wait3A_717, %dma_wait3A_718, %dma_wait3A_719] : memref<8x1025x3x16x64xf32, #tpu.memory_space<hbm>> -> memref<1x8x3x16x64xf32, #tpu.memory_space<hbm>>
    %dma_wait3A_721 = tpu.memref_squeeze %dma_wait3A_720 : memref<1x8x3x16x64xf32, #tpu.memory_space<hbm>> -> memref<8x3x16x64xf32, #tpu.memory_space<hbm>>
    %dma_wait3A_722 = arith.constant 0 : i32
    %dma_wait3A_723 = arith.constant 0 : i32
    %dma_wait3A_724 = arith.constant 0 : i32
    %dma_wait3A_725 = tpu.memref_slice %arg3[%select_n3A, %add3A_716, %dma_wait3A_722, %dma_wait3A_723, %dma_wait3A_724] : memref<8x1025x3x16x64xf32, #tpu.memory_space<hbm>> -> memref<1x8x3x16x64xf32, #tpu.memory_space<hbm>>
    %dma_wait3A_726 = tpu.memref_squeeze %dma_wait3A_725 : memref<1x8x3x16x64xf32, #tpu.memory_space<hbm>> -> memref<8x3x16x64xf32, #tpu.memory_space<hbm>>
    tpu.wait_dma2 semaphore(%arg9 : memref<!tpu.dma_semaphore, #tpu.memory_space<semaphore_mem>>) src(%arg5 : memref<8x3x16x64xf32, #tpu.memory_space<vmem>>) dst(%dma_wait3A_726 : memref<8x3x16x64xf32, #tpu.memory_space<hbm>>)
    %add3A_727 = arith.constant 112 : i32
    %add3A_728 = arith.addi %mul3A_32, %add3A_727 : i32
    %dma_start3A_729 = arith.constant 0 : i32
    %dma_start3A_730 = arith.constant 0 : i32
    %dma_start3A_731 = arith.constant 0 : i32
    %dma_start3A_732 = tpu.memref_slice %arg3[%select_n3A, %add3A_728, %dma_start3A_729, %dma_start3A_730, %dma_start3A_731] : memref<8x1025x3x16x64xf32, #tpu.memory_space<hbm>> -> memref<1x8x3x16x64xf32, #tpu.memory_space<hbm>>
    %dma_start3A_733 = tpu.memref_squeeze %dma_start3A_732 : memref<1x8x3x16x64xf32, #tpu.memory_space<hbm>> -> memref<8x3x16x64xf32, #tpu.memory_space<hbm>>
    %dma_start3A_734 = arith.constant 0 : i32
    %dma_start3A_735 = arith.constant 0 : i32
    %dma_start3A_736 = arith.constant 0 : i32
    %dma_start3A_737 = tpu.memref_slice %arg3[%select_n3A, %add3A_728, %dma_start3A_734, %dma_start3A_735, %dma_start3A_736] : memref<8x1025x3x16x64xf32, #tpu.memory_space<hbm>> -> memref<1x8x3x16x64xf32, #tpu.memory_space<hbm>>
    %dma_start3A_738 = tpu.memref_squeeze %dma_start3A_737 : memref<1x8x3x16x64xf32, #tpu.memory_space<hbm>> -> memref<8x3x16x64xf32, #tpu.memory_space<hbm>>
    tpu.enqueue_dma source(%arg4 : memref<8x3x16x64xf32, #tpu.memory_space<vmem>>) target(%dma_start3A_738 : memref<8x3x16x64xf32, #tpu.memory_space<hbm>>) target_semaphore(%arg8 : memref<!tpu.dma_semaphore, #tpu.memory_space<semaphore_mem>>)
    %add3A_739 = arith.constant 120 : i32
    %add3A_740 = arith.addi %mul3A_32, %add3A_739 : i32
    %dma_start3A_741 = arith.constant 0 : i32
    %dma_start3A_742 = arith.constant 0 : i32
    %dma_start3A_743 = arith.constant 0 : i32
    %dma_start3A_744 = tpu.memref_slice %arg2[%select_n3A, %add3A_740, %dma_start3A_741, %dma_start3A_742, %dma_start3A_743] : memref<8x1025x3x16x64xf32, #tpu.memory_space<hbm>> -> memref<1x8x3x16x64xf32, #tpu.memory_space<hbm>>
    %dma_start3A_745 = tpu.memref_squeeze %dma_start3A_744 : memref<1x8x3x16x64xf32, #tpu.memory_space<hbm>> -> memref<8x3x16x64xf32, #tpu.memory_space<hbm>>
    %dma_start3A_746 = arith.constant 0 : i32
    %dma_start3A_747 = arith.constant 0 : i32
    %dma_start3A_748 = arith.constant 0 : i32
    %dma_start3A_749 = tpu.memref_slice %arg2[%select_n3A, %add3A_740, %dma_start3A_746, %dma_start3A_747, %dma_start3A_748] : memref<8x1025x3x16x64xf32, #tpu.memory_space<hbm>> -> memref<1x8x3x16x64xf32, #tpu.memory_space<hbm>>
    %dma_start3A_750 = tpu.memref_squeeze %dma_start3A_749 : memref<1x8x3x16x64xf32, #tpu.memory_space<hbm>> -> memref<8x3x16x64xf32, #tpu.memory_space<hbm>>
    tpu.enqueue_dma source(%dma_start3A_750 : memref<8x3x16x64xf32, #tpu.memory_space<hbm>>) target(%arg5 : memref<8x3x16x64xf32, #tpu.memory_space<vmem>>) target_semaphore(%arg7 : memref<!tpu.dma_semaphore, #tpu.memory_space<semaphore_mem>>)
    %add3A_751 = arith.constant 120 : i32
    %add3A_752 = arith.addi %mul3A_32, %add3A_751 : i32
    %dma_wait3A_753 = arith.constant 0 : i32
    %dma_wait3A_754 = arith.constant 0 : i32
    %dma_wait3A_755 = arith.constant 0 : i32
    %dma_wait3A_756 = tpu.memref_slice %arg2[%select_n3A, %add3A_752, %dma_wait3A_753, %dma_wait3A_754, %dma_wait3A_755] : memref<8x1025x3x16x64xf32, #tpu.memory_space<hbm>> -> memref<1x8x3x16x64xf32, #tpu.memory_space<hbm>>
    %dma_wait3A_757 = tpu.memref_squeeze %dma_wait3A_756 : memref<1x8x3x16x64xf32, #tpu.memory_space<hbm>> -> memref<8x3x16x64xf32, #tpu.memory_space<hbm>>
    %dma_wait3A_758 = arith.constant 0 : i32
    %dma_wait3A_759 = arith.constant 0 : i32
    %dma_wait3A_760 = arith.constant 0 : i32
    %dma_wait3A_761 = tpu.memref_slice %arg2[%select_n3A, %add3A_752, %dma_wait3A_758, %dma_wait3A_759, %dma_wait3A_760] : memref<8x1025x3x16x64xf32, #tpu.memory_space<hbm>> -> memref<1x8x3x16x64xf32, #tpu.memory_space<hbm>>
    %dma_wait3A_762 = tpu.memref_squeeze %dma_wait3A_761 : memref<1x8x3x16x64xf32, #tpu.memory_space<hbm>> -> memref<8x3x16x64xf32, #tpu.memory_space<hbm>>
    tpu.wait_dma2 semaphore(%arg7 : memref<!tpu.dma_semaphore, #tpu.memory_space<semaphore_mem>>) src(%dma_wait3A_762 : memref<8x3x16x64xf32, #tpu.memory_space<hbm>>) dst(%arg5 : memref<8x3x16x64xf32, #tpu.memory_space<vmem>>)
    %add3A_763 = arith.constant 112 : i32
    %add3A_764 = arith.addi %mul3A_32, %add3A_763 : i32
    %dma_wait3A_765 = arith.constant 0 : i32
    %dma_wait3A_766 = arith.constant 0 : i32
    %dma_wait3A_767 = arith.constant 0 : i32
    %dma_wait3A_768 = tpu.memref_slice %arg3[%select_n3A, %add3A_764, %dma_wait3A_765, %dma_wait3A_766, %dma_wait3A_767] : memref<8x1025x3x16x64xf32, #tpu.memory_space<hbm>> -> memref<1x8x3x16x64xf32, #tpu.memory_space<hbm>>
    %dma_wait3A_769 = tpu.memref_squeeze %dma_wait3A_768 : memref<1x8x3x16x64xf32, #tpu.memory_space<hbm>> -> memref<8x3x16x64xf32, #tpu.memory_space<hbm>>
    %dma_wait3A_770 = arith.constant 0 : i32
    %dma_wait3A_771 = arith.constant 0 : i32
    %dma_wait3A_772 = arith.constant 0 : i32
    %dma_wait3A_773 = tpu.memref_slice %arg3[%select_n3A, %add3A_764, %dma_wait3A_770, %dma_wait3A_771, %dma_wait3A_772] : memref<8x1025x3x16x64xf32, #tpu.memory_space<hbm>> -> memref<1x8x3x16x64xf32, #tpu.memory_space<hbm>>
    %dma_wait3A_774 = tpu.memref_squeeze %dma_wait3A_773 : memref<1x8x3x16x64xf32, #tpu.memory_space<hbm>> -> memref<8x3x16x64xf32, #tpu.memory_space<hbm>>
    tpu.wait_dma2 semaphore(%arg8 : memref<!tpu.dma_semaphore, #tpu.memory_space<semaphore_mem>>) src(%arg4 : memref<8x3x16x64xf32, #tpu.memory_space<vmem>>) dst(%dma_wait3A_774 : memref<8x3x16x64xf32, #tpu.memory_space<hbm>>)
    %add3A_775 = arith.constant 120 : i32
    %add3A_776 = arith.addi %mul3A_32, %add3A_775 : i32
    %dma_start3A_777 = arith.constant 0 : i32
    %dma_start3A_778 = arith.constant 0 : i32
    %dma_start3A_779 = arith.constant 0 : i32
    %dma_start3A_780 = tpu.memref_slice %arg3[%select_n3A, %add3A_776, %dma_start3A_777, %dma_start3A_778, %dma_start3A_779] : memref<8x1025x3x16x64xf32, #tpu.memory_space<hbm>> -> memref<1x8x3x16x64xf32, #tpu.memory_space<hbm>>
    %dma_start3A_781 = tpu.memref_squeeze %dma_start3A_780 : memref<1x8x3x16x64xf32, #tpu.memory_space<hbm>> -> memref<8x3x16x64xf32, #tpu.memory_space<hbm>>
    %dma_start3A_782 = arith.constant 0 : i32
    %dma_start3A_783 = arith.constant 0 : i32
    %dma_start3A_784 = arith.constant 0 : i32
    %dma_start3A_785 = tpu.memref_slice %arg3[%select_n3A, %add3A_776, %dma_start3A_782, %dma_start3A_783, %dma_start3A_784] : memref<8x1025x3x16x64xf32, #tpu.memory_space<hbm>> -> memref<1x8x3x16x64xf32, #tpu.memory_space<hbm>>
    %dma_start3A_786 = tpu.memref_squeeze %dma_start3A_785 : memref<1x8x3x16x64xf32, #tpu.memory_space<hbm>> -> memref<8x3x16x64xf32, #tpu.memory_space<hbm>>
    tpu.enqueue_dma source(%arg5 : memref<8x3x16x64xf32, #tpu.memory_space<vmem>>) target(%dma_start3A_786 : memref<8x3x16x64xf32, #tpu.memory_space<hbm>>) target_semaphore(%arg9 : memref<!tpu.dma_semaphore, #tpu.memory_space<semaphore_mem>>)
    %add3A_787 = arith.constant 128 : i32
    %add3A_788 = arith.addi %mul3A_32, %add3A_787 : i32
    %dma_start3A_789 = arith.constant 0 : i32
    %dma_start3A_790 = arith.constant 0 : i32
    %dma_start3A_791 = arith.constant 0 : i32
    %dma_start3A_792 = tpu.memref_slice %arg2[%select_n3A, %add3A_788, %dma_start3A_789, %dma_start3A_790, %dma_start3A_791] : memref<8x1025x3x16x64xf32, #tpu.memory_space<hbm>> -> memref<1x8x3x16x64xf32, #tpu.memory_space<hbm>>
    %dma_start3A_793 = tpu.memref_squeeze %dma_start3A_792 : memref<1x8x3x16x64xf32, #tpu.memory_space<hbm>> -> memref<8x3x16x64xf32, #tpu.memory_space<hbm>>
    %dma_start3A_794 = arith.constant 0 : i32
    %dma_start3A_795 = arith.constant 0 : i32
    %dma_start3A_796 = arith.constant 0 : i32
    %dma_start3A_797 = tpu.memref_slice %arg2[%select_n3A, %add3A_788, %dma_start3A_794, %dma_start3A_795, %dma_start3A_796] : memref<8x1025x3x16x64xf32, #tpu.memory_space<hbm>> -> memref<1x8x3x16x64xf32, #tpu.memory_space<hbm>>
    %dma_start3A_798 = tpu.memref_squeeze %dma_start3A_797 : memref<1x8x3x16x64xf32, #tpu.memory_space<hbm>> -> memref<8x3x16x64xf32, #tpu.memory_space<hbm>>
    tpu.enqueue_dma source(%dma_start3A_798 : memref<8x3x16x64xf32, #tpu.memory_space<hbm>>) target(%arg4 : memref<8x3x16x64xf32, #tpu.memory_space<vmem>>) target_semaphore(%arg6 : memref<!tpu.dma_semaphore, #tpu.memory_space<semaphore_mem>>)
    %add3A_799 = arith.constant 128 : i32
    %add3A_800 = arith.addi %mul3A_32, %add3A_799 : i32
    %dma_wait3A_801 = arith.constant 0 : i32
    %dma_wait3A_802 = arith.constant 0 : i32
    %dma_wait3A_803 = arith.constant 0 : i32
    %dma_wait3A_804 = tpu.memref_slice %arg2[%select_n3A, %add3A_800, %dma_wait3A_801, %dma_wait3A_802, %dma_wait3A_803] : memref<8x1025x3x16x64xf32, #tpu.memory_space<hbm>> -> memref<1x8x3x16x64xf32, #tpu.memory_space<hbm>>
    %dma_wait3A_805 = tpu.memref_squeeze %dma_wait3A_804 : memref<1x8x3x16x64xf32, #tpu.memory_space<hbm>> -> memref<8x3x16x64xf32, #tpu.memory_space<hbm>>
    %dma_wait3A_806 = arith.constant 0 : i32
    %dma_wait3A_807 = arith.constant 0 : i32
    %dma_wait3A_808 = arith.constant 0 : i32
    %dma_wait3A_809 = tpu.memref_slice %arg2[%select_n3A, %add3A_800, %dma_wait3A_806, %dma_wait3A_807, %dma_wait3A_808] : memref<8x1025x3x16x64xf32, #tpu.memory_space<hbm>> -> memref<1x8x3x16x64xf32, #tpu.memory_space<hbm>>
    %dma_wait3A_810 = tpu.memref_squeeze %dma_wait3A_809 : memref<1x8x3x16x64xf32, #tpu.memory_space<hbm>> -> memref<8x3x16x64xf32, #tpu.memory_space<hbm>>
    tpu.wait_dma2 semaphore(%arg6 : memref<!tpu.dma_semaphore, #tpu.memory_space<semaphore_mem>>) src(%dma_wait3A_810 : memref<8x3x16x64xf32, #tpu.memory_space<hbm>>) dst(%arg4 : memref<8x3x16x64xf32, #tpu.memory_space<vmem>>)
    %add3A_811 = arith.constant 120 : i32
    %add3A_812 = arith.addi %mul3A_32, %add3A_811 : i32
    %dma_wait3A_813 = arith.constant 0 : i32
    %dma_wait3A_814 = arith.constant 0 : i32
    %dma_wait3A_815 = arith.constant 0 : i32
    %dma_wait3A_816 = tpu.memref_slice %arg3[%select_n3A, %add3A_812, %dma_wait3A_813, %dma_wait3A_814, %dma_wait3A_815] : memref<8x1025x3x16x64xf32, #tpu.memory_space<hbm>> -> memref<1x8x3x16x64xf32, #tpu.memory_space<hbm>>
    %dma_wait3A_817 = tpu.memref_squeeze %dma_wait3A_816 : memref<1x8x3x16x64xf32, #tpu.memory_space<hbm>> -> memref<8x3x16x64xf32, #tpu.memory_space<hbm>>
    %dma_wait3A_818 = arith.constant 0 : i32
    %dma_wait3A_819 = arith.constant 0 : i32
    %dma_wait3A_820 = arith.constant 0 : i32
    %dma_wait3A_821 = tpu.memref_slice %arg3[%select_n3A, %add3A_812, %dma_wait3A_818, %dma_wait3A_819, %dma_wait3A_820] : memref<8x1025x3x16x64xf32, #tpu.memory_space<hbm>> -> memref<1x8x3x16x64xf32, #tpu.memory_space<hbm>>
    %dma_wait3A_822 = tpu.memref_squeeze %dma_wait3A_821 : memref<1x8x3x16x64xf32, #tpu.memory_space<hbm>> -> memref<8x3x16x64xf32, #tpu.memory_space<hbm>>
    tpu.wait_dma2 semaphore(%arg9 : memref<!tpu.dma_semaphore, #tpu.memory_space<semaphore_mem>>) src(%arg5 : memref<8x3x16x64xf32, #tpu.memory_space<vmem>>) dst(%dma_wait3A_822 : memref<8x3x16x64xf32, #tpu.memory_space<hbm>>)
    %add3A_823 = arith.constant 128 : i32
    %add3A_824 = arith.addi %mul3A_32, %add3A_823 : i32
    %dma_start3A_825 = arith.constant 0 : i32
    %dma_start3A_826 = arith.constant 0 : i32
    %dma_start3A_827 = arith.constant 0 : i32
    %dma_start3A_828 = tpu.memref_slice %arg3[%select_n3A, %add3A_824, %dma_start3A_825, %dma_start3A_826, %dma_start3A_827] : memref<8x1025x3x16x64xf32, #tpu.memory_space<hbm>> -> memref<1x8x3x16x64xf32, #tpu.memory_space<hbm>>
    %dma_start3A_829 = tpu.memref_squeeze %dma_start3A_828 : memref<1x8x3x16x64xf32, #tpu.memory_space<hbm>> -> memref<8x3x16x64xf32, #tpu.memory_space<hbm>>
    %dma_start3A_830 = arith.constant 0 : i32
    %dma_start3A_831 = arith.constant 0 : i32
    %dma_start3A_832 = arith.constant 0 : i32
    %dma_start3A_833 = tpu.memref_slice %arg3[%select_n3A, %add3A_824, %dma_start3A_830, %dma_start3A_831, %dma_start3A_832] : memref<8x1025x3x16x64xf32, #tpu.memory_space<hbm>> -> memref<1x8x3x16x64xf32, #tpu.memory_space<hbm>>
    %dma_start3A_834 = tpu.memref_squeeze %dma_start3A_833 : memref<1x8x3x16x64xf32, #tpu.memory_space<hbm>> -> memref<8x3x16x64xf32, #tpu.memory_space<hbm>>
    tpu.enqueue_dma source(%arg4 : memref<8x3x16x64xf32, #tpu.memory_space<vmem>>) target(%dma_start3A_834 : memref<8x3x16x64xf32, #tpu.memory_space<hbm>>) target_semaphore(%arg8 : memref<!tpu.dma_semaphore, #tpu.memory_space<semaphore_mem>>)
    %add3A_835 = arith.constant 136 : i32
    %add3A_836 = arith.addi %mul3A_32, %add3A_835 : i32
    %dma_start3A_837 = arith.constant 0 : i32
    %dma_start3A_838 = arith.constant 0 : i32
    %dma_start3A_839 = arith.constant 0 : i32
    %dma_start3A_840 = tpu.memref_slice %arg2[%select_n3A, %add3A_836, %dma_start3A_837, %dma_start3A_838, %dma_start3A_839] : memref<8x1025x3x16x64xf32, #tpu.memory_space<hbm>> -> memref<1x8x3x16x64xf32, #tpu.memory_space<hbm>>
    %dma_start3A_841 = tpu.memref_squeeze %dma_start3A_840 : memref<1x8x3x16x64xf32, #tpu.memory_space<hbm>> -> memref<8x3x16x64xf32, #tpu.memory_space<hbm>>
    %dma_start3A_842 = arith.constant 0 : i32
    %dma_start3A_843 = arith.constant 0 : i32
    %dma_start3A_844 = arith.constant 0 : i32
    %dma_start3A_845 = tpu.memref_slice %arg2[%select_n3A, %add3A_836, %dma_start3A_842, %dma_start3A_843, %dma_start3A_844] : memref<8x1025x3x16x64xf32, #tpu.memory_space<hbm>> -> memref<1x8x3x16x64xf32, #tpu.memory_space<hbm>>
    %dma_start3A_846 = tpu.memref_squeeze %dma_start3A_845 : memref<1x8x3x16x64xf32, #tpu.memory_space<hbm>> -> memref<8x3x16x64xf32, #tpu.memory_space<hbm>>
    tpu.enqueue_dma source(%dma_start3A_846 : memref<8x3x16x64xf32, #tpu.memory_space<hbm>>) target(%arg5 : memref<8x3x16x64xf32, #tpu.memory_space<vmem>>) target_semaphore(%arg7 : memref<!tpu.dma_semaphore, #tpu.memory_space<semaphore_mem>>)
    %add3A_847 = arith.constant 136 : i32
    %add3A_848 = arith.addi %mul3A_32, %add3A_847 : i32
    %dma_wait3A_849 = arith.constant 0 : i32
    %dma_wait3A_850 = arith.constant 0 : i32
    %dma_wait3A_851 = arith.constant 0 : i32
    %dma_wait3A_852 = tpu.memref_slice %arg2[%select_n3A, %add3A_848, %dma_wait3A_849, %dma_wait3A_850, %dma_wait3A_851] : memref<8x1025x3x16x64xf32, #tpu.memory_space<hbm>> -> memref<1x8x3x16x64xf32, #tpu.memory_space<hbm>>
    %dma_wait3A_853 = tpu.memref_squeeze %dma_wait3A_852 : memref<1x8x3x16x64xf32, #tpu.memory_space<hbm>> -> memref<8x3x16x64xf32, #tpu.memory_space<hbm>>
    %dma_wait3A_854 = arith.constant 0 : i32
    %dma_wait3A_855 = arith.constant 0 : i32
    %dma_wait3A_856 = arith.constant 0 : i32
    %dma_wait3A_857 = tpu.memref_slice %arg2[%select_n3A, %add3A_848, %dma_wait3A_854, %dma_wait3A_855, %dma_wait3A_856] : memref<8x1025x3x16x64xf32, #tpu.memory_space<hbm>> -> memref<1x8x3x16x64xf32, #tpu.memory_space<hbm>>
    %dma_wait3A_858 = tpu.memref_squeeze %dma_wait3A_857 : memref<1x8x3x16x64xf32, #tpu.memory_space<hbm>> -> memref<8x3x16x64xf32, #tpu.memory_space<hbm>>
    tpu.wait_dma2 semaphore(%arg7 : memref<!tpu.dma_semaphore, #tpu.memory_space<semaphore_mem>>) src(%dma_wait3A_858 : memref<8x3x16x64xf32, #tpu.memory_space<hbm>>) dst(%arg5 : memref<8x3x16x64xf32, #tpu.memory_space<vmem>>)
    %add3A_859 = arith.constant 128 : i32
    %add3A_860 = arith.addi %mul3A_32, %add3A_859 : i32
    %dma_wait3A_861 = arith.constant 0 : i32
    %dma_wait3A_862 = arith.constant 0 : i32
    %dma_wait3A_863 = arith.constant 0 : i32
    %dma_wait3A_864 = tpu.memref_slice %arg3[%select_n3A, %add3A_860, %dma_wait3A_861, %dma_wait3A_862, %dma_wait3A_863] : memref<8x1025x3x16x64xf32, #tpu.memory_space<hbm>> -> memref<1x8x3x16x64xf32, #tpu.memory_space<hbm>>
    %dma_wait3A_865 = tpu.memref_squeeze %dma_wait3A_864 : memref<1x8x3x16x64xf32, #tpu.memory_space<hbm>> -> memref<8x3x16x64xf32, #tpu.memory_space<hbm>>
    %dma_wait3A_866 = arith.constant 0 : i32
    %dma_wait3A_867 = arith.constant 0 : i32
    %dma_wait3A_868 = arith.constant 0 : i32
    %dma_wait3A_869 = tpu.memref_slice %arg3[%select_n3A, %add3A_860, %dma_wait3A_866, %dma_wait3A_867, %dma_wait3A_868] : memref<8x1025x3x16x64xf32, #tpu.memory_space<hbm>> -> memref<1x8x3x16x64xf32, #tpu.memory_space<hbm>>
    %dma_wait3A_870 = tpu.memref_squeeze %dma_wait3A_869 : memref<1x8x3x16x64xf32, #tpu.memory_space<hbm>> -> memref<8x3x16x64xf32, #tpu.memory_space<hbm>>
    tpu.wait_dma2 semaphore(%arg8 : memref<!tpu.dma_semaphore, #tpu.memory_space<semaphore_mem>>) src(%arg4 : memref<8x3x16x64xf32, #tpu.memory_space<vmem>>) dst(%dma_wait3A_870 : memref<8x3x16x64xf32, #tpu.memory_space<hbm>>)
    %add3A_871 = arith.constant 136 : i32
    %add3A_872 = arith.addi %mul3A_32, %add3A_871 : i32
    %dma_start3A_873 = arith.constant 0 : i32
    %dma_start3A_874 = arith.constant 0 : i32
    %dma_start3A_875 = arith.constant 0 : i32
    %dma_start3A_876 = tpu.memref_slice %arg3[%select_n3A, %add3A_872, %dma_start3A_873, %dma_start3A_874, %dma_start3A_875] : memref<8x1025x3x16x64xf32, #tpu.memory_space<hbm>> -> memref<1x8x3x16x64xf32, #tpu.memory_space<hbm>>
    %dma_start3A_877 = tpu.memref_squeeze %dma_start3A_876 : memref<1x8x3x16x64xf32, #tpu.memory_space<hbm>> -> memref<8x3x16x64xf32, #tpu.memory_space<hbm>>
    %dma_start3A_878 = arith.constant 0 : i32
    %dma_start3A_879 = arith.constant 0 : i32
    %dma_start3A_880 = arith.constant 0 : i32
    %dma_start3A_881 = tpu.memref_slice %arg3[%select_n3A, %add3A_872, %dma_start3A_878, %dma_start3A_879, %dma_start3A_880] : memref<8x1025x3x16x64xf32, #tpu.memory_space<hbm>> -> memref<1x8x3x16x64xf32, #tpu.memory_space<hbm>>
    %dma_start3A_882 = tpu.memref_squeeze %dma_start3A_881 : memref<1x8x3x16x64xf32, #tpu.memory_space<hbm>> -> memref<8x3x16x64xf32, #tpu.memory_space<hbm>>
    tpu.enqueue_dma source(%arg5 : memref<8x3x16x64xf32, #tpu.memory_space<vmem>>) target(%dma_start3A_882 : memref<8x3x16x64xf32, #tpu.memory_space<hbm>>) target_semaphore(%arg9 : memref<!tpu.dma_semaphore, #tpu.memory_space<semaphore_mem>>)
    %add3A_883 = arith.constant 144 : i32
    %add3A_884 = arith.addi %mul3A_32, %add3A_883 : i32
    %dma_start3A_885 = arith.constant 0 : i32
    %dma_start3A_886 = arith.constant 0 : i32
    %dma_start3A_887 = arith.constant 0 : i32
    %dma_start3A_888 = tpu.memref_slice %arg2[%select_n3A, %add3A_884, %dma_start3A_885, %dma_start3A_886, %dma_start3A_887] : memref<8x1025x3x16x64xf32, #tpu.memory_space<hbm>> -> memref<1x8x3x16x64xf32, #tpu.memory_space<hbm>>
    %dma_start3A_889 = tpu.memref_squeeze %dma_start3A_888 : memref<1x8x3x16x64xf32, #tpu.memory_space<hbm>> -> memref<8x3x16x64xf32, #tpu.memory_space<hbm>>
    %dma_start3A_890 = arith.constant 0 : i32
    %dma_start3A_891 = arith.constant 0 : i32
    %dma_start3A_892 = arith.constant 0 : i32
    %dma_start3A_893 = tpu.memref_slice %arg2[%select_n3A, %add3A_884, %dma_start3A_890, %dma_start3A_891, %dma_start3A_892] : memref<8x1025x3x16x64xf32, #tpu.memory_space<hbm>> -> memref<1x8x3x16x64xf32, #tpu.memory_space<hbm>>
    %dma_start3A_894 = tpu.memref_squeeze %dma_start3A_893 : memref<1x8x3x16x64xf32, #tpu.memory_space<hbm>> -> memref<8x3x16x64xf32, #tpu.memory_space<hbm>>
    tpu.enqueue_dma source(%dma_start3A_894 : memref<8x3x16x64xf32, #tpu.memory_space<hbm>>) target(%arg4 : memref<8x3x16x64xf32, #tpu.memory_space<vmem>>) target_semaphore(%arg6 : memref<!tpu.dma_semaphore, #tpu.memory_space<semaphore_mem>>)
    %add3A_895 = arith.constant 144 : i32
    %add3A_896 = arith.addi %mul3A_32, %add3A_895 : i32
    %dma_wait3A_897 = arith.constant 0 : i32
    %dma_wait3A_898 = arith.constant 0 : i32
    %dma_wait3A_899 = arith.constant 0 : i32
    %dma_wait3A_900 = tpu.memref_slice %arg2[%select_n3A, %add3A_896, %dma_wait3A_897, %dma_wait3A_898, %dma_wait3A_899] : memref<8x1025x3x16x64xf32, #tpu.memory_space<hbm>> -> memref<1x8x3x16x64xf32, #tpu.memory_space<hbm>>
    %dma_wait3A_901 = tpu.memref_squeeze %dma_wait3A_900 : memref<1x8x3x16x64xf32, #tpu.memory_space<hbm>> -> memref<8x3x16x64xf32, #tpu.memory_space<hbm>>
    %dma_wait3A_902 = arith.constant 0 : i32
    %dma_wait3A_903 = arith.constant 0 : i32
    %dma_wait3A_904 = arith.constant 0 : i32
    %dma_wait3A_905 = tpu.memref_slice %arg2[%select_n3A, %add3A_896, %dma_wait3A_902, %dma_wait3A_903, %dma_wait3A_904] : memref<8x1025x3x16x64xf32, #tpu.memory_space<hbm>> -> memref<1x8x3x16x64xf32, #tpu.memory_space<hbm>>
    %dma_wait3A_906 = tpu.memref_squeeze %dma_wait3A_905 : memref<1x8x3x16x64xf32, #tpu.memory_space<hbm>> -> memref<8x3x16x64xf32, #tpu.memory_space<hbm>>
    tpu.wait_dma2 semaphore(%arg6 : memref<!tpu.dma_semaphore, #tpu.memory_space<semaphore_mem>>) src(%dma_wait3A_906 : memref<8x3x16x64xf32, #tpu.memory_space<hbm>>) dst(%arg4 : memref<8x3x16x64xf32, #tpu.memory_space<vmem>>)
    %add3A_907 = arith.constant 136 : i32
    %add3A_908 = arith.addi %mul3A_32, %add3A_907 : i32
    %dma_wait3A_909 = arith.constant 0 : i32
    %dma_wait3A_910 = arith.constant 0 : i32
    %dma_wait3A_911 = arith.constant 0 : i32
    %dma_wait3A_912 = tpu.memref_slice %arg3[%select_n3A, %add3A_908, %dma_wait3A_909, %dma_wait3A_910, %dma_wait3A_911] : memref<8x1025x3x16x64xf32, #tpu.memory_space<hbm>> -> memref<1x8x3x16x64xf32, #tpu.memory_space<hbm>>
    %dma_wait3A_913 = tpu.memref_squeeze %dma_wait3A_912 : memref<1x8x3x16x64xf32, #tpu.memory_space<hbm>> -> memref<8x3x16x64xf32, #tpu.memory_space<hbm>>
    %dma_wait3A_914 = arith.constant 0 : i32
    %dma_wait3A_915 = arith.constant 0 : i32
    %dma_wait3A_916 = arith.constant 0 : i32
    %dma_wait3A_917 = tpu.memref_slice %arg3[%select_n3A, %add3A_908, %dma_wait3A_914, %dma_wait3A_915, %dma_wait3A_916] : memref<8x1025x3x16x64xf32, #tpu.memory_space<hbm>> -> memref<1x8x3x16x64xf32, #tpu.memory_space<hbm>>
    %dma_wait3A_918 = tpu.memref_squeeze %dma_wait3A_917 : memref<1x8x3x16x64xf32, #tpu.memory_space<hbm>> -> memref<8x3x16x64xf32, #tpu.memory_space<hbm>>
    tpu.wait_dma2 semaphore(%arg9 : memref<!tpu.dma_semaphore, #tpu.memory_space<semaphore_mem>>) src(%arg5 : memref<8x3x16x64xf32, #tpu.memory_space<vmem>>) dst(%dma_wait3A_918 : memref<8x3x16x64xf32, #tpu.memory_space<hbm>>)
    %add3A_919 = arith.constant 144 : i32
    %add3A_920 = arith.addi %mul3A_32, %add3A_919 : i32
    %dma_start3A_921 = arith.constant 0 : i32
    %dma_start3A_922 = arith.constant 0 : i32
    %dma_start3A_923 = arith.constant 0 : i32
    %dma_start3A_924 = tpu.memref_slice %arg3[%select_n3A, %add3A_920, %dma_start3A_921, %dma_start3A_922, %dma_start3A_923] : memref<8x1025x3x16x64xf32, #tpu.memory_space<hbm>> -> memref<1x8x3x16x64xf32, #tpu.memory_space<hbm>>
    %dma_start3A_925 = tpu.memref_squeeze %dma_start3A_924 : memref<1x8x3x16x64xf32, #tpu.memory_space<hbm>> -> memref<8x3x16x64xf32, #tpu.memory_space<hbm>>
    %dma_start3A_926 = arith.constant 0 : i32
    %dma_start3A_927 = arith.constant 0 : i32
    %dma_start3A_928 = arith.constant 0 : i32
    %dma_start3A_929 = tpu.memref_slice %arg3[%select_n3A, %add3A_920, %dma_start3A_926, %dma_start3A_927, %dma_start3A_928] : memref<8x1025x3x16x64xf32, #tpu.memory_space<hbm>> -> memref<1x8x3x16x64xf32, #tpu.memory_space<hbm>>
    %dma_start3A_930 = tpu.memref_squeeze %dma_start3A_929 : memref<1x8x3x16x64xf32, #tpu.memory_space<hbm>> -> memref<8x3x16x64xf32, #tpu.memory_space<hbm>>
    tpu.enqueue_dma source(%arg4 : memref<8x3x16x64xf32, #tpu.memory_space<vmem>>) target(%dma_start3A_930 : memref<8x3x16x64xf32, #tpu.memory_space<hbm>>) target_semaphore(%arg8 : memref<!tpu.dma_semaphore, #tpu.memory_space<semaphore_mem>>)
    %add3A_931 = arith.constant 152 : i32
    %add3A_932 = arith.addi %mul3A_32, %add3A_931 : i32
    %dma_start3A_933 = arith.constant 0 : i32
    %dma_start3A_934 = arith.constant 0 : i32
    %dma_start3A_935 = arith.constant 0 : i32
    %dma_start3A_936 = tpu.memref_slice %arg2[%select_n3A, %add3A_932, %dma_start3A_933, %dma_start3A_934, %dma_start3A_935] : memref<8x1025x3x16x64xf32, #tpu.memory_space<hbm>> -> memref<1x8x3x16x64xf32, #tpu.memory_space<hbm>>
    %dma_start3A_937 = tpu.memref_squeeze %dma_start3A_936 : memref<1x8x3x16x64xf32, #tpu.memory_space<hbm>> -> memref<8x3x16x64xf32, #tpu.memory_space<hbm>>
    %dma_start3A_938 = arith.constant 0 : i32
    %dma_start3A_939 = arith.constant 0 : i32
    %dma_start3A_940 = arith.constant 0 : i32
    %dma_start3A_941 = tpu.memref_slice %arg2[%select_n3A, %add3A_932, %dma_start3A_938, %dma_start3A_939, %dma_start3A_940] : memref<8x1025x3x16x64xf32, #tpu.memory_space<hbm>> -> memref<1x8x3x16x64xf32, #tpu.memory_space<hbm>>
    %dma_start3A_942 = tpu.memref_squeeze %dma_start3A_941 : memref<1x8x3x16x64xf32, #tpu.memory_space<hbm>> -> memref<8x3x16x64xf32, #tpu.memory_space<hbm>>
    tpu.enqueue_dma source(%dma_start3A_942 : memref<8x3x16x64xf32, #tpu.memory_space<hbm>>) target(%arg5 : memref<8x3x16x64xf32, #tpu.memory_space<vmem>>) target_semaphore(%arg7 : memref<!tpu.dma_semaphore, #tpu.memory_space<semaphore_mem>>)
    %add3A_943 = arith.constant 152 : i32
    %add3A_944 = arith.addi %mul3A_32, %add3A_943 : i32
    %dma_wait3A_945 = arith.constant 0 : i32
    %dma_wait3A_946 = arith.constant 0 : i32
    %dma_wait3A_947 = arith.constant 0 : i32
    %dma_wait3A_948 = tpu.memref_slice %arg2[%select_n3A, %add3A_944, %dma_wait3A_945, %dma_wait3A_946, %dma_wait3A_947] : memref<8x1025x3x16x64xf32, #tpu.memory_space<hbm>> -> memref<1x8x3x16x64xf32, #tpu.memory_space<hbm>>
    %dma_wait3A_949 = tpu.memref_squeeze %dma_wait3A_948 : memref<1x8x3x16x64xf32, #tpu.memory_space<hbm>> -> memref<8x3x16x64xf32, #tpu.memory_space<hbm>>
    %dma_wait3A_950 = arith.constant 0 : i32
    %dma_wait3A_951 = arith.constant 0 : i32
    %dma_wait3A_952 = arith.constant 0 : i32
    %dma_wait3A_953 = tpu.memref_slice %arg2[%select_n3A, %add3A_944, %dma_wait3A_950, %dma_wait3A_951, %dma_wait3A_952] : memref<8x1025x3x16x64xf32, #tpu.memory_space<hbm>> -> memref<1x8x3x16x64xf32, #tpu.memory_space<hbm>>
    %dma_wait3A_954 = tpu.memref_squeeze %dma_wait3A_953 : memref<1x8x3x16x64xf32, #tpu.memory_space<hbm>> -> memref<8x3x16x64xf32, #tpu.memory_space<hbm>>
    tpu.wait_dma2 semaphore(%arg7 : memref<!tpu.dma_semaphore, #tpu.memory_space<semaphore_mem>>) src(%dma_wait3A_954 : memref<8x3x16x64xf32, #tpu.memory_space<hbm>>) dst(%arg5 : memref<8x3x16x64xf32, #tpu.memory_space<vmem>>)
    %add3A_955 = arith.constant 144 : i32
    %add3A_956 = arith.addi %mul3A_32, %add3A_955 : i32
    %dma_wait3A_957 = arith.constant 0 : i32
    %dma_wait3A_958 = arith.constant 0 : i32
    %dma_wait3A_959 = arith.constant 0 : i32
    %dma_wait3A_960 = tpu.memref_slice %arg3[%select_n3A, %add3A_956, %dma_wait3A_957, %dma_wait3A_958, %dma_wait3A_959] : memref<8x1025x3x16x64xf32, #tpu.memory_space<hbm>> -> memref<1x8x3x16x64xf32, #tpu.memory_space<hbm>>
    %dma_wait3A_961 = tpu.memref_squeeze %dma_wait3A_960 : memref<1x8x3x16x64xf32, #tpu.memory_space<hbm>> -> memref<8x3x16x64xf32, #tpu.memory_space<hbm>>
    %dma_wait3A_962 = arith.constant 0 : i32
    %dma_wait3A_963 = arith.constant 0 : i32
    %dma_wait3A_964 = arith.constant 0 : i32
    %dma_wait3A_965 = tpu.memref_slice %arg3[%select_n3A, %add3A_956, %dma_wait3A_962, %dma_wait3A_963, %dma_wait3A_964] : memref<8x1025x3x16x64xf32, #tpu.memory_space<hbm>> -> memref<1x8x3x16x64xf32, #tpu.memory_space<hbm>>
    %dma_wait3A_966 = tpu.memref_squeeze %dma_wait3A_965 : memref<1x8x3x16x64xf32, #tpu.memory_space<hbm>> -> memref<8x3x16x64xf32, #tpu.memory_space<hbm>>
    tpu.wait_dma2 semaphore(%arg8 : memref<!tpu.dma_semaphore, #tpu.memory_space<semaphore_mem>>) src(%arg4 : memref<8x3x16x64xf32, #tpu.memory_space<vmem>>) dst(%dma_wait3A_966 : memref<8x3x16x64xf32, #tpu.memory_space<hbm>>)
    %add3A_967 = arith.constant 152 : i32
    %add3A_968 = arith.addi %mul3A_32, %add3A_967 : i32
    %dma_start3A_969 = arith.constant 0 : i32
    %dma_start3A_970 = arith.constant 0 : i32
    %dma_start3A_971 = arith.constant 0 : i32
    %dma_start3A_972 = tpu.memref_slice %arg3[%select_n3A, %add3A_968, %dma_start3A_969, %dma_start3A_970, %dma_start3A_971] : memref<8x1025x3x16x64xf32, #tpu.memory_space<hbm>> -> memref<1x8x3x16x64xf32, #tpu.memory_space<hbm>>
    %dma_start3A_973 = tpu.memref_squeeze %dma_start3A_972 : memref<1x8x3x16x64xf32, #tpu.memory_space<hbm>> -> memref<8x3x16x64xf32, #tpu.memory_space<hbm>>
    %dma_start3A_974 = arith.constant 0 : i32
    %dma_start3A_975 = arith.constant 0 : i32
    %dma_start3A_976 = arith.constant 0 : i32
    %dma_start3A_977 = tpu.memref_slice %arg3[%select_n3A, %add3A_968, %dma_start3A_974, %dma_start3A_975, %dma_start3A_976] : memref<8x1025x3x16x64xf32, #tpu.memory_space<hbm>> -> memref<1x8x3x16x64xf32, #tpu.memory_space<hbm>>
    %dma_start3A_978 = tpu.memref_squeeze %dma_start3A_977 : memref<1x8x3x16x64xf32, #tpu.memory_space<hbm>> -> memref<8x3x16x64xf32, #tpu.memory_space<hbm>>
    tpu.enqueue_dma source(%arg5 : memref<8x3x16x64xf32, #tpu.memory_space<vmem>>) target(%dma_start3A_978 : memref<8x3x16x64xf32, #tpu.memory_space<hbm>>) target_semaphore(%arg9 : memref<!tpu.dma_semaphore, #tpu.memory_space<semaphore_mem>>)
    %add3A_979 = arith.constant 160 : i32
    %add3A_980 = arith.addi %mul3A_32, %add3A_979 : i32
    %dma_start3A_981 = arith.constant 0 : i32
    %dma_start3A_982 = arith.constant 0 : i32
    %dma_start3A_983 = arith.constant 0 : i32
    %dma_start3A_984 = tpu.memref_slice %arg2[%select_n3A, %add3A_980, %dma_start3A_981, %dma_start3A_982, %dma_start3A_983] : memref<8x1025x3x16x64xf32, #tpu.memory_space<hbm>> -> memref<1x8x3x16x64xf32, #tpu.memory_space<hbm>>
    %dma_start3A_985 = tpu.memref_squeeze %dma_start3A_984 : memref<1x8x3x16x64xf32, #tpu.memory_space<hbm>> -> memref<8x3x16x64xf32, #tpu.memory_space<hbm>>
    %dma_start3A_986 = arith.constant 0 : i32
    %dma_start3A_987 = arith.constant 0 : i32
    %dma_start3A_988 = arith.constant 0 : i32
    %dma_start3A_989 = tpu.memref_slice %arg2[%select_n3A, %add3A_980, %dma_start3A_986, %dma_start3A_987, %dma_start3A_988] : memref<8x1025x3x16x64xf32, #tpu.memory_space<hbm>> -> memref<1x8x3x16x64xf32, #tpu.memory_space<hbm>>
    %dma_start3A_990 = tpu.memref_squeeze %dma_start3A_989 : memref<1x8x3x16x64xf32, #tpu.memory_space<hbm>> -> memref<8x3x16x64xf32, #tpu.memory_space<hbm>>
    tpu.enqueue_dma source(%dma_start3A_990 : memref<8x3x16x64xf32, #tpu.memory_space<hbm>>) target(%arg4 : memref<8x3x16x64xf32, #tpu.memory_space<vmem>>) target_semaphore(%arg6 : memref<!tpu.dma_semaphore, #tpu.memory_space<semaphore_mem>>)
    %add3A_991 = arith.constant 160 : i32
    %add3A_992 = arith.addi %mul3A_32, %add3A_991 : i32
    %dma_wait3A_993 = arith.constant 0 : i32
    %dma_wait3A_994 = arith.constant 0 : i32
    %dma_wait3A_995 = arith.constant 0 : i32
    %dma_wait3A_996 = tpu.memref_slice %arg2[%select_n3A, %add3A_992, %dma_wait3A_993, %dma_wait3A_994, %dma_wait3A_995] : memref<8x1025x3x16x64xf32, #tpu.memory_space<hbm>> -> memref<1x8x3x16x64xf32, #tpu.memory_space<hbm>>
    %dma_wait3A_997 = tpu.memref_squeeze %dma_wait3A_996 : memref<1x8x3x16x64xf32, #tpu.memory_space<hbm>> -> memref<8x3x16x64xf32, #tpu.memory_space<hbm>>
    %dma_wait3A_998 = arith.constant 0 : i32
    %dma_wait3A_999 = arith.constant 0 : i32
    %dma_wait3A_1000 = arith.constant 0 : i32
    %dma_wait3A_1001 = tpu.memref_slice %arg2[%select_n3A, %add3A_992, %dma_wait3A_998, %dma_wait3A_999, %dma_wait3A_1000] : memref<8x1025x3x16x64xf32, #tpu.memory_space<hbm>> -> memref<1x8x3x16x64xf32, #tpu.memory_space<hbm>>
    %dma_wait3A_1002 = tpu.memref_squeeze %dma_wait3A_1001 : memref<1x8x3x16x64xf32, #tpu.memory_space<hbm>> -> memref<8x3x16x64xf32, #tpu.memory_space<hbm>>
    tpu.wait_dma2 semaphore(%arg6 : memref<!tpu.dma_semaphore, #tpu.memory_space<semaphore_mem>>) src(%dma_wait3A_1002 : memref<8x3x16x64xf32, #tpu.memory_space<hbm>>) dst(%arg4 : memref<8x3x16x64xf32, #tpu.memory_space<vmem>>)
    %add3A_1003 = arith.constant 152 : i32
    %add3A_1004 = arith.addi %mul3A_32, %add3A_1003 : i32
    %dma_wait3A_1005 = arith.constant 0 : i32
    %dma_wait3A_1006 = arith.constant 0 : i32
    %dma_wait3A_1007 = arith.constant 0 : i32
    %dma_wait3A_1008 = tpu.memref_slice %arg3[%select_n3A, %add3A_1004, %dma_wait3A_1005, %dma_wait3A_1006, %dma_wait3A_1007] : memref<8x1025x3x16x64xf32, #tpu.memory_space<hbm>> -> memref<1x8x3x16x64xf32, #tpu.memory_space<hbm>>
    %dma_wait3A_1009 = tpu.memref_squeeze %dma_wait3A_1008 : memref<1x8x3x16x64xf32, #tpu.memory_space<hbm>> -> memref<8x3x16x64xf32, #tpu.memory_space<hbm>>
    %dma_wait3A_1010 = arith.constant 0 : i32
    %dma_wait3A_1011 = arith.constant 0 : i32
    %dma_wait3A_1012 = arith.constant 0 : i32
    %dma_wait3A_1013 = tpu.memref_slice %arg3[%select_n3A, %add3A_1004, %dma_wait3A_1010, %dma_wait3A_1011, %dma_wait3A_1012] : memref<8x1025x3x16x64xf32, #tpu.memory_space<hbm>> -> memref<1x8x3x16x64xf32, #tpu.memory_space<hbm>>
    %dma_wait3A_1014 = tpu.memref_squeeze %dma_wait3A_1013 : memref<1x8x3x16x64xf32, #tpu.memory_space<hbm>> -> memref<8x3x16x64xf32, #tpu.memory_space<hbm>>
    tpu.wait_dma2 semaphore(%arg9 : memref<!tpu.dma_semaphore, #tpu.memory_space<semaphore_mem>>) src(%arg5 : memref<8x3x16x64xf32, #tpu.memory_space<vmem>>) dst(%dma_wait3A_1014 : memref<8x3x16x64xf32, #tpu.memory_space<hbm>>)
    %add3A_1015 = arith.constant 160 : i32
    %add3A_1016 = arith.addi %mul3A_32, %add3A_1015 : i32
    %dma_start3A_1017 = arith.constant 0 : i32
    %dma_start3A_1018 = arith.constant 0 : i32
    %dma_start3A_1019 = arith.constant 0 : i32
    %dma_start3A_1020 = tpu.memref_slice %arg3[%select_n3A, %add3A_1016, %dma_start3A_1017, %dma_start3A_1018, %dma_start3A_1019] : memref<8x1025x3x16x64xf32, #tpu.memory_space<hbm>> -> memref<1x8x3x16x64xf32, #tpu.memory_space<hbm>>
    %dma_start3A_1021 = tpu.memref_squeeze %dma_start3A_1020 : memref<1x8x3x16x64xf32, #tpu.memory_space<hbm>> -> memref<8x3x16x64xf32, #tpu.memory_space<hbm>>
    %dma_start3A_1022 = arith.constant 0 : i32
    %dma_start3A_1023 = arith.constant 0 : i32
    %dma_start3A_1024 = arith.constant 0 : i32
    %dma_start3A_1025 = tpu.memref_slice %arg3[%select_n3A, %add3A_1016, %dma_start3A_1022, %dma_start3A_1023, %dma_start3A_1024] : memref<8x1025x3x16x64xf32, #tpu.memory_space<hbm>> -> memref<1x8x3x16x64xf32, #tpu.memory_space<hbm>>
    %dma_start3A_1026 = tpu.memref_squeeze %dma_start3A_1025 : memref<1x8x3x16x64xf32, #tpu.memory_space<hbm>> -> memref<8x3x16x64xf32, #tpu.memory_space<hbm>>
    tpu.enqueue_dma source(%arg4 : memref<8x3x16x64xf32, #tpu.memory_space<vmem>>) target(%dma_start3A_1026 : memref<8x3x16x64xf32, #tpu.memory_space<hbm>>) target_semaphore(%arg8 : memref<!tpu.dma_semaphore, #tpu.memory_space<semaphore_mem>>)
    %add3A_1027 = arith.constant 168 : i32
    %add3A_1028 = arith.addi %mul3A_32, %add3A_1027 : i32
    %dma_start3A_1029 = arith.constant 0 : i32
    %dma_start3A_1030 = arith.constant 0 : i32
    %dma_start3A_1031 = arith.constant 0 : i32
    %dma_start3A_1032 = tpu.memref_slice %arg2[%select_n3A, %add3A_1028, %dma_start3A_1029, %dma_start3A_1030, %dma_start3A_1031] : memref<8x1025x3x16x64xf32, #tpu.memory_space<hbm>> -> memref<1x8x3x16x64xf32, #tpu.memory_space<hbm>>
    %dma_start3A_1033 = tpu.memref_squeeze %dma_start3A_1032 : memref<1x8x3x16x64xf32, #tpu.memory_space<hbm>> -> memref<8x3x16x64xf32, #tpu.memory_space<hbm>>
    %dma_start3A_1034 = arith.constant 0 : i32
    %dma_start3A_1035 = arith.constant 0 : i32
    %dma_start3A_1036 = arith.constant 0 : i32
    %dma_start3A_1037 = tpu.memref_slice %arg2[%select_n3A, %add3A_1028, %dma_start3A_1034, %dma_start3A_1035, %dma_start3A_1036] : memref<8x1025x3x16x64xf32, #tpu.memory_space<hbm>> -> memref<1x8x3x16x64xf32, #tpu.memory_space<hbm>>
    %dma_start3A_1038 = tpu.memref_squeeze %dma_start3A_1037 : memref<1x8x3x16x64xf32, #tpu.memory_space<hbm>> -> memref<8x3x16x64xf32, #tpu.memory_space<hbm>>
    tpu.enqueue_dma source(%dma_start3A_1038 : memref<8x3x16x64xf32, #tpu.memory_space<hbm>>) target(%arg5 : memref<8x3x16x64xf32, #tpu.memory_space<vmem>>) target_semaphore(%arg7 : memref<!tpu.dma_semaphore, #tpu.memory_space<semaphore_mem>>)
    %add3A_1039 = arith.constant 168 : i32
    %add3A_1040 = arith.addi %mul3A_32, %add3A_1039 : i32
    %dma_wait3A_1041 = arith.constant 0 : i32
    %dma_wait3A_1042 = arith.constant 0 : i32
    %dma_wait3A_1043 = arith.constant 0 : i32
    %dma_wait3A_1044 = tpu.memref_slice %arg2[%select_n3A, %add3A_1040, %dma_wait3A_1041, %dma_wait3A_1042, %dma_wait3A_1043] : memref<8x1025x3x16x64xf32, #tpu.memory_space<hbm>> -> memref<1x8x3x16x64xf32, #tpu.memory_space<hbm>>
    %dma_wait3A_1045 = tpu.memref_squeeze %dma_wait3A_1044 : memref<1x8x3x16x64xf32, #tpu.memory_space<hbm>> -> memref<8x3x16x64xf32, #tpu.memory_space<hbm>>
    %dma_wait3A_1046 = arith.constant 0 : i32
    %dma_wait3A_1047 = arith.constant 0 : i32
    %dma_wait3A_1048 = arith.constant 0 : i32
    %dma_wait3A_1049 = tpu.memref_slice %arg2[%select_n3A, %add3A_1040, %dma_wait3A_1046, %dma_wait3A_1047, %dma_wait3A_1048] : memref<8x1025x3x16x64xf32, #tpu.memory_space<hbm>> -> memref<1x8x3x16x64xf32, #tpu.memory_space<hbm>>
    %dma_wait3A_1050 = tpu.memref_squeeze %dma_wait3A_1049 : memref<1x8x3x16x64xf32, #tpu.memory_space<hbm>> -> memref<8x3x16x64xf32, #tpu.memory_space<hbm>>
    tpu.wait_dma2 semaphore(%arg7 : memref<!tpu.dma_semaphore, #tpu.memory_space<semaphore_mem>>) src(%dma_wait3A_1050 : memref<8x3x16x64xf32, #tpu.memory_space<hbm>>) dst(%arg5 : memref<8x3x16x64xf32, #tpu.memory_space<vmem>>)
    %add3A_1051 = arith.constant 160 : i32
    %add3A_1052 = arith.addi %mul3A_32, %add3A_1051 : i32
    %dma_wait3A_1053 = arith.constant 0 : i32
    %dma_wait3A_1054 = arith.constant 0 : i32
    %dma_wait3A_1055 = arith.constant 0 : i32
    %dma_wait3A_1056 = tpu.memref_slice %arg3[%select_n3A, %add3A_1052, %dma_wait3A_1053, %dma_wait3A_1054, %dma_wait3A_1055] : memref<8x1025x3x16x64xf32, #tpu.memory_space<hbm>> -> memref<1x8x3x16x64xf32, #tpu.memory_space<hbm>>
    %dma_wait3A_1057 = tpu.memref_squeeze %dma_wait3A_1056 : memref<1x8x3x16x64xf32, #tpu.memory_space<hbm>> -> memref<8x3x16x64xf32, #tpu.memory_space<hbm>>
    %dma_wait3A_1058 = arith.constant 0 : i32
    %dma_wait3A_1059 = arith.constant 0 : i32
    %dma_wait3A_1060 = arith.constant 0 : i32
    %dma_wait3A_1061 = tpu.memref_slice %arg3[%select_n3A, %add3A_1052, %dma_wait3A_1058, %dma_wait3A_1059, %dma_wait3A_1060] : memref<8x1025x3x16x64xf32, #tpu.memory_space<hbm>> -> memref<1x8x3x16x64xf32, #tpu.memory_space<hbm>>
    %dma_wait3A_1062 = tpu.memref_squeeze %dma_wait3A_1061 : memref<1x8x3x16x64xf32, #tpu.memory_space<hbm>> -> memref<8x3x16x64xf32, #tpu.memory_space<hbm>>
    tpu.wait_dma2 semaphore(%arg8 : memref<!tpu.dma_semaphore, #tpu.memory_space<semaphore_mem>>) src(%arg4 : memref<8x3x16x64xf32, #tpu.memory_space<vmem>>) dst(%dma_wait3A_1062 : memref<8x3x16x64xf32, #tpu.memory_space<hbm>>)
    %add3A_1063 = arith.constant 168 : i32
    %add3A_1064 = arith.addi %mul3A_32, %add3A_1063 : i32
    %dma_start3A_1065 = arith.constant 0 : i32
    %dma_start3A_1066 = arith.constant 0 : i32
    %dma_start3A_1067 = arith.constant 0 : i32
    %dma_start3A_1068 = tpu.memref_slice %arg3[%select_n3A, %add3A_1064, %dma_start3A_1065, %dma_start3A_1066, %dma_start3A_1067] : memref<8x1025x3x16x64xf32, #tpu.memory_space<hbm>> -> memref<1x8x3x16x64xf32, #tpu.memory_space<hbm>>
    %dma_start3A_1069 = tpu.memref_squeeze %dma_start3A_1068 : memref<1x8x3x16x64xf32, #tpu.memory_space<hbm>> -> memref<8x3x16x64xf32, #tpu.memory_space<hbm>>
    %dma_start3A_1070 = arith.constant 0 : i32
    %dma_start3A_1071 = arith.constant 0 : i32
    %dma_start3A_1072 = arith.constant 0 : i32
    %dma_start3A_1073 = tpu.memref_slice %arg3[%select_n3A, %add3A_1064, %dma_start3A_1070, %dma_start3A_1071, %dma_start3A_1072] : memref<8x1025x3x16x64xf32, #tpu.memory_space<hbm>> -> memref<1x8x3x16x64xf32, #tpu.memory_space<hbm>>
    %dma_start3A_1074 = tpu.memref_squeeze %dma_start3A_1073 : memref<1x8x3x16x64xf32, #tpu.memory_space<hbm>> -> memref<8x3x16x64xf32, #tpu.memory_space<hbm>>
    tpu.enqueue_dma source(%arg5 : memref<8x3x16x64xf32, #tpu.memory_space<vmem>>) target(%dma_start3A_1074 : memref<8x3x16x64xf32, #tpu.memory_space<hbm>>) target_semaphore(%arg9 : memref<!tpu.dma_semaphore, #tpu.memory_space<semaphore_mem>>)
    %add3A_1075 = arith.constant 176 : i32
    %add3A_1076 = arith.addi %mul3A_32, %add3A_1075 : i32
    %dma_start3A_1077 = arith.constant 0 : i32
    %dma_start3A_1078 = arith.constant 0 : i32
    %dma_start3A_1079 = arith.constant 0 : i32
    %dma_start3A_1080 = tpu.memref_slice %arg2[%select_n3A, %add3A_1076, %dma_start3A_1077, %dma_start3A_1078, %dma_start3A_1079] : memref<8x1025x3x16x64xf32, #tpu.memory_space<hbm>> -> memref<1x8x3x16x64xf32, #tpu.memory_space<hbm>>
    %dma_start3A_1081 = tpu.memref_squeeze %dma_start3A_1080 : memref<1x8x3x16x64xf32, #tpu.memory_space<hbm>> -> memref<8x3x16x64xf32, #tpu.memory_space<hbm>>
    %dma_start3A_1082 = arith.constant 0 : i32
    %dma_start3A_1083 = arith.constant 0 : i32
    %dma_start3A_1084 = arith.constant 0 : i32
    %dma_start3A_1085 = tpu.memref_slice %arg2[%select_n3A, %add3A_1076, %dma_start3A_1082, %dma_start3A_1083, %dma_start3A_1084] : memref<8x1025x3x16x64xf32, #tpu.memory_space<hbm>> -> memref<1x8x3x16x64xf32, #tpu.memory_space<hbm>>
    %dma_start3A_1086 = tpu.memref_squeeze %dma_start3A_1085 : memref<1x8x3x16x64xf32, #tpu.memory_space<hbm>> -> memref<8x3x16x64xf32, #tpu.memory_space<hbm>>
    tpu.enqueue_dma source(%dma_start3A_1086 : memref<8x3x16x64xf32, #tpu.memory_space<hbm>>) target(%arg4 : memref<8x3x16x64xf32, #tpu.memory_space<vmem>>) target_semaphore(%arg6 : memref<!tpu.dma_semaphore, #tpu.memory_space<semaphore_mem>>)
    %add3A_1087 = arith.constant 176 : i32
    %add3A_1088 = arith.addi %mul3A_32, %add3A_1087 : i32
    %dma_wait3A_1089 = arith.constant 0 : i32
    %dma_wait3A_1090 = arith.constant 0 : i32
    %dma_wait3A_1091 = arith.constant 0 : i32
    %dma_wait3A_1092 = tpu.memref_slice %arg2[%select_n3A, %add3A_1088, %dma_wait3A_1089, %dma_wait3A_1090, %dma_wait3A_1091] : memref<8x1025x3x16x64xf32, #tpu.memory_space<hbm>> -> memref<1x8x3x16x64xf32, #tpu.memory_space<hbm>>
    %dma_wait3A_1093 = tpu.memref_squeeze %dma_wait3A_1092 : memref<1x8x3x16x64xf32, #tpu.memory_space<hbm>> -> memref<8x3x16x64xf32, #tpu.memory_space<hbm>>
    %dma_wait3A_1094 = arith.constant 0 : i32
    %dma_wait3A_1095 = arith.constant 0 : i32
    %dma_wait3A_1096 = arith.constant 0 : i32
    %dma_wait3A_1097 = tpu.memref_slice %arg2[%select_n3A, %add3A_1088, %dma_wait3A_1094, %dma_wait3A_1095, %dma_wait3A_1096] : memref<8x1025x3x16x64xf32, #tpu.memory_space<hbm>> -> memref<1x8x3x16x64xf32, #tpu.memory_space<hbm>>
    %dma_wait3A_1098 = tpu.memref_squeeze %dma_wait3A_1097 : memref<1x8x3x16x64xf32, #tpu.memory_space<hbm>> -> memref<8x3x16x64xf32, #tpu.memory_space<hbm>>
    tpu.wait_dma2 semaphore(%arg6 : memref<!tpu.dma_semaphore, #tpu.memory_space<semaphore_mem>>) src(%dma_wait3A_1098 : memref<8x3x16x64xf32, #tpu.memory_space<hbm>>) dst(%arg4 : memref<8x3x16x64xf32, #tpu.memory_space<vmem>>)
    %add3A_1099 = arith.constant 168 : i32
    %add3A_1100 = arith.addi %mul3A_32, %add3A_1099 : i32
    %dma_wait3A_1101 = arith.constant 0 : i32
    %dma_wait3A_1102 = arith.constant 0 : i32
    %dma_wait3A_1103 = arith.constant 0 : i32
    %dma_wait3A_1104 = tpu.memref_slice %arg3[%select_n3A, %add3A_1100, %dma_wait3A_1101, %dma_wait3A_1102, %dma_wait3A_1103] : memref<8x1025x3x16x64xf32, #tpu.memory_space<hbm>> -> memref<1x8x3x16x64xf32, #tpu.memory_space<hbm>>
    %dma_wait3A_1105 = tpu.memref_squeeze %dma_wait3A_1104 : memref<1x8x3x16x64xf32, #tpu.memory_space<hbm>> -> memref<8x3x16x64xf32, #tpu.memory_space<hbm>>
    %dma_wait3A_1106 = arith.constant 0 : i32
    %dma_wait3A_1107 = arith.constant 0 : i32
    %dma_wait3A_1108 = arith.constant 0 : i32
    %dma_wait3A_1109 = tpu.memref_slice %arg3[%select_n3A, %add3A_1100, %dma_wait3A_1106, %dma_wait3A_1107, %dma_wait3A_1108] : memref<8x1025x3x16x64xf32, #tpu.memory_space<hbm>> -> memref<1x8x3x16x64xf32, #tpu.memory_space<hbm>>
    %dma_wait3A_1110 = tpu.memref_squeeze %dma_wait3A_1109 : memref<1x8x3x16x64xf32, #tpu.memory_space<hbm>> -> memref<8x3x16x64xf32, #tpu.memory_space<hbm>>
    tpu.wait_dma2 semaphore(%arg9 : memref<!tpu.dma_semaphore, #tpu.memory_space<semaphore_mem>>) src(%arg5 : memref<8x3x16x64xf32, #tpu.memory_space<vmem>>) dst(%dma_wait3A_1110 : memref<8x3x16x64xf32, #tpu.memory_space<hbm>>)
    %add3A_1111 = arith.constant 176 : i32
    %add3A_1112 = arith.addi %mul3A_32, %add3A_1111 : i32
    %dma_start3A_1113 = arith.constant 0 : i32
    %dma_start3A_1114 = arith.constant 0 : i32
    %dma_start3A_1115 = arith.constant 0 : i32
    %dma_start3A_1116 = tpu.memref_slice %arg3[%select_n3A, %add3A_1112, %dma_start3A_1113, %dma_start3A_1114, %dma_start3A_1115] : memref<8x1025x3x16x64xf32, #tpu.memory_space<hbm>> -> memref<1x8x3x16x64xf32, #tpu.memory_space<hbm>>
    %dma_start3A_1117 = tpu.memref_squeeze %dma_start3A_1116 : memref<1x8x3x16x64xf32, #tpu.memory_space<hbm>> -> memref<8x3x16x64xf32, #tpu.memory_space<hbm>>
    %dma_start3A_1118 = arith.constant 0 : i32
    %dma_start3A_1119 = arith.constant 0 : i32
    %dma_start3A_1120 = arith.constant 0 : i32
    %dma_start3A_1121 = tpu.memref_slice %arg3[%select_n3A, %add3A_1112, %dma_start3A_1118, %dma_start3A_1119, %dma_start3A_1120] : memref<8x1025x3x16x64xf32, #tpu.memory_space<hbm>> -> memref<1x8x3x16x64xf32, #tpu.memory_space<hbm>>
    %dma_start3A_1122 = tpu.memref_squeeze %dma_start3A_1121 : memref<1x8x3x16x64xf32, #tpu.memory_space<hbm>> -> memref<8x3x16x64xf32, #tpu.memory_space<hbm>>
    tpu.enqueue_dma source(%arg4 : memref<8x3x16x64xf32, #tpu.memory_space<vmem>>) target(%dma_start3A_1122 : memref<8x3x16x64xf32, #tpu.memory_space<hbm>>) target_semaphore(%arg8 : memref<!tpu.dma_semaphore, #tpu.memory_space<semaphore_mem>>)
    %add3A_1123 = arith.constant 184 : i32
    %add3A_1124 = arith.addi %mul3A_32, %add3A_1123 : i32
    %dma_start3A_1125 = arith.constant 0 : i32
    %dma_start3A_1126 = arith.constant 0 : i32
    %dma_start3A_1127 = arith.constant 0 : i32
    %dma_start3A_1128 = tpu.memref_slice %arg2[%select_n3A, %add3A_1124, %dma_start3A_1125, %dma_start3A_1126, %dma_start3A_1127] : memref<8x1025x3x16x64xf32, #tpu.memory_space<hbm>> -> memref<1x8x3x16x64xf32, #tpu.memory_space<hbm>>
    %dma_start3A_1129 = tpu.memref_squeeze %dma_start3A_1128 : memref<1x8x3x16x64xf32, #tpu.memory_space<hbm>> -> memref<8x3x16x64xf32, #tpu.memory_space<hbm>>
    %dma_start3A_1130 = arith.constant 0 : i32
    %dma_start3A_1131 = arith.constant 0 : i32
    %dma_start3A_1132 = arith.constant 0 : i32
    %dma_start3A_1133 = tpu.memref_slice %arg2[%select_n3A, %add3A_1124, %dma_start3A_1130, %dma_start3A_1131, %dma_start3A_1132] : memref<8x1025x3x16x64xf32, #tpu.memory_space<hbm>> -> memref<1x8x3x16x64xf32, #tpu.memory_space<hbm>>
    %dma_start3A_1134 = tpu.memref_squeeze %dma_start3A_1133 : memref<1x8x3x16x64xf32, #tpu.memory_space<hbm>> -> memref<8x3x16x64xf32, #tpu.memory_space<hbm>>
    tpu.enqueue_dma source(%dma_start3A_1134 : memref<8x3x16x64xf32, #tpu.memory_space<hbm>>) target(%arg5 : memref<8x3x16x64xf32, #tpu.memory_space<vmem>>) target_semaphore(%arg7 : memref<!tpu.dma_semaphore, #tpu.memory_space<semaphore_mem>>)
    %add3A_1135 = arith.constant 184 : i32
    %add3A_1136 = arith.addi %mul3A_32, %add3A_1135 : i32
    %dma_wait3A_1137 = arith.constant 0 : i32
    %dma_wait3A_1138 = arith.constant 0 : i32
    %dma_wait3A_1139 = arith.constant 0 : i32
    %dma_wait3A_1140 = tpu.memref_slice %arg2[%select_n3A, %add3A_1136, %dma_wait3A_1137, %dma_wait3A_1138, %dma_wait3A_1139] : memref<8x1025x3x16x64xf32, #tpu.memory_space<hbm>> -> memref<1x8x3x16x64xf32, #tpu.memory_space<hbm>>
    %dma_wait3A_1141 = tpu.memref_squeeze %dma_wait3A_1140 : memref<1x8x3x16x64xf32, #tpu.memory_space<hbm>> -> memref<8x3x16x64xf32, #tpu.memory_space<hbm>>
    %dma_wait3A_1142 = arith.constant 0 : i32
    %dma_wait3A_1143 = arith.constant 0 : i32
    %dma_wait3A_1144 = arith.constant 0 : i32
    %dma_wait3A_1145 = tpu.memref_slice %arg2[%select_n3A, %add3A_1136, %dma_wait3A_1142, %dma_wait3A_1143, %dma_wait3A_1144] : memref<8x1025x3x16x64xf32, #tpu.memory_space<hbm>> -> memref<1x8x3x16x64xf32, #tpu.memory_space<hbm>>
    %dma_wait3A_1146 = tpu.memref_squeeze %dma_wait3A_1145 : memref<1x8x3x16x64xf32, #tpu.memory_space<hbm>> -> memref<8x3x16x64xf32, #tpu.memory_space<hbm>>
    tpu.wait_dma2 semaphore(%arg7 : memref<!tpu.dma_semaphore, #tpu.memory_space<semaphore_mem>>) src(%dma_wait3A_1146 : memref<8x3x16x64xf32, #tpu.memory_space<hbm>>) dst(%arg5 : memref<8x3x16x64xf32, #tpu.memory_space<vmem>>)
    %add3A_1147 = arith.constant 176 : i32
    %add3A_1148 = arith.addi %mul3A_32, %add3A_1147 : i32
    %dma_wait3A_1149 = arith.constant 0 : i32
    %dma_wait3A_1150 = arith.constant 0 : i32
    %dma_wait3A_1151 = arith.constant 0 : i32
    %dma_wait3A_1152 = tpu.memref_slice %arg3[%select_n3A, %add3A_1148, %dma_wait3A_1149, %dma_wait3A_1150, %dma_wait3A_1151] : memref<8x1025x3x16x64xf32, #tpu.memory_space<hbm>> -> memref<1x8x3x16x64xf32, #tpu.memory_space<hbm>>
    %dma_wait3A_1153 = tpu.memref_squeeze %dma_wait3A_1152 : memref<1x8x3x16x64xf32, #tpu.memory_space<hbm>> -> memref<8x3x16x64xf32, #tpu.memory_space<hbm>>
    %dma_wait3A_1154 = arith.constant 0 : i32
    %dma_wait3A_1155 = arith.constant 0 : i32
    %dma_wait3A_1156 = arith.constant 0 : i32
    %dma_wait3A_1157 = tpu.memref_slice %arg3[%select_n3A, %add3A_1148, %dma_wait3A_1154, %dma_wait3A_1155, %dma_wait3A_1156] : memref<8x1025x3x16x64xf32, #tpu.memory_space<hbm>> -> memref<1x8x3x16x64xf32, #tpu.memory_space<hbm>>
    %dma_wait3A_1158 = tpu.memref_squeeze %dma_wait3A_1157 : memref<1x8x3x16x64xf32, #tpu.memory_space<hbm>> -> memref<8x3x16x64xf32, #tpu.memory_space<hbm>>
    tpu.wait_dma2 semaphore(%arg8 : memref<!tpu.dma_semaphore, #tpu.memory_space<semaphore_mem>>) src(%arg4 : memref<8x3x16x64xf32, #tpu.memory_space<vmem>>) dst(%dma_wait3A_1158 : memref<8x3x16x64xf32, #tpu.memory_space<hbm>>)
    %add3A_1159 = arith.constant 184 : i32
    %add3A_1160 = arith.addi %mul3A_32, %add3A_1159 : i32
    %dma_start3A_1161 = arith.constant 0 : i32
    %dma_start3A_1162 = arith.constant 0 : i32
    %dma_start3A_1163 = arith.constant 0 : i32
    %dma_start3A_1164 = tpu.memref_slice %arg3[%select_n3A, %add3A_1160, %dma_start3A_1161, %dma_start3A_1162, %dma_start3A_1163] : memref<8x1025x3x16x64xf32, #tpu.memory_space<hbm>> -> memref<1x8x3x16x64xf32, #tpu.memory_space<hbm>>
    %dma_start3A_1165 = tpu.memref_squeeze %dma_start3A_1164 : memref<1x8x3x16x64xf32, #tpu.memory_space<hbm>> -> memref<8x3x16x64xf32, #tpu.memory_space<hbm>>
    %dma_start3A_1166 = arith.constant 0 : i32
    %dma_start3A_1167 = arith.constant 0 : i32
    %dma_start3A_1168 = arith.constant 0 : i32
    %dma_start3A_1169 = tpu.memref_slice %arg3[%select_n3A, %add3A_1160, %dma_start3A_1166, %dma_start3A_1167, %dma_start3A_1168] : memref<8x1025x3x16x64xf32, #tpu.memory_space<hbm>> -> memref<1x8x3x16x64xf32, #tpu.memory_space<hbm>>
    %dma_start3A_1170 = tpu.memref_squeeze %dma_start3A_1169 : memref<1x8x3x16x64xf32, #tpu.memory_space<hbm>> -> memref<8x3x16x64xf32, #tpu.memory_space<hbm>>
    tpu.enqueue_dma source(%arg5 : memref<8x3x16x64xf32, #tpu.memory_space<vmem>>) target(%dma_start3A_1170 : memref<8x3x16x64xf32, #tpu.memory_space<hbm>>) target_semaphore(%arg9 : memref<!tpu.dma_semaphore, #tpu.memory_space<semaphore_mem>>)
    %add3A_1171 = arith.constant 192 : i32
    %add3A_1172 = arith.addi %mul3A_32, %add3A_1171 : i32
    %dma_start3A_1173 = arith.constant 0 : i32
    %dma_start3A_1174 = arith.constant 0 : i32
    %dma_start3A_1175 = arith.constant 0 : i32
    %dma_start3A_1176 = tpu.memref_slice %arg2[%select_n3A, %add3A_1172, %dma_start3A_1173, %dma_start3A_1174, %dma_start3A_1175] : memref<8x1025x3x16x64xf32, #tpu.memory_space<hbm>> -> memref<1x8x3x16x64xf32, #tpu.memory_space<hbm>>
    %dma_start3A_1177 = tpu.memref_squeeze %dma_start3A_1176 : memref<1x8x3x16x64xf32, #tpu.memory_space<hbm>> -> memref<8x3x16x64xf32, #tpu.memory_space<hbm>>
    %dma_start3A_1178 = arith.constant 0 : i32
    %dma_start3A_1179 = arith.constant 0 : i32
    %dma_start3A_1180 = arith.constant 0 : i32
    %dma_start3A_1181 = tpu.memref_slice %arg2[%select_n3A, %add3A_1172, %dma_start3A_1178, %dma_start3A_1179, %dma_start3A_1180] : memref<8x1025x3x16x64xf32, #tpu.memory_space<hbm>> -> memref<1x8x3x16x64xf32, #tpu.memory_space<hbm>>
    %dma_start3A_1182 = tpu.memref_squeeze %dma_start3A_1181 : memref<1x8x3x16x64xf32, #tpu.memory_space<hbm>> -> memref<8x3x16x64xf32, #tpu.memory_space<hbm>>
    tpu.enqueue_dma source(%dma_start3A_1182 : memref<8x3x16x64xf32, #tpu.memory_space<hbm>>) target(%arg4 : memref<8x3x16x64xf32, #tpu.memory_space<vmem>>) target_semaphore(%arg6 : memref<!tpu.dma_semaphore, #tpu.memory_space<semaphore_mem>>)
    %add3A_1183 = arith.constant 192 : i32
    %add3A_1184 = arith.addi %mul3A_32, %add3A_1183 : i32
    %dma_wait3A_1185 = arith.constant 0 : i32
    %dma_wait3A_1186 = arith.constant 0 : i32
    %dma_wait3A_1187 = arith.constant 0 : i32
    %dma_wait3A_1188 = tpu.memref_slice %arg2[%select_n3A, %add3A_1184, %dma_wait3A_1185, %dma_wait3A_1186, %dma_wait3A_1187] : memref<8x1025x3x16x64xf32, #tpu.memory_space<hbm>> -> memref<1x8x3x16x64xf32, #tpu.memory_space<hbm>>
    %dma_wait3A_1189 = tpu.memref_squeeze %dma_wait3A_1188 : memref<1x8x3x16x64xf32, #tpu.memory_space<hbm>> -> memref<8x3x16x64xf32, #tpu.memory_space<hbm>>
    %dma_wait3A_1190 = arith.constant 0 : i32
    %dma_wait3A_1191 = arith.constant 0 : i32
    %dma_wait3A_1192 = arith.constant 0 : i32
    %dma_wait3A_1193 = tpu.memref_slice %arg2[%select_n3A, %add3A_1184, %dma_wait3A_1190, %dma_wait3A_1191, %dma_wait3A_1192] : memref<8x1025x3x16x64xf32, #tpu.memory_space<hbm>> -> memref<1x8x3x16x64xf32, #tpu.memory_space<hbm>>
    %dma_wait3A_1194 = tpu.memref_squeeze %dma_wait3A_1193 : memref<1x8x3x16x64xf32, #tpu.memory_space<hbm>> -> memref<8x3x16x64xf32, #tpu.memory_space<hbm>>
    tpu.wait_dma2 semaphore(%arg6 : memref<!tpu.dma_semaphore, #tpu.memory_space<semaphore_mem>>) src(%dma_wait3A_1194 : memref<8x3x16x64xf32, #tpu.memory_space<hbm>>) dst(%arg4 : memref<8x3x16x64xf32, #tpu.memory_space<vmem>>)
    %add3A_1195 = arith.constant 184 : i32
    %add3A_1196 = arith.addi %mul3A_32, %add3A_1195 : i32
    %dma_wait3A_1197 = arith.constant 0 : i32
    %dma_wait3A_1198 = arith.constant 0 : i32
    %dma_wait3A_1199 = arith.constant 0 : i32
    %dma_wait3A_1200 = tpu.memref_slice %arg3[%select_n3A, %add3A_1196, %dma_wait3A_1197, %dma_wait3A_1198, %dma_wait3A_1199] : memref<8x1025x3x16x64xf32, #tpu.memory_space<hbm>> -> memref<1x8x3x16x64xf32, #tpu.memory_space<hbm>>
    %dma_wait3A_1201 = tpu.memref_squeeze %dma_wait3A_1200 : memref<1x8x3x16x64xf32, #tpu.memory_space<hbm>> -> memref<8x3x16x64xf32, #tpu.memory_space<hbm>>
    %dma_wait3A_1202 = arith.constant 0 : i32
    %dma_wait3A_1203 = arith.constant 0 : i32
    %dma_wait3A_1204 = arith.constant 0 : i32
    %dma_wait3A_1205 = tpu.memref_slice %arg3[%select_n3A, %add3A_1196, %dma_wait3A_1202, %dma_wait3A_1203, %dma_wait3A_1204] : memref<8x1025x3x16x64xf32, #tpu.memory_space<hbm>> -> memref<1x8x3x16x64xf32, #tpu.memory_space<hbm>>
    %dma_wait3A_1206 = tpu.memref_squeeze %dma_wait3A_1205 : memref<1x8x3x16x64xf32, #tpu.memory_space<hbm>> -> memref<8x3x16x64xf32, #tpu.memory_space<hbm>>
    tpu.wait_dma2 semaphore(%arg9 : memref<!tpu.dma_semaphore, #tpu.memory_space<semaphore_mem>>) src(%arg5 : memref<8x3x16x64xf32, #tpu.memory_space<vmem>>) dst(%dma_wait3A_1206 : memref<8x3x16x64xf32, #tpu.memory_space<hbm>>)
    %add3A_1207 = arith.constant 192 : i32
    %add3A_1208 = arith.addi %mul3A_32, %add3A_1207 : i32
    %dma_start3A_1209 = arith.constant 0 : i32
    %dma_start3A_1210 = arith.constant 0 : i32
    %dma_start3A_1211 = arith.constant 0 : i32
    %dma_start3A_1212 = tpu.memref_slice %arg3[%select_n3A, %add3A_1208, %dma_start3A_1209, %dma_start3A_1210, %dma_start3A_1211] : memref<8x1025x3x16x64xf32, #tpu.memory_space<hbm>> -> memref<1x8x3x16x64xf32, #tpu.memory_space<hbm>>
    %dma_start3A_1213 = tpu.memref_squeeze %dma_start3A_1212 : memref<1x8x3x16x64xf32, #tpu.memory_space<hbm>> -> memref<8x3x16x64xf32, #tpu.memory_space<hbm>>
    %dma_start3A_1214 = arith.constant 0 : i32
    %dma_start3A_1215 = arith.constant 0 : i32
    %dma_start3A_1216 = arith.constant 0 : i32
    %dma_start3A_1217 = tpu.memref_slice %arg3[%select_n3A, %add3A_1208, %dma_start3A_1214, %dma_start3A_1215, %dma_start3A_1216] : memref<8x1025x3x16x64xf32, #tpu.memory_space<hbm>> -> memref<1x8x3x16x64xf32, #tpu.memory_space<hbm>>
    %dma_start3A_1218 = tpu.memref_squeeze %dma_start3A_1217 : memref<1x8x3x16x64xf32, #tpu.memory_space<hbm>> -> memref<8x3x16x64xf32, #tpu.memory_space<hbm>>
    tpu.enqueue_dma source(%arg4 : memref<8x3x16x64xf32, #tpu.memory_space<vmem>>) target(%dma_start3A_1218 : memref<8x3x16x64xf32, #tpu.memory_space<hbm>>) target_semaphore(%arg8 : memref<!tpu.dma_semaphore, #tpu.memory_space<semaphore_mem>>)
    %add3A_1219 = arith.constant 200 : i32
    %add3A_1220 = arith.addi %mul3A_32, %add3A_1219 : i32
    %dma_start3A_1221 = arith.constant 0 : i32
    %dma_start3A_1222 = arith.constant 0 : i32
    %dma_start3A_1223 = arith.constant 0 : i32
    %dma_start3A_1224 = tpu.memref_slice %arg2[%select_n3A, %add3A_1220, %dma_start3A_1221, %dma_start3A_1222, %dma_start3A_1223] : memref<8x1025x3x16x64xf32, #tpu.memory_space<hbm>> -> memref<1x8x3x16x64xf32, #tpu.memory_space<hbm>>
    %dma_start3A_1225 = tpu.memref_squeeze %dma_start3A_1224 : memref<1x8x3x16x64xf32, #tpu.memory_space<hbm>> -> memref<8x3x16x64xf32, #tpu.memory_space<hbm>>
    %dma_start3A_1226 = arith.constant 0 : i32
    %dma_start3A_1227 = arith.constant 0 : i32
    %dma_start3A_1228 = arith.constant 0 : i32
    %dma_start3A_1229 = tpu.memref_slice %arg2[%select_n3A, %add3A_1220, %dma_start3A_1226, %dma_start3A_1227, %dma_start3A_1228] : memref<8x1025x3x16x64xf32, #tpu.memory_space<hbm>> -> memref<1x8x3x16x64xf32, #tpu.memory_space<hbm>>
    %dma_start3A_1230 = tpu.memref_squeeze %dma_start3A_1229 : memref<1x8x3x16x64xf32, #tpu.memory_space<hbm>> -> memref<8x3x16x64xf32, #tpu.memory_space<hbm>>
    tpu.enqueue_dma source(%dma_start3A_1230 : memref<8x3x16x64xf32, #tpu.memory_space<hbm>>) target(%arg5 : memref<8x3x16x64xf32, #tpu.memory_space<vmem>>) target_semaphore(%arg7 : memref<!tpu.dma_semaphore, #tpu.memory_space<semaphore_mem>>)
    %add3A_1231 = arith.constant 200 : i32
    %add3A_1232 = arith.addi %mul3A_32, %add3A_1231 : i32
    %dma_wait3A_1233 = arith.constant 0 : i32
    %dma_wait3A_1234 = arith.constant 0 : i32
    %dma_wait3A_1235 = arith.constant 0 : i32
    %dma_wait3A_1236 = tpu.memref_slice %arg2[%select_n3A, %add3A_1232, %dma_wait3A_1233, %dma_wait3A_1234, %dma_wait3A_1235] : memref<8x1025x3x16x64xf32, #tpu.memory_space<hbm>> -> memref<1x8x3x16x64xf32, #tpu.memory_space<hbm>>
    %dma_wait3A_1237 = tpu.memref_squeeze %dma_wait3A_1236 : memref<1x8x3x16x64xf32, #tpu.memory_space<hbm>> -> memref<8x3x16x64xf32, #tpu.memory_space<hbm>>
    %dma_wait3A_1238 = arith.constant 0 : i32
    %dma_wait3A_1239 = arith.constant 0 : i32
    %dma_wait3A_1240 = arith.constant 0 : i32
    %dma_wait3A_1241 = tpu.memref_slice %arg2[%select_n3A, %add3A_1232, %dma_wait3A_1238, %dma_wait3A_1239, %dma_wait3A_1240] : memref<8x1025x3x16x64xf32, #tpu.memory_space<hbm>> -> memref<1x8x3x16x64xf32, #tpu.memory_space<hbm>>
    %dma_wait3A_1242 = tpu.memref_squeeze %dma_wait3A_1241 : memref<1x8x3x16x64xf32, #tpu.memory_space<hbm>> -> memref<8x3x16x64xf32, #tpu.memory_space<hbm>>
    tpu.wait_dma2 semaphore(%arg7 : memref<!tpu.dma_semaphore, #tpu.memory_space<semaphore_mem>>) src(%dma_wait3A_1242 : memref<8x3x16x64xf32, #tpu.memory_space<hbm>>) dst(%arg5 : memref<8x3x16x64xf32, #tpu.memory_space<vmem>>)
    %add3A_1243 = arith.constant 192 : i32
    %add3A_1244 = arith.addi %mul3A_32, %add3A_1243 : i32
    %dma_wait3A_1245 = arith.constant 0 : i32
    %dma_wait3A_1246 = arith.constant 0 : i32
    %dma_wait3A_1247 = arith.constant 0 : i32
    %dma_wait3A_1248 = tpu.memref_slice %arg3[%select_n3A, %add3A_1244, %dma_wait3A_1245, %dma_wait3A_1246, %dma_wait3A_1247] : memref<8x1025x3x16x64xf32, #tpu.memory_space<hbm>> -> memref<1x8x3x16x64xf32, #tpu.memory_space<hbm>>
    %dma_wait3A_1249 = tpu.memref_squeeze %dma_wait3A_1248 : memref<1x8x3x16x64xf32, #tpu.memory_space<hbm>> -> memref<8x3x16x64xf32, #tpu.memory_space<hbm>>
    %dma_wait3A_1250 = arith.constant 0 : i32
    %dma_wait3A_1251 = arith.constant 0 : i32
    %dma_wait3A_1252 = arith.constant 0 : i32
    %dma_wait3A_1253 = tpu.memref_slice %arg3[%select_n3A, %add3A_1244, %dma_wait3A_1250, %dma_wait3A_1251, %dma_wait3A_1252] : memref<8x1025x3x16x64xf32, #tpu.memory_space<hbm>> -> memref<1x8x3x16x64xf32, #tpu.memory_space<hbm>>
    %dma_wait3A_1254 = tpu.memref_squeeze %dma_wait3A_1253 : memref<1x8x3x16x64xf32, #tpu.memory_space<hbm>> -> memref<8x3x16x64xf32, #tpu.memory_space<hbm>>
    tpu.wait_dma2 semaphore(%arg8 : memref<!tpu.dma_semaphore, #tpu.memory_space<semaphore_mem>>) src(%arg4 : memref<8x3x16x64xf32, #tpu.memory_space<vmem>>) dst(%dma_wait3A_1254 : memref<8x3x16x64xf32, #tpu.memory_space<hbm>>)
    %add3A_1255 = arith.constant 200 : i32
    %add3A_1256 = arith.addi %mul3A_32, %add3A_1255 : i32
    %dma_start3A_1257 = arith.constant 0 : i32
    %dma_start3A_1258 = arith.constant 0 : i32
    %dma_start3A_1259 = arith.constant 0 : i32
    %dma_start3A_1260 = tpu.memref_slice %arg3[%select_n3A, %add3A_1256, %dma_start3A_1257, %dma_start3A_1258, %dma_start3A_1259] : memref<8x1025x3x16x64xf32, #tpu.memory_space<hbm>> -> memref<1x8x3x16x64xf32, #tpu.memory_space<hbm>>
    %dma_start3A_1261 = tpu.memref_squeeze %dma_start3A_1260 : memref<1x8x3x16x64xf32, #tpu.memory_space<hbm>> -> memref<8x3x16x64xf32, #tpu.memory_space<hbm>>
    %dma_start3A_1262 = arith.constant 0 : i32
    %dma_start3A_1263 = arith.constant 0 : i32
    %dma_start3A_1264 = arith.constant 0 : i32
    %dma_start3A_1265 = tpu.memref_slice %arg3[%select_n3A, %add3A_1256, %dma_start3A_1262, %dma_start3A_1263, %dma_start3A_1264] : memref<8x1025x3x16x64xf32, #tpu.memory_space<hbm>> -> memref<1x8x3x16x64xf32, #tpu.memory_space<hbm>>
    %dma_start3A_1266 = tpu.memref_squeeze %dma_start3A_1265 : memref<1x8x3x16x64xf32, #tpu.memory_space<hbm>> -> memref<8x3x16x64xf32, #tpu.memory_space<hbm>>
    tpu.enqueue_dma source(%arg5 : memref<8x3x16x64xf32, #tpu.memory_space<vmem>>) target(%dma_start3A_1266 : memref<8x3x16x64xf32, #tpu.memory_space<hbm>>) target_semaphore(%arg9 : memref<!tpu.dma_semaphore, #tpu.memory_space<semaphore_mem>>)
    %add3A_1267 = arith.constant 208 : i32
    %add3A_1268 = arith.addi %mul3A_32, %add3A_1267 : i32
    %dma_start3A_1269 = arith.constant 0 : i32
    %dma_start3A_1270 = arith.constant 0 : i32
    %dma_start3A_1271 = arith.constant 0 : i32
    %dma_start3A_1272 = tpu.memref_slice %arg2[%select_n3A, %add3A_1268, %dma_start3A_1269, %dma_start3A_1270, %dma_start3A_1271] : memref<8x1025x3x16x64xf32, #tpu.memory_space<hbm>> -> memref<1x8x3x16x64xf32, #tpu.memory_space<hbm>>
    %dma_start3A_1273 = tpu.memref_squeeze %dma_start3A_1272 : memref<1x8x3x16x64xf32, #tpu.memory_space<hbm>> -> memref<8x3x16x64xf32, #tpu.memory_space<hbm>>
    %dma_start3A_1274 = arith.constant 0 : i32
    %dma_start3A_1275 = arith.constant 0 : i32
    %dma_start3A_1276 = arith.constant 0 : i32
    %dma_start3A_1277 = tpu.memref_slice %arg2[%select_n3A, %add3A_1268, %dma_start3A_1274, %dma_start3A_1275, %dma_start3A_1276] : memref<8x1025x3x16x64xf32, #tpu.memory_space<hbm>> -> memref<1x8x3x16x64xf32, #tpu.memory_space<hbm>>
    %dma_start3A_1278 = tpu.memref_squeeze %dma_start3A_1277 : memref<1x8x3x16x64xf32, #tpu.memory_space<hbm>> -> memref<8x3x16x64xf32, #tpu.memory_space<hbm>>
    tpu.enqueue_dma source(%dma_start3A_1278 : memref<8x3x16x64xf32, #tpu.memory_space<hbm>>) target(%arg4 : memref<8x3x16x64xf32, #tpu.memory_space<vmem>>) target_semaphore(%arg6 : memref<!tpu.dma_semaphore, #tpu.memory_space<semaphore_mem>>)
    %add3A_1279 = arith.constant 208 : i32
    %add3A_1280 = arith.addi %mul3A_32, %add3A_1279 : i32
    %dma_wait3A_1281 = arith.constant 0 : i32
    %dma_wait3A_1282 = arith.constant 0 : i32
    %dma_wait3A_1283 = arith.constant 0 : i32
    %dma_wait3A_1284 = tpu.memref_slice %arg2[%select_n3A, %add3A_1280, %dma_wait3A_1281, %dma_wait3A_1282, %dma_wait3A_1283] : memref<8x1025x3x16x64xf32, #tpu.memory_space<hbm>> -> memref<1x8x3x16x64xf32, #tpu.memory_space<hbm>>
    %dma_wait3A_1285 = tpu.memref_squeeze %dma_wait3A_1284 : memref<1x8x3x16x64xf32, #tpu.memory_space<hbm>> -> memref<8x3x16x64xf32, #tpu.memory_space<hbm>>
    %dma_wait3A_1286 = arith.constant 0 : i32
    %dma_wait3A_1287 = arith.constant 0 : i32
    %dma_wait3A_1288 = arith.constant 0 : i32
    %dma_wait3A_1289 = tpu.memref_slice %arg2[%select_n3A, %add3A_1280, %dma_wait3A_1286, %dma_wait3A_1287, %dma_wait3A_1288] : memref<8x1025x3x16x64xf32, #tpu.memory_space<hbm>> -> memref<1x8x3x16x64xf32, #tpu.memory_space<hbm>>
    %dma_wait3A_1290 = tpu.memref_squeeze %dma_wait3A_1289 : memref<1x8x3x16x64xf32, #tpu.memory_space<hbm>> -> memref<8x3x16x64xf32, #tpu.memory_space<hbm>>
    tpu.wait_dma2 semaphore(%arg6 : memref<!tpu.dma_semaphore, #tpu.memory_space<semaphore_mem>>) src(%dma_wait3A_1290 : memref<8x3x16x64xf32, #tpu.memory_space<hbm>>) dst(%arg4 : memref<8x3x16x64xf32, #tpu.memory_space<vmem>>)
    %add3A_1291 = arith.constant 200 : i32
    %add3A_1292 = arith.addi %mul3A_32, %add3A_1291 : i32
    %dma_wait3A_1293 = arith.constant 0 : i32
    %dma_wait3A_1294 = arith.constant 0 : i32
    %dma_wait3A_1295 = arith.constant 0 : i32
    %dma_wait3A_1296 = tpu.memref_slice %arg3[%select_n3A, %add3A_1292, %dma_wait3A_1293, %dma_wait3A_1294, %dma_wait3A_1295] : memref<8x1025x3x16x64xf32, #tpu.memory_space<hbm>> -> memref<1x8x3x16x64xf32, #tpu.memory_space<hbm>>
    %dma_wait3A_1297 = tpu.memref_squeeze %dma_wait3A_1296 : memref<1x8x3x16x64xf32, #tpu.memory_space<hbm>> -> memref<8x3x16x64xf32, #tpu.memory_space<hbm>>
    %dma_wait3A_1298 = arith.constant 0 : i32
    %dma_wait3A_1299 = arith.constant 0 : i32
    %dma_wait3A_1300 = arith.constant 0 : i32
    %dma_wait3A_1301 = tpu.memref_slice %arg3[%select_n3A, %add3A_1292, %dma_wait3A_1298, %dma_wait3A_1299, %dma_wait3A_1300] : memref<8x1025x3x16x64xf32, #tpu.memory_space<hbm>> -> memref<1x8x3x16x64xf32, #tpu.memory_space<hbm>>
    %dma_wait3A_1302 = tpu.memref_squeeze %dma_wait3A_1301 : memref<1x8x3x16x64xf32, #tpu.memory_space<hbm>> -> memref<8x3x16x64xf32, #tpu.memory_space<hbm>>
    tpu.wait_dma2 semaphore(%arg9 : memref<!tpu.dma_semaphore, #tpu.memory_space<semaphore_mem>>) src(%arg5 : memref<8x3x16x64xf32, #tpu.memory_space<vmem>>) dst(%dma_wait3A_1302 : memref<8x3x16x64xf32, #tpu.memory_space<hbm>>)
    %add3A_1303 = arith.constant 208 : i32
    %add3A_1304 = arith.addi %mul3A_32, %add3A_1303 : i32
    %dma_start3A_1305 = arith.constant 0 : i32
    %dma_start3A_1306 = arith.constant 0 : i32
    %dma_start3A_1307 = arith.constant 0 : i32
    %dma_start3A_1308 = tpu.memref_slice %arg3[%select_n3A, %add3A_1304, %dma_start3A_1305, %dma_start3A_1306, %dma_start3A_1307] : memref<8x1025x3x16x64xf32, #tpu.memory_space<hbm>> -> memref<1x8x3x16x64xf32, #tpu.memory_space<hbm>>
    %dma_start3A_1309 = tpu.memref_squeeze %dma_start3A_1308 : memref<1x8x3x16x64xf32, #tpu.memory_space<hbm>> -> memref<8x3x16x64xf32, #tpu.memory_space<hbm>>
    %dma_start3A_1310 = arith.constant 0 : i32
    %dma_start3A_1311 = arith.constant 0 : i32
    %dma_start3A_1312 = arith.constant 0 : i32
    %dma_start3A_1313 = tpu.memref_slice %arg3[%select_n3A, %add3A_1304, %dma_start3A_1310, %dma_start3A_1311, %dma_start3A_1312] : memref<8x1025x3x16x64xf32, #tpu.memory_space<hbm>> -> memref<1x8x3x16x64xf32, #tpu.memory_space<hbm>>
    %dma_start3A_1314 = tpu.memref_squeeze %dma_start3A_1313 : memref<1x8x3x16x64xf32, #tpu.memory_space<hbm>> -> memref<8x3x16x64xf32, #tpu.memory_space<hbm>>
    tpu.enqueue_dma source(%arg4 : memref<8x3x16x64xf32, #tpu.memory_space<vmem>>) target(%dma_start3A_1314 : memref<8x3x16x64xf32, #tpu.memory_space<hbm>>) target_semaphore(%arg8 : memref<!tpu.dma_semaphore, #tpu.memory_space<semaphore_mem>>)
    %add3A_1315 = arith.constant 216 : i32
    %add3A_1316 = arith.addi %mul3A_32, %add3A_1315 : i32
    %dma_start3A_1317 = arith.constant 0 : i32
    %dma_start3A_1318 = arith.constant 0 : i32
    %dma_start3A_1319 = arith.constant 0 : i32
    %dma_start3A_1320 = tpu.memref_slice %arg2[%select_n3A, %add3A_1316, %dma_start3A_1317, %dma_start3A_1318, %dma_start3A_1319] : memref<8x1025x3x16x64xf32, #tpu.memory_space<hbm>> -> memref<1x8x3x16x64xf32, #tpu.memory_space<hbm>>
    %dma_start3A_1321 = tpu.memref_squeeze %dma_start3A_1320 : memref<1x8x3x16x64xf32, #tpu.memory_space<hbm>> -> memref<8x3x16x64xf32, #tpu.memory_space<hbm>>
    %dma_start3A_1322 = arith.constant 0 : i32
    %dma_start3A_1323 = arith.constant 0 : i32
    %dma_start3A_1324 = arith.constant 0 : i32
    %dma_start3A_1325 = tpu.memref_slice %arg2[%select_n3A, %add3A_1316, %dma_start3A_1322, %dma_start3A_1323, %dma_start3A_1324] : memref<8x1025x3x16x64xf32, #tpu.memory_space<hbm>> -> memref<1x8x3x16x64xf32, #tpu.memory_space<hbm>>
    %dma_start3A_1326 = tpu.memref_squeeze %dma_start3A_1325 : memref<1x8x3x16x64xf32, #tpu.memory_space<hbm>> -> memref<8x3x16x64xf32, #tpu.memory_space<hbm>>
    tpu.enqueue_dma source(%dma_start3A_1326 : memref<8x3x16x64xf32, #tpu.memory_space<hbm>>) target(%arg5 : memref<8x3x16x64xf32, #tpu.memory_space<vmem>>) target_semaphore(%arg7 : memref<!tpu.dma_semaphore, #tpu.memory_space<semaphore_mem>>)
    %add3A_1327 = arith.constant 216 : i32
    %add3A_1328 = arith.addi %mul3A_32, %add3A_1327 : i32
    %dma_wait3A_1329 = arith.constant 0 : i32
    %dma_wait3A_1330 = arith.constant 0 : i32
    %dma_wait3A_1331 = arith.constant 0 : i32
    %dma_wait3A_1332 = tpu.memref_slice %arg2[%select_n3A, %add3A_1328, %dma_wait3A_1329, %dma_wait3A_1330, %dma_wait3A_1331] : memref<8x1025x3x16x64xf32, #tpu.memory_space<hbm>> -> memref<1x8x3x16x64xf32, #tpu.memory_space<hbm>>
    %dma_wait3A_1333 = tpu.memref_squeeze %dma_wait3A_1332 : memref<1x8x3x16x64xf32, #tpu.memory_space<hbm>> -> memref<8x3x16x64xf32, #tpu.memory_space<hbm>>
    %dma_wait3A_1334 = arith.constant 0 : i32
    %dma_wait3A_1335 = arith.constant 0 : i32
    %dma_wait3A_1336 = arith.constant 0 : i32
    %dma_wait3A_1337 = tpu.memref_slice %arg2[%select_n3A, %add3A_1328, %dma_wait3A_1334, %dma_wait3A_1335, %dma_wait3A_1336] : memref<8x1025x3x16x64xf32, #tpu.memory_space<hbm>> -> memref<1x8x3x16x64xf32, #tpu.memory_space<hbm>>
    %dma_wait3A_1338 = tpu.memref_squeeze %dma_wait3A_1337 : memref<1x8x3x16x64xf32, #tpu.memory_space<hbm>> -> memref<8x3x16x64xf32, #tpu.memory_space<hbm>>
    tpu.wait_dma2 semaphore(%arg7 : memref<!tpu.dma_semaphore, #tpu.memory_space<semaphore_mem>>) src(%dma_wait3A_1338 : memref<8x3x16x64xf32, #tpu.memory_space<hbm>>) dst(%arg5 : memref<8x3x16x64xf32, #tpu.memory_space<vmem>>)
    %add3A_1339 = arith.constant 208 : i32
    %add3A_1340 = arith.addi %mul3A_32, %add3A_1339 : i32
    %dma_wait3A_1341 = arith.constant 0 : i32
    %dma_wait3A_1342 = arith.constant 0 : i32
    %dma_wait3A_1343 = arith.constant 0 : i32
    %dma_wait3A_1344 = tpu.memref_slice %arg3[%select_n3A, %add3A_1340, %dma_wait3A_1341, %dma_wait3A_1342, %dma_wait3A_1343] : memref<8x1025x3x16x64xf32, #tpu.memory_space<hbm>> -> memref<1x8x3x16x64xf32, #tpu.memory_space<hbm>>
    %dma_wait3A_1345 = tpu.memref_squeeze %dma_wait3A_1344 : memref<1x8x3x16x64xf32, #tpu.memory_space<hbm>> -> memref<8x3x16x64xf32, #tpu.memory_space<hbm>>
    %dma_wait3A_1346 = arith.constant 0 : i32
    %dma_wait3A_1347 = arith.constant 0 : i32
    %dma_wait3A_1348 = arith.constant 0 : i32
    %dma_wait3A_1349 = tpu.memref_slice %arg3[%select_n3A, %add3A_1340, %dma_wait3A_1346, %dma_wait3A_1347, %dma_wait3A_1348] : memref<8x1025x3x16x64xf32, #tpu.memory_space<hbm>> -> memref<1x8x3x16x64xf32, #tpu.memory_space<hbm>>
    %dma_wait3A_1350 = tpu.memref_squeeze %dma_wait3A_1349 : memref<1x8x3x16x64xf32, #tpu.memory_space<hbm>> -> memref<8x3x16x64xf32, #tpu.memory_space<hbm>>
    tpu.wait_dma2 semaphore(%arg8 : memref<!tpu.dma_semaphore, #tpu.memory_space<semaphore_mem>>) src(%arg4 : memref<8x3x16x64xf32, #tpu.memory_space<vmem>>) dst(%dma_wait3A_1350 : memref<8x3x16x64xf32, #tpu.memory_space<hbm>>)
    %add3A_1351 = arith.constant 216 : i32
    %add3A_1352 = arith.addi %mul3A_32, %add3A_1351 : i32
    %dma_start3A_1353 = arith.constant 0 : i32
    %dma_start3A_1354 = arith.constant 0 : i32
    %dma_start3A_1355 = arith.constant 0 : i32
    %dma_start3A_1356 = tpu.memref_slice %arg3[%select_n3A, %add3A_1352, %dma_start3A_1353, %dma_start3A_1354, %dma_start3A_1355] : memref<8x1025x3x16x64xf32, #tpu.memory_space<hbm>> -> memref<1x8x3x16x64xf32, #tpu.memory_space<hbm>>
    %dma_start3A_1357 = tpu.memref_squeeze %dma_start3A_1356 : memref<1x8x3x16x64xf32, #tpu.memory_space<hbm>> -> memref<8x3x16x64xf32, #tpu.memory_space<hbm>>
    %dma_start3A_1358 = arith.constant 0 : i32
    %dma_start3A_1359 = arith.constant 0 : i32
    %dma_start3A_1360 = arith.constant 0 : i32
    %dma_start3A_1361 = tpu.memref_slice %arg3[%select_n3A, %add3A_1352, %dma_start3A_1358, %dma_start3A_1359, %dma_start3A_1360] : memref<8x1025x3x16x64xf32, #tpu.memory_space<hbm>> -> memref<1x8x3x16x64xf32, #tpu.memory_space<hbm>>
    %dma_start3A_1362 = tpu.memref_squeeze %dma_start3A_1361 : memref<1x8x3x16x64xf32, #tpu.memory_space<hbm>> -> memref<8x3x16x64xf32, #tpu.memory_space<hbm>>
    tpu.enqueue_dma source(%arg5 : memref<8x3x16x64xf32, #tpu.memory_space<vmem>>) target(%dma_start3A_1362 : memref<8x3x16x64xf32, #tpu.memory_space<hbm>>) target_semaphore(%arg9 : memref<!tpu.dma_semaphore, #tpu.memory_space<semaphore_mem>>)
    %add3A_1363 = arith.constant 224 : i32
    %add3A_1364 = arith.addi %mul3A_32, %add3A_1363 : i32
    %dma_start3A_1365 = arith.constant 0 : i32
    %dma_start3A_1366 = arith.constant 0 : i32
    %dma_start3A_1367 = arith.constant 0 : i32
    %dma_start3A_1368 = tpu.memref_slice %arg2[%select_n3A, %add3A_1364, %dma_start3A_1365, %dma_start3A_1366, %dma_start3A_1367] : memref<8x1025x3x16x64xf32, #tpu.memory_space<hbm>> -> memref<1x8x3x16x64xf32, #tpu.memory_space<hbm>>
    %dma_start3A_1369 = tpu.memref_squeeze %dma_start3A_1368 : memref<1x8x3x16x64xf32, #tpu.memory_space<hbm>> -> memref<8x3x16x64xf32, #tpu.memory_space<hbm>>
    %dma_start3A_1370 = arith.constant 0 : i32
    %dma_start3A_1371 = arith.constant 0 : i32
    %dma_start3A_1372 = arith.constant 0 : i32
    %dma_start3A_1373 = tpu.memref_slice %arg2[%select_n3A, %add3A_1364, %dma_start3A_1370, %dma_start3A_1371, %dma_start3A_1372] : memref<8x1025x3x16x64xf32, #tpu.memory_space<hbm>> -> memref<1x8x3x16x64xf32, #tpu.memory_space<hbm>>
    %dma_start3A_1374 = tpu.memref_squeeze %dma_start3A_1373 : memref<1x8x3x16x64xf32, #tpu.memory_space<hbm>> -> memref<8x3x16x64xf32, #tpu.memory_space<hbm>>
    tpu.enqueue_dma source(%dma_start3A_1374 : memref<8x3x16x64xf32, #tpu.memory_space<hbm>>) target(%arg4 : memref<8x3x16x64xf32, #tpu.memory_space<vmem>>) target_semaphore(%arg6 : memref<!tpu.dma_semaphore, #tpu.memory_space<semaphore_mem>>)
    %add3A_1375 = arith.constant 224 : i32
    %add3A_1376 = arith.addi %mul3A_32, %add3A_1375 : i32
    %dma_wait3A_1377 = arith.constant 0 : i32
    %dma_wait3A_1378 = arith.constant 0 : i32
    %dma_wait3A_1379 = arith.constant 0 : i32
    %dma_wait3A_1380 = tpu.memref_slice %arg2[%select_n3A, %add3A_1376, %dma_wait3A_1377, %dma_wait3A_1378, %dma_wait3A_1379] : memref<8x1025x3x16x64xf32, #tpu.memory_space<hbm>> -> memref<1x8x3x16x64xf32, #tpu.memory_space<hbm>>
    %dma_wait3A_1381 = tpu.memref_squeeze %dma_wait3A_1380 : memref<1x8x3x16x64xf32, #tpu.memory_space<hbm>> -> memref<8x3x16x64xf32, #tpu.memory_space<hbm>>
    %dma_wait3A_1382 = arith.constant 0 : i32
    %dma_wait3A_1383 = arith.constant 0 : i32
    %dma_wait3A_1384 = arith.constant 0 : i32
    %dma_wait3A_1385 = tpu.memref_slice %arg2[%select_n3A, %add3A_1376, %dma_wait3A_1382, %dma_wait3A_1383, %dma_wait3A_1384] : memref<8x1025x3x16x64xf32, #tpu.memory_space<hbm>> -> memref<1x8x3x16x64xf32, #tpu.memory_space<hbm>>
    %dma_wait3A_1386 = tpu.memref_squeeze %dma_wait3A_1385 : memref<1x8x3x16x64xf32, #tpu.memory_space<hbm>> -> memref<8x3x16x64xf32, #tpu.memory_space<hbm>>
    tpu.wait_dma2 semaphore(%arg6 : memref<!tpu.dma_semaphore, #tpu.memory_space<semaphore_mem>>) src(%dma_wait3A_1386 : memref<8x3x16x64xf32, #tpu.memory_space<hbm>>) dst(%arg4 : memref<8x3x16x64xf32, #tpu.memory_space<vmem>>)
    %add3A_1387 = arith.constant 216 : i32
    %add3A_1388 = arith.addi %mul3A_32, %add3A_1387 : i32
    %dma_wait3A_1389 = arith.constant 0 : i32
    %dma_wait3A_1390 = arith.constant 0 : i32
    %dma_wait3A_1391 = arith.constant 0 : i32
    %dma_wait3A_1392 = tpu.memref_slice %arg3[%select_n3A, %add3A_1388, %dma_wait3A_1389, %dma_wait3A_1390, %dma_wait3A_1391] : memref<8x1025x3x16x64xf32, #tpu.memory_space<hbm>> -> memref<1x8x3x16x64xf32, #tpu.memory_space<hbm>>
    %dma_wait3A_1393 = tpu.memref_squeeze %dma_wait3A_1392 : memref<1x8x3x16x64xf32, #tpu.memory_space<hbm>> -> memref<8x3x16x64xf32, #tpu.memory_space<hbm>>
    %dma_wait3A_1394 = arith.constant 0 : i32
    %dma_wait3A_1395 = arith.constant 0 : i32
    %dma_wait3A_1396 = arith.constant 0 : i32
    %dma_wait3A_1397 = tpu.memref_slice %arg3[%select_n3A, %add3A_1388, %dma_wait3A_1394, %dma_wait3A_1395, %dma_wait3A_1396] : memref<8x1025x3x16x64xf32, #tpu.memory_space<hbm>> -> memref<1x8x3x16x64xf32, #tpu.memory_space<hbm>>
    %dma_wait3A_1398 = tpu.memref_squeeze %dma_wait3A_1397 : memref<1x8x3x16x64xf32, #tpu.memory_space<hbm>> -> memref<8x3x16x64xf32, #tpu.memory_space<hbm>>
    tpu.wait_dma2 semaphore(%arg9 : memref<!tpu.dma_semaphore, #tpu.memory_space<semaphore_mem>>) src(%arg5 : memref<8x3x16x64xf32, #tpu.memory_space<vmem>>) dst(%dma_wait3A_1398 : memref<8x3x16x64xf32, #tpu.memory_space<hbm>>)
    %add3A_1399 = arith.constant 224 : i32
    %add3A_1400 = arith.addi %mul3A_32, %add3A_1399 : i32
    %dma_start3A_1401 = arith.constant 0 : i32
    %dma_start3A_1402 = arith.constant 0 : i32
    %dma_start3A_1403 = arith.constant 0 : i32
    %dma_start3A_1404 = tpu.memref_slice %arg3[%select_n3A, %add3A_1400, %dma_start3A_1401, %dma_start3A_1402, %dma_start3A_1403] : memref<8x1025x3x16x64xf32, #tpu.memory_space<hbm>> -> memref<1x8x3x16x64xf32, #tpu.memory_space<hbm>>
    %dma_start3A_1405 = tpu.memref_squeeze %dma_start3A_1404 : memref<1x8x3x16x64xf32, #tpu.memory_space<hbm>> -> memref<8x3x16x64xf32, #tpu.memory_space<hbm>>
    %dma_start3A_1406 = arith.constant 0 : i32
    %dma_start3A_1407 = arith.constant 0 : i32
    %dma_start3A_1408 = arith.constant 0 : i32
    %dma_start3A_1409 = tpu.memref_slice %arg3[%select_n3A, %add3A_1400, %dma_start3A_1406, %dma_start3A_1407, %dma_start3A_1408] : memref<8x1025x3x16x64xf32, #tpu.memory_space<hbm>> -> memref<1x8x3x16x64xf32, #tpu.memory_space<hbm>>
    %dma_start3A_1410 = tpu.memref_squeeze %dma_start3A_1409 : memref<1x8x3x16x64xf32, #tpu.memory_space<hbm>> -> memref<8x3x16x64xf32, #tpu.memory_space<hbm>>
    tpu.enqueue_dma source(%arg4 : memref<8x3x16x64xf32, #tpu.memory_space<vmem>>) target(%dma_start3A_1410 : memref<8x3x16x64xf32, #tpu.memory_space<hbm>>) target_semaphore(%arg8 : memref<!tpu.dma_semaphore, #tpu.memory_space<semaphore_mem>>)
    %add3A_1411 = arith.constant 232 : i32
    %add3A_1412 = arith.addi %mul3A_32, %add3A_1411 : i32
    %dma_start3A_1413 = arith.constant 0 : i32
    %dma_start3A_1414 = arith.constant 0 : i32
    %dma_start3A_1415 = arith.constant 0 : i32
    %dma_start3A_1416 = tpu.memref_slice %arg2[%select_n3A, %add3A_1412, %dma_start3A_1413, %dma_start3A_1414, %dma_start3A_1415] : memref<8x1025x3x16x64xf32, #tpu.memory_space<hbm>> -> memref<1x8x3x16x64xf32, #tpu.memory_space<hbm>>
    %dma_start3A_1417 = tpu.memref_squeeze %dma_start3A_1416 : memref<1x8x3x16x64xf32, #tpu.memory_space<hbm>> -> memref<8x3x16x64xf32, #tpu.memory_space<hbm>>
    %dma_start3A_1418 = arith.constant 0 : i32
    %dma_start3A_1419 = arith.constant 0 : i32
    %dma_start3A_1420 = arith.constant 0 : i32
    %dma_start3A_1421 = tpu.memref_slice %arg2[%select_n3A, %add3A_1412, %dma_start3A_1418, %dma_start3A_1419, %dma_start3A_1420] : memref<8x1025x3x16x64xf32, #tpu.memory_space<hbm>> -> memref<1x8x3x16x64xf32, #tpu.memory_space<hbm>>
    %dma_start3A_1422 = tpu.memref_squeeze %dma_start3A_1421 : memref<1x8x3x16x64xf32, #tpu.memory_space<hbm>> -> memref<8x3x16x64xf32, #tpu.memory_space<hbm>>
    tpu.enqueue_dma source(%dma_start3A_1422 : memref<8x3x16x64xf32, #tpu.memory_space<hbm>>) target(%arg5 : memref<8x3x16x64xf32, #tpu.memory_space<vmem>>) target_semaphore(%arg7 : memref<!tpu.dma_semaphore, #tpu.memory_space<semaphore_mem>>)
    %add3A_1423 = arith.constant 232 : i32
    %add3A_1424 = arith.addi %mul3A_32, %add3A_1423 : i32
    %dma_wait3A_1425 = arith.constant 0 : i32
    %dma_wait3A_1426 = arith.constant 0 : i32
    %dma_wait3A_1427 = arith.constant 0 : i32
    %dma_wait3A_1428 = tpu.memref_slice %arg2[%select_n3A, %add3A_1424, %dma_wait3A_1425, %dma_wait3A_1426, %dma_wait3A_1427] : memref<8x1025x3x16x64xf32, #tpu.memory_space<hbm>> -> memref<1x8x3x16x64xf32, #tpu.memory_space<hbm>>
    %dma_wait3A_1429 = tpu.memref_squeeze %dma_wait3A_1428 : memref<1x8x3x16x64xf32, #tpu.memory_space<hbm>> -> memref<8x3x16x64xf32, #tpu.memory_space<hbm>>
    %dma_wait3A_1430 = arith.constant 0 : i32
    %dma_wait3A_1431 = arith.constant 0 : i32
    %dma_wait3A_1432 = arith.constant 0 : i32
    %dma_wait3A_1433 = tpu.memref_slice %arg2[%select_n3A, %add3A_1424, %dma_wait3A_1430, %dma_wait3A_1431, %dma_wait3A_1432] : memref<8x1025x3x16x64xf32, #tpu.memory_space<hbm>> -> memref<1x8x3x16x64xf32, #tpu.memory_space<hbm>>
    %dma_wait3A_1434 = tpu.memref_squeeze %dma_wait3A_1433 : memref<1x8x3x16x64xf32, #tpu.memory_space<hbm>> -> memref<8x3x16x64xf32, #tpu.memory_space<hbm>>
    tpu.wait_dma2 semaphore(%arg7 : memref<!tpu.dma_semaphore, #tpu.memory_space<semaphore_mem>>) src(%dma_wait3A_1434 : memref<8x3x16x64xf32, #tpu.memory_space<hbm>>) dst(%arg5 : memref<8x3x16x64xf32, #tpu.memory_space<vmem>>)
    %add3A_1435 = arith.constant 224 : i32
    %add3A_1436 = arith.addi %mul3A_32, %add3A_1435 : i32
    %dma_wait3A_1437 = arith.constant 0 : i32
    %dma_wait3A_1438 = arith.constant 0 : i32
    %dma_wait3A_1439 = arith.constant 0 : i32
    %dma_wait3A_1440 = tpu.memref_slice %arg3[%select_n3A, %add3A_1436, %dma_wait3A_1437, %dma_wait3A_1438, %dma_wait3A_1439] : memref<8x1025x3x16x64xf32, #tpu.memory_space<hbm>> -> memref<1x8x3x16x64xf32, #tpu.memory_space<hbm>>
    %dma_wait3A_1441 = tpu.memref_squeeze %dma_wait3A_1440 : memref<1x8x3x16x64xf32, #tpu.memory_space<hbm>> -> memref<8x3x16x64xf32, #tpu.memory_space<hbm>>
    %dma_wait3A_1442 = arith.constant 0 : i32
    %dma_wait3A_1443 = arith.constant 0 : i32
    %dma_wait3A_1444 = arith.constant 0 : i32
    %dma_wait3A_1445 = tpu.memref_slice %arg3[%select_n3A, %add3A_1436, %dma_wait3A_1442, %dma_wait3A_1443, %dma_wait3A_1444] : memref<8x1025x3x16x64xf32, #tpu.memory_space<hbm>> -> memref<1x8x3x16x64xf32, #tpu.memory_space<hbm>>
    %dma_wait3A_1446 = tpu.memref_squeeze %dma_wait3A_1445 : memref<1x8x3x16x64xf32, #tpu.memory_space<hbm>> -> memref<8x3x16x64xf32, #tpu.memory_space<hbm>>
    tpu.wait_dma2 semaphore(%arg8 : memref<!tpu.dma_semaphore, #tpu.memory_space<semaphore_mem>>) src(%arg4 : memref<8x3x16x64xf32, #tpu.memory_space<vmem>>) dst(%dma_wait3A_1446 : memref<8x3x16x64xf32, #tpu.memory_space<hbm>>)
    %add3A_1447 = arith.constant 232 : i32
    %add3A_1448 = arith.addi %mul3A_32, %add3A_1447 : i32
    %dma_start3A_1449 = arith.constant 0 : i32
    %dma_start3A_1450 = arith.constant 0 : i32
    %dma_start3A_1451 = arith.constant 0 : i32
    %dma_start3A_1452 = tpu.memref_slice %arg3[%select_n3A, %add3A_1448, %dma_start3A_1449, %dma_start3A_1450, %dma_start3A_1451] : memref<8x1025x3x16x64xf32, #tpu.memory_space<hbm>> -> memref<1x8x3x16x64xf32, #tpu.memory_space<hbm>>
    %dma_start3A_1453 = tpu.memref_squeeze %dma_start3A_1452 : memref<1x8x3x16x64xf32, #tpu.memory_space<hbm>> -> memref<8x3x16x64xf32, #tpu.memory_space<hbm>>
    %dma_start3A_1454 = arith.constant 0 : i32
    %dma_start3A_1455 = arith.constant 0 : i32
    %dma_start3A_1456 = arith.constant 0 : i32
    %dma_start3A_1457 = tpu.memref_slice %arg3[%select_n3A, %add3A_1448, %dma_start3A_1454, %dma_start3A_1455, %dma_start3A_1456] : memref<8x1025x3x16x64xf32, #tpu.memory_space<hbm>> -> memref<1x8x3x16x64xf32, #tpu.memory_space<hbm>>
    %dma_start3A_1458 = tpu.memref_squeeze %dma_start3A_1457 : memref<1x8x3x16x64xf32, #tpu.memory_space<hbm>> -> memref<8x3x16x64xf32, #tpu.memory_space<hbm>>
    tpu.enqueue_dma source(%arg5 : memref<8x3x16x64xf32, #tpu.memory_space<vmem>>) target(%dma_start3A_1458 : memref<8x3x16x64xf32, #tpu.memory_space<hbm>>) target_semaphore(%arg9 : memref<!tpu.dma_semaphore, #tpu.memory_space<semaphore_mem>>)
    %add3A_1459 = arith.constant 240 : i32
    %add3A_1460 = arith.addi %mul3A_32, %add3A_1459 : i32
    %dma_start3A_1461 = arith.constant 0 : i32
    %dma_start3A_1462 = arith.constant 0 : i32
    %dma_start3A_1463 = arith.constant 0 : i32
    %dma_start3A_1464 = tpu.memref_slice %arg2[%select_n3A, %add3A_1460, %dma_start3A_1461, %dma_start3A_1462, %dma_start3A_1463] : memref<8x1025x3x16x64xf32, #tpu.memory_space<hbm>> -> memref<1x8x3x16x64xf32, #tpu.memory_space<hbm>>
    %dma_start3A_1465 = tpu.memref_squeeze %dma_start3A_1464 : memref<1x8x3x16x64xf32, #tpu.memory_space<hbm>> -> memref<8x3x16x64xf32, #tpu.memory_space<hbm>>
    %dma_start3A_1466 = arith.constant 0 : i32
    %dma_start3A_1467 = arith.constant 0 : i32
    %dma_start3A_1468 = arith.constant 0 : i32
    %dma_start3A_1469 = tpu.memref_slice %arg2[%select_n3A, %add3A_1460, %dma_start3A_1466, %dma_start3A_1467, %dma_start3A_1468] : memref<8x1025x3x16x64xf32, #tpu.memory_space<hbm>> -> memref<1x8x3x16x64xf32, #tpu.memory_space<hbm>>
    %dma_start3A_1470 = tpu.memref_squeeze %dma_start3A_1469 : memref<1x8x3x16x64xf32, #tpu.memory_space<hbm>> -> memref<8x3x16x64xf32, #tpu.memory_space<hbm>>
    tpu.enqueue_dma source(%dma_start3A_1470 : memref<8x3x16x64xf32, #tpu.memory_space<hbm>>) target(%arg4 : memref<8x3x16x64xf32, #tpu.memory_space<vmem>>) target_semaphore(%arg6 : memref<!tpu.dma_semaphore, #tpu.memory_space<semaphore_mem>>)
    %add3A_1471 = arith.constant 240 : i32
    %add3A_1472 = arith.addi %mul3A_32, %add3A_1471 : i32
    %dma_wait3A_1473 = arith.constant 0 : i32
    %dma_wait3A_1474 = arith.constant 0 : i32
    %dma_wait3A_1475 = arith.constant 0 : i32
    %dma_wait3A_1476 = tpu.memref_slice %arg2[%select_n3A, %add3A_1472, %dma_wait3A_1473, %dma_wait3A_1474, %dma_wait3A_1475] : memref<8x1025x3x16x64xf32, #tpu.memory_space<hbm>> -> memref<1x8x3x16x64xf32, #tpu.memory_space<hbm>>
    %dma_wait3A_1477 = tpu.memref_squeeze %dma_wait3A_1476 : memref<1x8x3x16x64xf32, #tpu.memory_space<hbm>> -> memref<8x3x16x64xf32, #tpu.memory_space<hbm>>
    %dma_wait3A_1478 = arith.constant 0 : i32
    %dma_wait3A_1479 = arith.constant 0 : i32
    %dma_wait3A_1480 = arith.constant 0 : i32
    %dma_wait3A_1481 = tpu.memref_slice %arg2[%select_n3A, %add3A_1472, %dma_wait3A_1478, %dma_wait3A_1479, %dma_wait3A_1480] : memref<8x1025x3x16x64xf32, #tpu.memory_space<hbm>> -> memref<1x8x3x16x64xf32, #tpu.memory_space<hbm>>
    %dma_wait3A_1482 = tpu.memref_squeeze %dma_wait3A_1481 : memref<1x8x3x16x64xf32, #tpu.memory_space<hbm>> -> memref<8x3x16x64xf32, #tpu.memory_space<hbm>>
    tpu.wait_dma2 semaphore(%arg6 : memref<!tpu.dma_semaphore, #tpu.memory_space<semaphore_mem>>) src(%dma_wait3A_1482 : memref<8x3x16x64xf32, #tpu.memory_space<hbm>>) dst(%arg4 : memref<8x3x16x64xf32, #tpu.memory_space<vmem>>)
    %add3A_1483 = arith.constant 232 : i32
    %add3A_1484 = arith.addi %mul3A_32, %add3A_1483 : i32
    %dma_wait3A_1485 = arith.constant 0 : i32
    %dma_wait3A_1486 = arith.constant 0 : i32
    %dma_wait3A_1487 = arith.constant 0 : i32
    %dma_wait3A_1488 = tpu.memref_slice %arg3[%select_n3A, %add3A_1484, %dma_wait3A_1485, %dma_wait3A_1486, %dma_wait3A_1487] : memref<8x1025x3x16x64xf32, #tpu.memory_space<hbm>> -> memref<1x8x3x16x64xf32, #tpu.memory_space<hbm>>
    %dma_wait3A_1489 = tpu.memref_squeeze %dma_wait3A_1488 : memref<1x8x3x16x64xf32, #tpu.memory_space<hbm>> -> memref<8x3x16x64xf32, #tpu.memory_space<hbm>>
    %dma_wait3A_1490 = arith.constant 0 : i32
    %dma_wait3A_1491 = arith.constant 0 : i32
    %dma_wait3A_1492 = arith.constant 0 : i32
    %dma_wait3A_1493 = tpu.memref_slice %arg3[%select_n3A, %add3A_1484, %dma_wait3A_1490, %dma_wait3A_1491, %dma_wait3A_1492] : memref<8x1025x3x16x64xf32, #tpu.memory_space<hbm>> -> memref<1x8x3x16x64xf32, #tpu.memory_space<hbm>>
    %dma_wait3A_1494 = tpu.memref_squeeze %dma_wait3A_1493 : memref<1x8x3x16x64xf32, #tpu.memory_space<hbm>> -> memref<8x3x16x64xf32, #tpu.memory_space<hbm>>
    tpu.wait_dma2 semaphore(%arg9 : memref<!tpu.dma_semaphore, #tpu.memory_space<semaphore_mem>>) src(%arg5 : memref<8x3x16x64xf32, #tpu.memory_space<vmem>>) dst(%dma_wait3A_1494 : memref<8x3x16x64xf32, #tpu.memory_space<hbm>>)
    %add3A_1495 = arith.constant 240 : i32
    %add3A_1496 = arith.addi %mul3A_32, %add3A_1495 : i32
    %dma_start3A_1497 = arith.constant 0 : i32
    %dma_start3A_1498 = arith.constant 0 : i32
    %dma_start3A_1499 = arith.constant 0 : i32
    %dma_start3A_1500 = tpu.memref_slice %arg3[%select_n3A, %add3A_1496, %dma_start3A_1497, %dma_start3A_1498, %dma_start3A_1499] : memref<8x1025x3x16x64xf32, #tpu.memory_space<hbm>> -> memref<1x8x3x16x64xf32, #tpu.memory_space<hbm>>
    %dma_start3A_1501 = tpu.memref_squeeze %dma_start3A_1500 : memref<1x8x3x16x64xf32, #tpu.memory_space<hbm>> -> memref<8x3x16x64xf32, #tpu.memory_space<hbm>>
    %dma_start3A_1502 = arith.constant 0 : i32
    %dma_start3A_1503 = arith.constant 0 : i32
    %dma_start3A_1504 = arith.constant 0 : i32
    %dma_start3A_1505 = tpu.memref_slice %arg3[%select_n3A, %add3A_1496, %dma_start3A_1502, %dma_start3A_1503, %dma_start3A_1504] : memref<8x1025x3x16x64xf32, #tpu.memory_space<hbm>> -> memref<1x8x3x16x64xf32, #tpu.memory_space<hbm>>
    %dma_start3A_1506 = tpu.memref_squeeze %dma_start3A_1505 : memref<1x8x3x16x64xf32, #tpu.memory_space<hbm>> -> memref<8x3x16x64xf32, #tpu.memory_space<hbm>>
    tpu.enqueue_dma source(%arg4 : memref<8x3x16x64xf32, #tpu.memory_space<vmem>>) target(%dma_start3A_1506 : memref<8x3x16x64xf32, #tpu.memory_space<hbm>>) target_semaphore(%arg8 : memref<!tpu.dma_semaphore, #tpu.memory_space<semaphore_mem>>)
    %add3A_1507 = arith.constant 248 : i32
    %add3A_1508 = arith.addi %mul3A_32, %add3A_1507 : i32
    %dma_start3A_1509 = arith.constant 0 : i32
    %dma_start3A_1510 = arith.constant 0 : i32
    %dma_start3A_1511 = arith.constant 0 : i32
    %dma_start3A_1512 = tpu.memref_slice %arg2[%select_n3A, %add3A_1508, %dma_start3A_1509, %dma_start3A_1510, %dma_start3A_1511] : memref<8x1025x3x16x64xf32, #tpu.memory_space<hbm>> -> memref<1x8x3x16x64xf32, #tpu.memory_space<hbm>>
    %dma_start3A_1513 = tpu.memref_squeeze %dma_start3A_1512 : memref<1x8x3x16x64xf32, #tpu.memory_space<hbm>> -> memref<8x3x16x64xf32, #tpu.memory_space<hbm>>
    %dma_start3A_1514 = arith.constant 0 : i32
    %dma_start3A_1515 = arith.constant 0 : i32
    %dma_start3A_1516 = arith.constant 0 : i32
    %dma_start3A_1517 = tpu.memref_slice %arg2[%select_n3A, %add3A_1508, %dma_start3A_1514, %dma_start3A_1515, %dma_start3A_1516] : memref<8x1025x3x16x64xf32, #tpu.memory_space<hbm>> -> memref<1x8x3x16x64xf32, #tpu.memory_space<hbm>>
    %dma_start3A_1518 = tpu.memref_squeeze %dma_start3A_1517 : memref<1x8x3x16x64xf32, #tpu.memory_space<hbm>> -> memref<8x3x16x64xf32, #tpu.memory_space<hbm>>
    tpu.enqueue_dma source(%dma_start3A_1518 : memref<8x3x16x64xf32, #tpu.memory_space<hbm>>) target(%arg5 : memref<8x3x16x64xf32, #tpu.memory_space<vmem>>) target_semaphore(%arg7 : memref<!tpu.dma_semaphore, #tpu.memory_space<semaphore_mem>>)
    %add3A_1519 = arith.constant 248 : i32
    %add3A_1520 = arith.addi %mul3A_32, %add3A_1519 : i32
    %dma_wait3A_1521 = arith.constant 0 : i32
    %dma_wait3A_1522 = arith.constant 0 : i32
    %dma_wait3A_1523 = arith.constant 0 : i32
    %dma_wait3A_1524 = tpu.memref_slice %arg2[%select_n3A, %add3A_1520, %dma_wait3A_1521, %dma_wait3A_1522, %dma_wait3A_1523] : memref<8x1025x3x16x64xf32, #tpu.memory_space<hbm>> -> memref<1x8x3x16x64xf32, #tpu.memory_space<hbm>>
    %dma_wait3A_1525 = tpu.memref_squeeze %dma_wait3A_1524 : memref<1x8x3x16x64xf32, #tpu.memory_space<hbm>> -> memref<8x3x16x64xf32, #tpu.memory_space<hbm>>
    %dma_wait3A_1526 = arith.constant 0 : i32
    %dma_wait3A_1527 = arith.constant 0 : i32
    %dma_wait3A_1528 = arith.constant 0 : i32
    %dma_wait3A_1529 = tpu.memref_slice %arg2[%select_n3A, %add3A_1520, %dma_wait3A_1526, %dma_wait3A_1527, %dma_wait3A_1528] : memref<8x1025x3x16x64xf32, #tpu.memory_space<hbm>> -> memref<1x8x3x16x64xf32, #tpu.memory_space<hbm>>
    %dma_wait3A_1530 = tpu.memref_squeeze %dma_wait3A_1529 : memref<1x8x3x16x64xf32, #tpu.memory_space<hbm>> -> memref<8x3x16x64xf32, #tpu.memory_space<hbm>>
    tpu.wait_dma2 semaphore(%arg7 : memref<!tpu.dma_semaphore, #tpu.memory_space<semaphore_mem>>) src(%dma_wait3A_1530 : memref<8x3x16x64xf32, #tpu.memory_space<hbm>>) dst(%arg5 : memref<8x3x16x64xf32, #tpu.memory_space<vmem>>)
    %add3A_1531 = arith.constant 240 : i32
    %add3A_1532 = arith.addi %mul3A_32, %add3A_1531 : i32
    %dma_wait3A_1533 = arith.constant 0 : i32
    %dma_wait3A_1534 = arith.constant 0 : i32
    %dma_wait3A_1535 = arith.constant 0 : i32
    %dma_wait3A_1536 = tpu.memref_slice %arg3[%select_n3A, %add3A_1532, %dma_wait3A_1533, %dma_wait3A_1534, %dma_wait3A_1535] : memref<8x1025x3x16x64xf32, #tpu.memory_space<hbm>> -> memref<1x8x3x16x64xf32, #tpu.memory_space<hbm>>
    %dma_wait3A_1537 = tpu.memref_squeeze %dma_wait3A_1536 : memref<1x8x3x16x64xf32, #tpu.memory_space<hbm>> -> memref<8x3x16x64xf32, #tpu.memory_space<hbm>>
    %dma_wait3A_1538 = arith.constant 0 : i32
    %dma_wait3A_1539 = arith.constant 0 : i32
    %dma_wait3A_1540 = arith.constant 0 : i32
    %dma_wait3A_1541 = tpu.memref_slice %arg3[%select_n3A, %add3A_1532, %dma_wait3A_1538, %dma_wait3A_1539, %dma_wait3A_1540] : memref<8x1025x3x16x64xf32, #tpu.memory_space<hbm>> -> memref<1x8x3x16x64xf32, #tpu.memory_space<hbm>>
    %dma_wait3A_1542 = tpu.memref_squeeze %dma_wait3A_1541 : memref<1x8x3x16x64xf32, #tpu.memory_space<hbm>> -> memref<8x3x16x64xf32, #tpu.memory_space<hbm>>
    tpu.wait_dma2 semaphore(%arg8 : memref<!tpu.dma_semaphore, #tpu.memory_space<semaphore_mem>>) src(%arg4 : memref<8x3x16x64xf32, #tpu.memory_space<vmem>>) dst(%dma_wait3A_1542 : memref<8x3x16x64xf32, #tpu.memory_space<hbm>>)
    %add3A_1543 = arith.constant 248 : i32
    %add3A_1544 = arith.addi %mul3A_32, %add3A_1543 : i32
    %dma_start3A_1545 = arith.constant 0 : i32
    %dma_start3A_1546 = arith.constant 0 : i32
    %dma_start3A_1547 = arith.constant 0 : i32
    %dma_start3A_1548 = tpu.memref_slice %arg3[%select_n3A, %add3A_1544, %dma_start3A_1545, %dma_start3A_1546, %dma_start3A_1547] : memref<8x1025x3x16x64xf32, #tpu.memory_space<hbm>> -> memref<1x8x3x16x64xf32, #tpu.memory_space<hbm>>
    %dma_start3A_1549 = tpu.memref_squeeze %dma_start3A_1548 : memref<1x8x3x16x64xf32, #tpu.memory_space<hbm>> -> memref<8x3x16x64xf32, #tpu.memory_space<hbm>>
    %dma_start3A_1550 = arith.constant 0 : i32
    %dma_start3A_1551 = arith.constant 0 : i32
    %dma_start3A_1552 = arith.constant 0 : i32
    %dma_start3A_1553 = tpu.memref_slice %arg3[%select_n3A, %add3A_1544, %dma_start3A_1550, %dma_start3A_1551, %dma_start3A_1552] : memref<8x1025x3x16x64xf32, #tpu.memory_space<hbm>> -> memref<1x8x3x16x64xf32, #tpu.memory_space<hbm>>
    %dma_start3A_1554 = tpu.memref_squeeze %dma_start3A_1553 : memref<1x8x3x16x64xf32, #tpu.memory_space<hbm>> -> memref<8x3x16x64xf32, #tpu.memory_space<hbm>>
    tpu.enqueue_dma source(%arg5 : memref<8x3x16x64xf32, #tpu.memory_space<vmem>>) target(%dma_start3A_1554 : memref<8x3x16x64xf32, #tpu.memory_space<hbm>>) target_semaphore(%arg9 : memref<!tpu.dma_semaphore, #tpu.memory_space<semaphore_mem>>)
    %add3A_1555 = arith.constant 248 : i32
    %add3A_1556 = arith.addi %mul3A_32, %add3A_1555 : i32
    %dma_wait3A_1557 = arith.constant 0 : i32
    %dma_wait3A_1558 = arith.constant 0 : i32
    %dma_wait3A_1559 = arith.constant 0 : i32
    %dma_wait3A_1560 = tpu.memref_slice %arg3[%select_n3A, %add3A_1556, %dma_wait3A_1557, %dma_wait3A_1558, %dma_wait3A_1559] : memref<8x1025x3x16x64xf32, #tpu.memory_space<hbm>> -> memref<1x8x3x16x64xf32, #tpu.memory_space<hbm>>
    %dma_wait3A_1561 = tpu.memref_squeeze %dma_wait3A_1560 : memref<1x8x3x16x64xf32, #tpu.memory_space<hbm>> -> memref<8x3x16x64xf32, #tpu.memory_space<hbm>>
    %dma_wait3A_1562 = arith.constant 0 : i32
    %dma_wait3A_1563 = arith.constant 0 : i32
    %dma_wait3A_1564 = arith.constant 0 : i32
    %dma_wait3A_1565 = tpu.memref_slice %arg3[%select_n3A, %add3A_1556, %dma_wait3A_1562, %dma_wait3A_1563, %dma_wait3A_1564] : memref<8x1025x3x16x64xf32, #tpu.memory_space<hbm>> -> memref<1x8x3x16x64xf32, #tpu.memory_space<hbm>>
    %dma_wait3A_1566 = tpu.memref_squeeze %dma_wait3A_1565 : memref<1x8x3x16x64xf32, #tpu.memory_space<hbm>> -> memref<8x3x16x64xf32, #tpu.memory_space<hbm>>
    tpu.wait_dma2 semaphore(%arg9 : memref<!tpu.dma_semaphore, #tpu.memory_space<semaphore_mem>>) src(%arg5 : memref<8x3x16x64xf32, #tpu.memory_space<vmem>>) dst(%dma_wait3A_1566 : memref<8x3x16x64xf32, #tpu.memory_space<hbm>>)
    %eq3A_1567 = arith.constant 0 : i32
    %eq3A_1568 = arith.cmpi eq, %select_n3A_30, %eq3A_1567 : i32
    %convert_element_type3A = arith.extui %eq3A_1568 : i1 to i32
    %cond3A = arith.constant 0 : i32
    %cond3A_1569 = arith.cmpi ne, %convert_element_type3A, %cond3A : i32
    scf.if %cond3A_1569 {
      "tpu.region"() ({
        %run_scoped3A = tpu.sem_alloc : memref<!tpu.dma_semaphore, #tpu.memory_space<semaphore_mem>>
        %dma_start3A_1570 = arith.constant 0 : i32
        %dma_start3A_1571 = arith.constant 0 : i32
        %dma_start3A_1572 = arith.constant 0 : i32
        %dma_start3A_1573 = arith.constant 0 : i32
        %dma_start3A_1574 = tpu.memref_slice %arg4[%dma_start3A_1570, %dma_start3A_1571, %dma_start3A_1572, %dma_start3A_1573] : memref<8x3x16x64xf32, #tpu.memory_space<vmem>> -> memref<1x3x16x64xf32, #tpu.memory_space<vmem>>
        %dma_start3A_1575 = arith.constant 1024 : i32
        %dma_start3A_1576 = arith.constant 0 : i32
        %dma_start3A_1577 = arith.constant 0 : i32
        %dma_start3A_1578 = arith.constant 0 : i32
        %dma_start3A_1579 = tpu.memref_slice %arg2[%select_n3A, %dma_start3A_1575, %dma_start3A_1576, %dma_start3A_1577, %dma_start3A_1578] : memref<8x1025x3x16x64xf32, #tpu.memory_space<hbm>> -> memref<1x1x3x16x64xf32, #tpu.memory_space<hbm>>
        %dma_start3A_1580 = tpu.memref_squeeze %dma_start3A_1579 : memref<1x1x3x16x64xf32, #tpu.memory_space<hbm>> -> memref<1x3x16x64xf32, #tpu.memory_space<hbm>>
        %dma_start3A_1581 = arith.constant 0 : i32
        %dma_start3A_1582 = arith.constant 0 : i32
        %dma_start3A_1583 = arith.constant 0 : i32
        %dma_start3A_1584 = arith.constant 0 : i32
        %dma_start3A_1585 = tpu.memref_slice %arg4[%dma_start3A_1581, %dma_start3A_1582, %dma_start3A_1583, %dma_start3A_1584] : memref<8x3x16x64xf32, #tpu.memory_space<vmem>> -> memref<1x3x16x64xf32, #tpu.memory_space<vmem>>
        %dma_start3A_1586 = arith.constant 1024 : i32
        %dma_start3A_1587 = arith.constant 0 : i32
        %dma_start3A_1588 = arith.constant 0 : i32
        %dma_start3A_1589 = arith.constant 0 : i32
        %dma_start3A_1590 = tpu.memref_slice %arg2[%select_n3A, %dma_start3A_1586, %dma_start3A_1587, %dma_start3A_1588, %dma_start3A_1589] : memref<8x1025x3x16x64xf32, #tpu.memory_space<hbm>> -> memref<1x1x3x16x64xf32, #tpu.memory_space<hbm>>
        %dma_start3A_1591 = tpu.memref_squeeze %dma_start3A_1590 : memref<1x1x3x16x64xf32, #tpu.memory_space<hbm>> -> memref<1x3x16x64xf32, #tpu.memory_space<hbm>>
        tpu.enqueue_dma source(%dma_start3A_1591 : memref<1x3x16x64xf32, #tpu.memory_space<hbm>>) target(%dma_start3A_1585 : memref<1x3x16x64xf32, #tpu.memory_space<vmem>>) target_semaphore(%run_scoped3A : memref<!tpu.dma_semaphore, #tpu.memory_space<semaphore_mem>>)
        %dma_wait3A_1592 = arith.constant 0 : i32
        %dma_wait3A_1593 = arith.constant 0 : i32
        %dma_wait3A_1594 = arith.constant 0 : i32
        %dma_wait3A_1595 = arith.constant 0 : i32
        %dma_wait3A_1596 = tpu.memref_slice %arg4[%dma_wait3A_1592, %dma_wait3A_1593, %dma_wait3A_1594, %dma_wait3A_1595] : memref<8x3x16x64xf32, #tpu.memory_space<vmem>> -> memref<1x3x16x64xf32, #tpu.memory_space<vmem>>
        %dma_wait3A_1597 = arith.constant 1024 : i32
        %dma_wait3A_1598 = arith.constant 0 : i32
        %dma_wait3A_1599 = arith.constant 0 : i32
        %dma_wait3A_1600 = arith.constant 0 : i32
        %dma_wait3A_1601 = tpu.memref_slice %arg2[%select_n3A, %dma_wait3A_1597, %dma_wait3A_1598, %dma_wait3A_1599, %dma_wait3A_1600] : memref<8x1025x3x16x64xf32, #tpu.memory_space<hbm>> -> memref<1x1x3x16x64xf32, #tpu.memory_space<hbm>>
        %dma_wait3A_1602 = tpu.memref_squeeze %dma_wait3A_1601 : memref<1x1x3x16x64xf32, #tpu.memory_space<hbm>> -> memref<1x3x16x64xf32, #tpu.memory_space<hbm>>
        %dma_wait3A_1603 = arith.constant 0 : i32
        %dma_wait3A_1604 = arith.constant 0 : i32
        %dma_wait3A_1605 = arith.constant 0 : i32
        %dma_wait3A_1606 = arith.constant 0 : i32
        %dma_wait3A_1607 = tpu.memref_slice %arg4[%dma_wait3A_1603, %dma_wait3A_1604, %dma_wait3A_1605, %dma_wait3A_1606] : memref<8x3x16x64xf32, #tpu.memory_space<vmem>> -> memref<1x3x16x64xf32, #tpu.memory_space<vmem>>
        %dma_wait3A_1608 = arith.constant 1024 : i32
        %dma_wait3A_1609 = arith.constant 0 : i32
        %dma_wait3A_1610 = arith.constant 0 : i32
        %dma_wait3A_1611 = arith.constant 0 : i32
        %dma_wait3A_1612 = tpu.memref_slice %arg2[%select_n3A, %dma_wait3A_1608, %dma_wait3A_1609, %dma_wait3A_1610, %dma_wait3A_1611] : memref<8x1025x3x16x64xf32, #tpu.memory_space<hbm>> -> memref<1x1x3x16x64xf32, #tpu.memory_space<hbm>>
        %dma_wait3A_1613 = tpu.memref_squeeze %dma_wait3A_1612 : memref<1x1x3x16x64xf32, #tpu.memory_space<hbm>> -> memref<1x3x16x64xf32, #tpu.memory_space<hbm>>
        tpu.wait_dma2 semaphore(%run_scoped3A : memref<!tpu.dma_semaphore, #tpu.memory_space<semaphore_mem>>) src(%dma_wait3A_1613 : memref<1x3x16x64xf32, #tpu.memory_space<hbm>>) dst(%dma_wait3A_1607 : memref<1x3x16x64xf32, #tpu.memory_space<vmem>>)
        tpu.yield
      }) : () -> ()
      "tpu.region"() ({
        %run_scoped3A = tpu.sem_alloc : memref<!tpu.dma_semaphore, #tpu.memory_space<semaphore_mem>>
        %dma_start3A_1570 = arith.constant 0 : i32
        %dma_start3A_1571 = arith.constant 0 : i32
        %dma_start3A_1572 = arith.constant 0 : i32
        %dma_start3A_1573 = arith.constant 0 : i32
        %dma_start3A_1574 = tpu.memref_slice %arg4[%dma_start3A_1570, %dma_start3A_1571, %dma_start3A_1572, %dma_start3A_1573] : memref<8x3x16x64xf32, #tpu.memory_space<vmem>> -> memref<1x3x16x64xf32, #tpu.memory_space<vmem>>
        %dma_start3A_1575 = arith.constant 1024 : i32
        %dma_start3A_1576 = arith.constant 0 : i32
        %dma_start3A_1577 = arith.constant 0 : i32
        %dma_start3A_1578 = arith.constant 0 : i32
        %dma_start3A_1579 = tpu.memref_slice %arg3[%select_n3A, %dma_start3A_1575, %dma_start3A_1576, %dma_start3A_1577, %dma_start3A_1578] : memref<8x1025x3x16x64xf32, #tpu.memory_space<hbm>> -> memref<1x1x3x16x64xf32, #tpu.memory_space<hbm>>
        %dma_start3A_1580 = tpu.memref_squeeze %dma_start3A_1579 : memref<1x1x3x16x64xf32, #tpu.memory_space<hbm>> -> memref<1x3x16x64xf32, #tpu.memory_space<hbm>>
        %dma_start3A_1581 = arith.constant 1024 : i32
        %dma_start3A_1582 = arith.constant 0 : i32
        %dma_start3A_1583 = arith.constant 0 : i32
        %dma_start3A_1584 = arith.constant 0 : i32
        %dma_start3A_1585 = tpu.memref_slice %arg3[%select_n3A, %dma_start3A_1581, %dma_start3A_1582, %dma_start3A_1583, %dma_start3A_1584] : memref<8x1025x3x16x64xf32, #tpu.memory_space<hbm>> -> memref<1x1x3x16x64xf32, #tpu.memory_space<hbm>>
        %dma_start3A_1586 = tpu.memref_squeeze %dma_start3A_1585 : memref<1x1x3x16x64xf32, #tpu.memory_space<hbm>> -> memref<1x3x16x64xf32, #tpu.memory_space<hbm>>
        %dma_start3A_1587 = arith.constant 0 : i32
        %dma_start3A_1588 = arith.constant 0 : i32
        %dma_start3A_1589 = arith.constant 0 : i32
        %dma_start3A_1590 = arith.constant 0 : i32
        %dma_start3A_1591 = tpu.memref_slice %arg4[%dma_start3A_1587, %dma_start3A_1588, %dma_start3A_1589, %dma_start3A_1590] : memref<8x3x16x64xf32, #tpu.memory_space<vmem>> -> memref<1x3x16x64xf32, #tpu.memory_space<vmem>>
        tpu.enqueue_dma source(%dma_start3A_1591 : memref<1x3x16x64xf32, #tpu.memory_space<vmem>>) target(%dma_start3A_1586 : memref<1x3x16x64xf32, #tpu.memory_space<hbm>>) target_semaphore(%run_scoped3A : memref<!tpu.dma_semaphore, #tpu.memory_space<semaphore_mem>>)
        %dma_wait3A_1592 = arith.constant 0 : i32
        %dma_wait3A_1593 = arith.constant 0 : i32
        %dma_wait3A_1594 = arith.constant 0 : i32
        %dma_wait3A_1595 = arith.constant 0 : i32
        %dma_wait3A_1596 = tpu.memref_slice %arg4[%dma_wait3A_1592, %dma_wait3A_1593, %dma_wait3A_1594, %dma_wait3A_1595] : memref<8x3x16x64xf32, #tpu.memory_space<vmem>> -> memref<1x3x16x64xf32, #tpu.memory_space<vmem>>
        %dma_wait3A_1597 = arith.constant 1024 : i32
        %dma_wait3A_1598 = arith.constant 0 : i32
        %dma_wait3A_1599 = arith.constant 0 : i32
        %dma_wait3A_1600 = arith.constant 0 : i32
        %dma_wait3A_1601 = tpu.memref_slice %arg3[%select_n3A, %dma_wait3A_1597, %dma_wait3A_1598, %dma_wait3A_1599, %dma_wait3A_1600] : memref<8x1025x3x16x64xf32, #tpu.memory_space<hbm>> -> memref<1x1x3x16x64xf32, #tpu.memory_space<hbm>>
        %dma_wait3A_1602 = tpu.memref_squeeze %dma_wait3A_1601 : memref<1x1x3x16x64xf32, #tpu.memory_space<hbm>> -> memref<1x3x16x64xf32, #tpu.memory_space<hbm>>
        %dma_wait3A_1603 = arith.constant 1024 : i32
        %dma_wait3A_1604 = arith.constant 0 : i32
        %dma_wait3A_1605 = arith.constant 0 : i32
        %dma_wait3A_1606 = arith.constant 0 : i32
        %dma_wait3A_1607 = tpu.memref_slice %arg3[%select_n3A, %dma_wait3A_1603, %dma_wait3A_1604, %dma_wait3A_1605, %dma_wait3A_1606] : memref<8x1025x3x16x64xf32, #tpu.memory_space<hbm>> -> memref<1x1x3x16x64xf32, #tpu.memory_space<hbm>>
        %dma_wait3A_1608 = tpu.memref_squeeze %dma_wait3A_1607 : memref<1x1x3x16x64xf32, #tpu.memory_space<hbm>> -> memref<1x3x16x64xf32, #tpu.memory_space<hbm>>
        %dma_wait3A_1609 = arith.constant 0 : i32
        %dma_wait3A_1610 = arith.constant 0 : i32
        %dma_wait3A_1611 = arith.constant 0 : i32
        %dma_wait3A_1612 = arith.constant 0 : i32
        %dma_wait3A_1613 = tpu.memref_slice %arg4[%dma_wait3A_1609, %dma_wait3A_1610, %dma_wait3A_1611, %dma_wait3A_1612] : memref<8x3x16x64xf32, #tpu.memory_space<vmem>> -> memref<1x3x16x64xf32, #tpu.memory_space<vmem>>
        tpu.wait_dma2 semaphore(%run_scoped3A : memref<!tpu.dma_semaphore, #tpu.memory_space<semaphore_mem>>) src(%dma_wait3A_1613 : memref<1x3x16x64xf32, #tpu.memory_space<vmem>>) dst(%dma_wait3A_1608 : memref<1x3x16x64xf32, #tpu.memory_space<hbm>>)
        tpu.yield
      }) : () -> ()
    } else {
    }
    return
  }
}

</mosaic_0001>

<sc_bundles>
// kernel: kernel.3.cloned.1.call-start
scs
__scs_entry_jumppad:
0x0: {  	(pc) =	sbr.rel $0x88, $3  }
0x1: {  	(tag) =	ssettag $0x0;
	lr =	simm.s32 $0x1  }
0x2: {  	[smem:$0x3FA0] =	sst lr;
	_ =	strace $0xD0000000  }
0x3: {  	_ = 	snop  }
0x4: {  	_ = 	snop  }
0x5: {  	_ = 	snop  }
0x6: {  	_ = 	snop  }
0x7: {  	_ = 	snop  }
__scs_overlays_trampoline_lowered:
0x8: {  	[smem:$0x3FAF] =	sst s0  }
0x9: {  	[smem:$0x3FB0] =	sst s1  }
0xa: {  	[smem:$0x3FB1] =	sst s2  }
0xb: {  	[smem:$0x3FB2] =	sst s3  }
0xc: {  	[smem:$0x3FB3] =	sst s4  }
0xd: {  	[smem:$0x3FB4] =	sst s5  }
0xe: {  	[smem:$0x3FB5] =	sst s6  }
0xf: {  	[smem:$0x3FB6] =	sst s7  }
0x10: {  	[smem:$0x3FB7] =	sst s8  }
0x11: {  	[smem:$0x3FB8] =	sst s9;
	s0 =	simm.s32 @!p0 $0x0  }
0x12: {  	s1 =	sld [smem:$0x3F9E];
	s0 =	simm.s32 @p0 $0x1  }
0x13: {  	[smem:$0x3FB9] =	sst s0;
	s0 =	simm.s32 @!p1 $0x0  }
0x14: {  	s2 =	sld [smem:$0x3F9D];
	s0 =	simm.s32 @p1 $0x1  }
0x15: {  	[smem:$0x3FBA] =	sst s0;
	s0 =	simm.s32 @!p2 $0x0  }
0x16: {  	s3 =	sld [smem:$0x3FDB];
	s0 =	simm.s32 @p2 $0x1  }
0x17: {  	s4 =	simm.s32 $0x1BF5;
	[smem:$0x3FBC] =	sst s0  }
0x18: {  	s0 =	sld [smem:$0x3F9F];
	_ =	swait.ge [sflag:s4], $0x0  }
0x19: {  	s7 =	sld [smem:$0x3FA0]  }
0x1a: {  	s8 =	sadd.s32 $0xFFFFE003, lr  }
0x1b: {  	s9 =	sadd.s32 $0xFFFFFEF7, lr;
	s5 =	simm.s32 $0xFFFFFFFF;
	p2 =	slt.u32 s8, $0xFFFFF086  }
0x1c: {  	p1 =	slt.u32 s9, $0xF7A;
	s5 =	simm.s32 @!p2 $0x0  }
0x1d: {  	s5 =	simm.s32 @p1 $0x1;
	p0 =	seq.s32 s7, s2  }
0x1e: {  	s7 =	smul.u32 @!p0 $0xF7A, s2;
	p2 =	seq.s32 @!p0 s5, $0x0  }
0x1f: {  	s9 =	smul.u32 $0xF7A, s1;
	s8 =	simm.s32 @!p0 $0x1BF5;
	p2 =	por !p2, p0  }
0x20: {  	[sflag:s8] =	ssyncset.s32 @!p0 $0xFFFFF086;
	s6 =	sadd.s32 @!p0 s3, s7;
	s7 =	simm.s32 @!p0 $0x108  }
0x21: {  	s3 =	sadd.s32 s3, s9;
	s6 =	sadd.s32 @!p0 $0x88, s6;
	s7 =	simm.s32 @p2 $0x1082  }
0x22: {  	[simem:s7], [sflag:s8] =	dma.local @!p0 [hbm:s6], $0xF7A  }
0x23: {  	s9 =	sor.u32 $0xD0000000, s2;
	s6 =	simm.s32 $0x108;
	_ =	swait.ge @!p0 [sflag:s8], $0x0  }
0x24: {  	s3 =	sadd.s32 $0x88, s3;
	s6 =	simm.s32 @!p1 $0x1082;
	[sflag:s4] =	ssyncset.s32 $0xFFFFF086  }
0x25: {  	[simem:s6], [sflag:s4] =	dma.local [hbm:s3], $0xF7A  }
0x26: {  	[smem:$0x3FA0] =	sst s1;
	(tag) =	ssettag s2;
	_ =	strace s9  }
0x27: {  	s1 =	sld [smem:$0x3FB0]  }
0x28: {  	s2 =	sld [smem:$0x3FB1]  }
0x29: {  	s4 =	sld [smem:$0x3FB3]  }
0x2a: {  	p0 =	seq.s32 s5, $0x0;
	s5 =	sld [smem:$0x3FB4]  }
0x2b: {  	s6 =	sld [smem:$0x3FB5]  }
0x2c: {  	s7 =	sld [smem:$0x3FB6]  }
0x2d: {  	s3 =	simm.s32 $0x108;
	s8 =	sld [smem:$0x3FB7]  }
0x2e: {  	s3 =	simm.s32 @!p0 $0x1082;
	s9 =	sld [smem:$0x3FB8]  }
0x2f: {  	lr =	sadd.s32 s0, s3;
	s0 =	sld [smem:$0x3FAF]  }
0x30: {  	s3 =	sld [smem:$0x3FB2]  }
0x31: {  	[smem:$0x3FBB] =	sst s10  }
0x32: {  	s10 =	sld [smem:$0x3FB9];
	_ =	sdelay $0x3  }
0x33: {  	p0 =	seq.s32 s10, $0x1;
	s10 =	sld [smem:$0x3FBB];
	_ =	sdelay $0x3  }
0x34: {  	[smem:$0x3FBB] =	sst s10  }
0x35: {  	s10 =	sld [smem:$0x3FBA];
	_ =	sdelay $0x3  }
0x36: {  	p1 =	seq.s32 s10, $0x1;
	s10 =	sld [smem:$0x3FBB];
	_ =	sdelay $0x3  }
0x37: {  	[smem:$0x3FBB] =	sst s10  }
0x38: {  	s10 =	sld [smem:$0x3FBC]  }
0x39: {  	_ = 	snop;
	(pc) =	sbr.ind lr, $3  }
0x3a: {  	_ = 	snop  }
0x3b: {  	_ = 	snop  }
0x3c: {  	p2 =	seq.s32 s10, $0x1;
	s10 =	sld [smem:$0x3FBB]  }
0x3d: {  	_ =	shalt  }
0x3e: {  	_ =	shalt  }
0x3f: {  	_ =	shalt  }
0x40: {  	_ =	shalt  }
0x41: {  	_ =	shalt  }
0x42: {  	_ =	shalt  }
0x43: {  	_ =	shalt  }
0x44: {  	_ =	shalt  }
0x45: {  	_ =	shalt  }
0x46: {  	_ =	shalt  }
0x47: {  	_ =	shalt  }
0x48: {  	_ =	shalt  }
0x49: {  	_ =	shalt  }
0x4a: {  	_ =	shalt  }
0x4b: {  	_ =	shalt  }
0x4c: {  	_ =	shalt  }
0x4d: {  	_ =	shalt  }
0x4e: {  	_ =	shalt  }
0x4f: {  	_ =	shalt  }
0x50: {  	_ =	shalt  }
0x51: {  	_ =	shalt  }
0x52: {  	_ =	shalt  }
0x53: {  	_ =	shalt  }
0x54: {  	_ =	shalt  }
0x55: {  	_ =	shalt  }
0x56: {  	_ =	shalt  }
0x57: {  	_ =	shalt  }
0x58: {  	_ =	shalt  }
0x59: {  	_ =	shalt  }
0x5a: {  	_ =	shalt  }
0x5b: {  	_ =	shalt  }
0x5c: {  	_ =	shalt  }
0x5d: {  	_ =	shalt  }
0x5e: {  	_ =	shalt  }
0x5f: {  	_ =	shalt  }
0x60: {  	_ =	shalt  }
0x61: {  	_ =	shalt  }
0x62: {  	_ =	shalt  }
0x63: {  	_ =	shalt  }
0x64: {  	_ =	shalt  }
0x65: {  	_ =	shalt  }
0x66: {  	_ =	shalt  }
0x67: {  	_ =	shalt  }
0x68: {  	_ =	shalt  }
0x69: {  	_ =	shalt  }
0x6a: {  	_ =	shalt  }
0x6b: {  	_ =	shalt  }
0x6c: {  	_ =	shalt  }
0x6d: {  	_ =	shalt  }
0x6e: {  	_ =	shalt  }
0x6f: {  	_ =	shalt  }
0x70: {  	_ =	shalt  }
0x71: {  	_ =	shalt  }
0x72: {  	_ =	shalt  }
0x73: {  	_ =	shalt  }
0x74: {  	_ =	shalt  }
0x75: {  	_ =	shalt  }
0x76: {  	_ =	shalt  }
0x77: {  	_ =	shalt  }
0x78: {  	_ =	shalt  }
0x79: {  	_ =	shalt  }
0x7a: {  	_ =	shalt  }
0x7b: {  	_ =	shalt  }
0x7c: {  	_ =	shalt  }
0x7d: {  	_ =	shalt  }
0x7e: {  	_ =	shalt  }
0x7f: {  	_ =	shalt  }
0x80: {  	_ =	shalt  }
0x81: {  	_ =	shalt  }
0x82: {  	_ =	shalt  }
0x83: {  	_ =	shalt  }
0x84: {  	_ =	shalt  }
0x85: {  	_ =	shalt  }
0x86: {  	_ =	shalt  }
0x87: {  	_ =	shalt  }
.Lfunc_end0:
.L_simem_size_0:
called_computation_lowered:
.L_overlay_start_0:
0x88: {  	s2 =	sld [smem:$0x3FD9]  }
0x89: {  	s3 =	sld [smem:$0x3FFE];
	_ =	sdelay $0x1  }
0x8a: {  	s1 =	srdreg.scid  }
0x8b: {  	s0 =	sand.u32 $0x1, s1  }
0x8c: {  	s16 =	sshll.u32 s0, $0xA;
	s2 =	sadd.s32 s3, s2  }
0x8d: {  	s2 =	sadd.s32 s2, s16  }
0x8e: {  	[smem:$0x3FC7] =	sst s2  }
0x8f: {  	_ = 	snop  }
0x90: {  	(tm) =	ssettm $0x1  }
0x91: {  	s17 =	sld [smem:$0x3FFB];
	_ =	sdelay $0x3  }
0x92: {  	_ =	strace s17  }
0x93: {  	s2 =	sld [smem:$0x3FFC];
	_ =	sdelay $0x3  }
0x94: {  	_ =	strace s2  }
0x95: {  	s2 =	sld [smem:$0x3FFD];
	_ =	sdelay $0x3  }
0x96: {  	_ =	strace s2  }
0x97: {  	_ =	strace $0x8FFFFFFF  }
0x98: {  	s18 =	sld [smem:$0x3FDB];
	_ =	sdelay $0x1  }
0x99: {  	s19 =	simm.s32 $_scs_section_size  }
0x9a: {  	s4 =	simm.s32 $_size__tile_overlayer_lowered;
	s5 =	simm.s32 $_tile_overlayer_lowered  }
0x9b: {  	s22 =	simm.s32 $0x1BFF;
	s21 =	sshll.u32 s5, $0x1;
	s2 =	sadd.s32 s19, s18  }
0x9c: {  	s6 =	simm.s32 $0x0;
	s20 =	sshll.u32 s4, $0x1;
	s4 =	sadd.s32 s21, s2  }
0x9d: {  	[timem:s6], [sflag:s22] =	dma.local [hbm:s4], s20  }
0x9e: {  	_ =	swait.ge [sflag:s22], s20  }
0x9f: {  	s3 =	ssub.s32 $0x0, s20;
	[sflag:s22] =	ssyncset.done $0x0  }
0xa0: {  	[sflag:s22] =	ssyncadd.s32 s3;
	_ =	sdelay $0x1  }
0xa1: {  	s23 =	simm.s32 $0x1B8B  }
0xa2: {  	_ =	swait.ge [sflag:s23], $0x1  }
0xa3: {  	[sflag:s23] =	ssyncset.done $0x0  }
0xa4: {  	s25 =	simm.s32 $0x1B8E;
	s24 =	sld [smem:$0x3FFE];
	[sflag:s23] =	ssyncadd.s32 $0xFFFFFFFF  }
0xa5: {  	s26 =	simm.s32 $execute0_lowered;
	[smem:$0x3FD2] =	sst s25  }
0xa6: {  	s4 =	sshll.u32 s26, $0x1;
	_ =	strace $0x80000046;
	[dreg:$0x1] =	wrdreg $0xFFFFFFFF  }
0xa7: {  	s28 =	simm.s32 $_size_execute0_lowered;
	s2 =	sadd.s32 s2, s4;
	[dreg:$0x0] =	wrdreg $0x0  }
0xa8: {  	s4 =	sshll.u32 s28, $0x1;
	[dreg:$0x2] =	wrdreg s2  }
0xa9: {  	[dreg:$0x3] =	wrdreg s4  }
0xaa: {  	[dreg:$0x4] =	wrdreg $0xC0  }
0xab: {  	_ =	task [dreg:s6], $0x5FFFF  }
0xac: {  	[dreg:$0x1] =	wrdreg $0xFFFFFFFF  }
0xad: {  	[dreg:$0x0] =	wrdreg $0x60  }
0xae: {  	[dreg:$0x2] =	wrdreg s24  }
0xaf: {  	[dreg:$0x3] =	wrdreg $0x9  }
0xb0: {  	_ =	task.clear_ibuf [dreg:s6], $0x4FFFF;
	_ =	strace $0x90000046  }
0xb1: {  	s29 =	simm.s32 $0x9;
	_ =	strace $0x80000048  }
0xb2: {  	_ =	swait.ge [sflag:s29], $0x1  }
0xb3: {  	[sflag:s29] =	ssyncadd.s32 $0xFFFFFFFF  }
0xb4: {  	_ =	strace $0x90000048  }
0xb5: {  	_ =	sfence  }
0xb6: {  	s30 =	sld [smem:$0x0];
	_ =	sdelay $0x2  }
0xb7: {  	s31 =	sshll.u32 s1, $0xD;
	s1 =	sshrl.u32 s1, $0x2  }
0xb8: {  	s3 =	sand.u32 $0x4000, s31;
	s1 =	sadd.s32 s1, s30  }
0xb9: {  	s0 =	sor.u32 s3, s0;
	s1 =	sshll.u32 s1, $0x11  }
0xba: {  	s0 =	sor.u32 s1, s0  }
0xbb: {  	s0 =	sadd.s32 $0x8F2B, s0  }
0xbc: {  	[sflag:s0] =	ssyncadd.remote.s32 $0x1  }
0xbd: {  	_ =	sfence.sel $0xFFFF  }
0xbe: {  	[dreg:$0x0] =	wrdreg $0xFFFFFFFF;
	(pc) =	sbr.abs _section_cstart, $3  }
0xbf: {  	[dreg:$0x1] =	wrdreg $0xFFFFFFFF  }
0xc0: {  	_ =	task.clear_ibuf [dreg:s6], $0x2FFFF;
	_ =	strace $0x9FFFFFFF  }
0xc1: {  	(tm) =	ssettm $0x7FFFFFFF  }
tec
execute0_lowered:
.L_overlay_start_1:
0x0: {  	(tag) =	ssettag $0x1  }
0x1: {  	s31 =	stileid.u32  }
0x2: {  	s0 =	srdreg.scid;
	s1 =	sshll.u32 s31, $0x1  }
0x3: {  	s5 =	sand.u32 $0x1, s0;
	s23 =	sshrl.u32 s31, $0x1;
	s1 =	sand.u32 $0x2, s1  }
0x4: {  	s10 =	sor.u32 s5, s1;
	s1 =	smul.u32 $0x601800, s23  }
0x5: {  	s24 =	smul.u32 $0x180000, s10;
	_ =	sdelay $0x1  }
0x6: {  	s6 =	rddreg [dreg:$0x0];
	s2 =	simm.s32 $0x0;
	s0 =	sadd.s32 s1, s24  }
0x7: {  	[smem:$0x7FF] =	sst s2;
	s3 =	sadd.s32 $0x400, s6;
	s4 =	sshrl.u32 s0, $0x3  }
0x8: {  	s11 =	sadd.s32 $0x601C00, s6;
	_ =	strace $0x80000047;
	s0 =	sadd.s32 s3, s4  }
0x9: {  	s25 =	sadd.s32 s11, s4;
	s26 =	sadd.s32 $0x1800, s4;
	[dreg:$0x2] =	wrdreg s0  }
0xa: {  	[dreg:$0x3] =	wrdreg s25;
	s30 =	sadd.s32 s3, s26  }
0xb: {  	s7 =	sadd.s32 $0x3000, s4;
	s6 =	sadd.s32 s11, s26;
	[dreg:$0x4] =	wrdreg s30  }
0xc: {  	s8 =	sadd.s32 s3, s7;
	[dreg:$0x5] =	wrdreg s6  }
0xd: {  	s12 =	sadd.s32 $0x4800, s4;
	s9 =	sadd.s32 s11, s7;
	[dreg:$0x6] =	wrdreg s8  }
0xe: {  	s13 =	sadd.s32 s3, s12;
	[dreg:$0x7] =	wrdreg s9  }
0xf: {  	s15 =	sadd.s32 $0x6000, s4;
	s14 =	sadd.s32 s11, s12;
	[dreg:$0x8] =	wrdreg s13  }
0x10: {  	s16 =	sadd.s32 s3, s15;
	[dreg:$0x9] =	wrdreg s14  }
0x11: {  	s18 =	sadd.s32 $0x7800, s4;
	s17 =	sadd.s32 s11, s15;
	[dreg:$0xa] =	wrdreg s16  }
0x12: {  	s19 =	sadd.s32 s3, s18;
	[dreg:$0xb] =	wrdreg s17  }
0x13: {  	s21 =	sadd.s32 $0x9000, s4;
	s20 =	sadd.s32 s11, s18;
	[dreg:$0xc] =	wrdreg s19  }
0x14: {  	s22 =	sadd.s32 s3, s21;
	[dreg:$0xd] =	wrdreg s20  }
0x15: {  	s24 =	sadd.s32 $0xA800, s4;
	s23 =	sadd.s32 s11, s21;
	[dreg:$0xe] =	wrdreg s22  }
0x16: {  	s25 =	sadd.s32 s3, s24;
	[dreg:$0xf] =	wrdreg s23  }
0x17: {  	s26 =	sadd.s32 s11, s24;
	[dreg:$0x10] =	wrdreg s25  }
0x18: {  	s30 =	sadd.s32 $0xC000, s4;
	[dreg:$0x11] =	wrdreg s26  }
0x19: {  	s0 =	rddreg [dreg:$0x2];
	s7 =	sadd.s32 s3, s30  }
0x1a: {  	s9 =	sadd.s32 $0xD800, s4;
	s8 =	sadd.s32 s11, s30;
	[dreg:$0x12] =	wrdreg s7  }
0x1b: {  	s12 =	sadd.s32 s3, s9;
	[dreg:$0x13] =	wrdreg s8  }
0x1c: {  	s14 =	sadd.s32 $0xF000, s4;
	s13 =	sadd.s32 s11, s9;
	[dreg:$0x14] =	wrdreg s12  }
0x1d: {  	s15 =	sadd.s32 s3, s14;
	[dreg:$0x15] =	wrdreg s13  }
0x1e: {  	s17 =	sadd.s32 $0x10800, s4;
	s16 =	sadd.s32 s11, s14;
	[dreg:$0x16] =	wrdreg s15  }
0x1f: {  	s18 =	sadd.s32 s3, s17;
	[dreg:$0x17] =	wrdreg s16  }
0x20: {  	s20 =	sadd.s32 $0x12000, s4;
	s19 =	sadd.s32 s11, s17;
	[dreg:$0x18] =	wrdreg s18  }
0x21: {  	s21 =	sadd.s32 s3, s20;
	[dreg:$0x19] =	wrdreg s19  }
0x22: {  	s23 =	sadd.s32 $0x13800, s4;
	s22 =	sadd.s32 s11, s20;
	[dreg:$0x1a] =	wrdreg s21  }
0x23: {  	s24 =	sadd.s32 s3, s23;
	[dreg:$0x1b] =	wrdreg s22  }
0x24: {  	s26 =	sadd.s32 $0x15000, s4;
	s25 =	sadd.s32 s11, s23;
	[dreg:$0x1c] =	wrdreg s24  }
0x25: {  	s30 =	sadd.s32 s3, s26;
	[dreg:$0x1d] =	wrdreg s25  }
0x26: {  	s6 =	sadd.s32 s11, s26;
	[dreg:$0x1e] =	wrdreg s30;
	s7 =	sadd.s32 $0x16800, s4  }
0x27: {  	p1 =	por $0x0, $0x0;
	[dreg:$0x1f] =	wrdreg s6;
	s8 =	sadd.s32 s3, s7  }
0x28: {  	s12 =	sadd.s32 $0x18000, s4;
	s9 =	sadd.s32 s11, s7;
	[smem:$0x7EF] =	sst s8  }
0x29: {  	s5 =	ssub.s32 $0x2, s5;
	s13 =	sadd.s32 s3, s12;
	[smem:$0x7F0] =	sst s9  }
0x2a: {  	s15 =	sadd.s32 $0x19800, s4;
	s14 =	sadd.s32 s11, s12;
	[smem:$0x7F1] =	sst s13  }
0x2b: {  	p0 =	sne.s32 s10, $0x0;
	s16 =	sadd.s32 s3, s15;
	[smem:$0x7F2] =	sst s14  }
0x2c: {  	s18 =	sadd.s32 $0x1B000, s4;
	s17 =	sadd.s32 s11, s15;
	[smem:$0x7F3] =	sst s16  }
0x2d: {  	s10 =	simm.s32 $0xC000;
	s19 =	sadd.s32 s3, s18;
	[smem:$0x7F4] =	sst s17  }
0x2e: {  	s21 =	sadd.s32 $0x1C800, s4;
	s20 =	sadd.s32 s11, s18;
	[smem:$0x7F5] =	sst s19  }
0x2f: {  	s1 =	sshrl.u32 s1, $0x3;
	s22 =	sadd.s32 s3, s21;
	[smem:$0x7F6] =	sst s20  }
0x30: {  	s24 =	sadd.s32 $0x1E000, s4;
	s23 =	sadd.s32 s11, s21;
	[smem:$0x7F7] =	sst s22  }
0x31: {  	s30 =	sadd.s32 $0x1F800, s4;
	s25 =	sadd.s32 s3, s24;
	[smem:$0x7F8] =	sst s23  }
0x32: {  	s6 =	sadd.s32 $0x2B800, s4;
	s26 =	sadd.s32 s11, s24;
	[smem:$0x7F9] =	sst s25  }
0x33: {  	s7 =	sadd.s32 s3, s30;
	s15 =	sadd.s32 $0x24000, s4;
	[smem:$0x7FA] =	sst s26  }
0x34: {  	s18 =	sadd.s32 $0x28800, s4;
	[smem:$0x7FB] =	sst s7;
	s8 =	sadd.s32 s11, s30  }
0x35: {  	s9 =	sadd.s32 $0x21000, s4;
	s7 =	sshrl.u32 s5, $0x1;
	s14 =	sadd.s32 $0x22800, s4  }
0x36: {  	s26 =	sadd.s32 s3, s15;
	s16 =	sadd.s32 $0x25800, s4;
	s23 =	sadd.s32 s11, s15  }
0x37: {  	s17 =	sadd.s32 $0x27000, s4;
	s20 =	sadd.s32 s3, s18;
	s30 =	sadd.s32 $0x2A000, s4  }
0x38: {  	s15 =	sadd.s32 $0x2E800, s4;
	[smem:$0x7FC] =	sst s8;
	s13 =	sadd.s32 s3, s9  }
0x39: {  	s12 =	ssub.s32 s5, s7;
	s24 =	sadd.s32 s3, s16;
	s22 =	sadd.s32 s3, s17  }
0x3a: {  	s19 =	sadd.s32 s11, s17;
	s17 =	sadd.s32 s11, s18;
	s18 =	sadd.s32 s3, s30  }
0x3b: {  	[smem:$0x7FD] =	sst s13;
	s13 =	sadd.s32 s11, s30;
	s30 =	smax.u32 s12, $0x1  }
0x3c: {  	s21 =	sadd.s32 s11, s16;
	s16 =	sadd.s32 $0xC0000, s1;
	s1 =	sadd.s32 $0xFFFFFFFF, s30  }
0x3d: {  	s28 =	sadd.s32 s11, s9;
	s29 =	sadd.s32 s3, s14;
	p2 =	sne.s32 s1, $0x0  }
.Ltmp0:
0x3e: {  	s25 =	sadd.s32 s11, s14;
	s14 =	sadd.s32 s3, s6;
	(pc) =	sbr.rel @!p2 .LBB2_1-.Ltmp0, $4  }
0x3f: {  	s7 =	sadd.s32 $0x2D000, s4;
	s8 =	sadd.s32 s11, s6;
	s5 =	sadd.s32 s11, s15  }
0x40: {  	s9 =	sadd.s32 s3, s7;
	s6 =	sadd.s32 s11, s7;
	s7 =	sadd.s32 s3, s15  }
0x41: {  	s4 =	sadd.s32 s3, s16;
	s3 =	sadd.s32 s11, s16;
	s16 =	simm.s32 $0x1  }
0x42: {  	s15 =	simm.s32 $0x2;
	s12 =	simm.s32 $0x3;
	s11 =	simm.s32 $0x4  }
0x43: {  	[tilespmem:s2], [sflag:$0x1] =	stream.linear.gather [hbm4b:s0+s2], $0xC000, $0x38;
	[tilespmem:$0x18000] =	vst v63  }
0x44: {  	_ =	swait.ge [sflag:s16], $0xC000  }
0x45: {  	[sflag:s16] =	ssyncset.done $0x0  }
0x46: {  	s31 =	rddreg [dreg:$0x3];
	[sflag:s16] =	ssyncadd.s32 $0xFFFF4000  }
0x47: {  	[hbm4b:s31+s2] =	stream.linear.scatter [tilespmem:s2], [sflag:$0x3], $0xC000, $0x38;
	[tilespmem:$0x18000] =	vst v63  }
0x48: {  	s30 =	rddreg [dreg:$0x4]  }
0x49: {  	[tilespmem:s10], [sflag:$0x2] =	stream.linear.gather [hbm4b:s30+s2], $0xC000, $0x38;
	[tilespmem:$0x18000] =	vst v63  }
0x4a: {  	_ =	swait.ge [sflag:s15], $0xC000  }
0x4b: {  	[sflag:s15] =	ssyncset.done $0x0  }
0x4c: {  	[sflag:s15] =	ssyncadd.s32 $0xFFFF4000  }
0x4d: {  	_ =	swait.ge [sflag:s12], $0xC000  }
0x4e: {  	[sflag:s12] =	ssyncset.done $0x0  }
0x4f: {  	s31 =	rddreg [dreg:$0x5];
	[sflag:s12] =	ssyncadd.s32 $0xFFFF4000  }
0x50: {  	[hbm4b:s31+s2] =	stream.linear.scatter [tilespmem:s10], [sflag:$0x4], $0xC000, $0x38;
	[tilespmem:$0x18000] =	vst v63  }
0x51: {  	s30 =	rddreg [dreg:$0x6]  }
0x52: {  	[tilespmem:s2], [sflag:$0x1] =	stream.linear.gather [hbm4b:s30+s2], $0xC000, $0x38;
	[tilespmem:$0x18000] =	vst v63  }
0x53: {  	_ =	swait.ge [sflag:s16], $0xC000  }
0x54: {  	[sflag:s16] =	ssyncset.done $0x0  }
0x55: {  	[sflag:s16] =	ssyncadd.s32 $0xFFFF4000  }
0x56: {  	_ =	swait.ge [sflag:s11], $0xC000  }
0x57: {  	[sflag:s11] =	ssyncset.done $0x0  }
0x58: {  	s31 =	rddreg [dreg:$0x7];
	[sflag:s11] =	ssyncadd.s32 $0xFFFF4000  }
0x59: {  	[hbm4b:s31+s2] =	stream.linear.scatter [tilespmem:s2], [sflag:$0x3], $0xC000, $0x38;
	[tilespmem:$0x18000] =	vst v63  }
0x5a: {  	s30 =	rddreg [dreg:$0x8]  }
0x5b: {  	[tilespmem:s10], [sflag:$0x2] =	stream.linear.gather [hbm4b:s30+s2], $0xC000, $0x38;
	[tilespmem:$0x18000] =	vst v63  }
0x5c: {  	_ =	swait.ge [sflag:s15], $0xC000  }
0x5d: {  	[sflag:s15] =	ssyncset.done $0x0  }
0x5e: {  	[sflag:s15] =	ssyncadd.s32 $0xFFFF4000  }
0x5f: {  	_ =	swait.ge [sflag:s12], $0xC000  }
0x60: {  	[sflag:s12] =	ssyncset.done $0x0  }
0x61: {  	s31 =	rddreg [dreg:$0x9];
	[sflag:s12] =	ssyncadd.s32 $0xFFFF4000  }
0x62: {  	[hbm4b:s31+s2] =	stream.linear.scatter [tilespmem:s10], [sflag:$0x4], $0xC000, $0x38;
	[tilespmem:$0x18000] =	vst v63  }
0x63: {  	s30 =	rddreg [dreg:$0xa]  }
0x64: {  	[tilespmem:s2], [sflag:$0x1] =	stream.linear.gather [hbm4b:s30+s2], $0xC000, $0x38;
	[tilespmem:$0x18000] =	vst v63  }
0x65: {  	_ =	swait.ge [sflag:s16], $0xC000  }
0x66: {  	[sflag:s16] =	ssyncset.done $0x0  }
0x67: {  	[sflag:s16] =	ssyncadd.s32 $0xFFFF4000  }
0x68: {  	_ =	swait.ge [sflag:s11], $0xC000  }
0x69: {  	[sflag:s11] =	ssyncset.done $0x0  }
0x6a: {  	s31 =	rddreg [dreg:$0xb];
	[sflag:s11] =	ssyncadd.s32 $0xFFFF4000  }
0x6b: {  	[hbm4b:s31+s2] =	stream.linear.scatter [tilespmem:s2], [sflag:$0x3], $0xC000, $0x38;
	[tilespmem:$0x18000] =	vst v63  }
0x6c: {  	s30 =	rddreg [dreg:$0xc]  }
0x6d: {  	[tilespmem:s10], [sflag:$0x2] =	stream.linear.gather [hbm4b:s30+s2], $0xC000, $0x38;
	[tilespmem:$0x18000] =	vst v63  }
0x6e: {  	_ =	swait.ge [sflag:s15], $0xC000  }
0x6f: {  	[sflag:s15] =	ssyncset.done $0x0  }
0x70: {  	[sflag:s15] =	ssyncadd.s32 $0xFFFF4000  }
0x71: {  	_ =	swait.ge [sflag:s12], $0xC000  }
0x72: {  	[sflag:s12] =	ssyncset.done $0x0  }
0x73: {  	s31 =	rddreg [dreg:$0xd];
	[sflag:s12] =	ssyncadd.s32 $0xFFFF4000  }
0x74: {  	[hbm4b:s31+s2] =	stream.linear.scatter [tilespmem:s10], [sflag:$0x4], $0xC000, $0x38;
	[tilespmem:$0x18000] =	vst v63  }
0x75: {  	s30 =	rddreg [dreg:$0xe]  }
0x76: {  	[tilespmem:s2], [sflag:$0x1] =	stream.linear.gather [hbm4b:s30+s2], $0xC000, $0x38;
	[tilespmem:$0x18000] =	vst v63  }
0x77: {  	_ =	swait.ge [sflag:s16], $0xC000  }
0x78: {  	[sflag:s16] =	ssyncset.done $0x0  }
0x79: {  	[sflag:s16] =	ssyncadd.s32 $0xFFFF4000  }
0x7a: {  	_ =	swait.ge [sflag:s11], $0xC000  }
0x7b: {  	[sflag:s11] =	ssyncset.done $0x0  }
0x7c: {  	s31 =	rddreg [dreg:$0xf];
	[sflag:s11] =	ssyncadd.s32 $0xFFFF4000  }
0x7d: {  	[hbm4b:s31+s2] =	stream.linear.scatter [tilespmem:s2], [sflag:$0x3], $0xC000, $0x38;
	[tilespmem:$0x18000] =	vst v63  }
0x7e: {  	s30 =	rddreg [dreg:$0x10]  }
0x7f: {  	[tilespmem:s10], [sflag:$0x2] =	stream.linear.gather [hbm4b:s30+s2], $0xC000, $0x38;
	[tilespmem:$0x18000] =	vst v63  }
0x80: {  	_ =	swait.ge [sflag:s15], $0xC000  }
0x81: {  	[sflag:s15] =	ssyncset.done $0x0  }
0x82: {  	[sflag:s15] =	ssyncadd.s32 $0xFFFF4000  }
0x83: {  	_ =	swait.ge [sflag:s12], $0xC000  }
0x84: {  	[sflag:s12] =	ssyncset.done $0x0  }
0x85: {  	s31 =	rddreg [dreg:$0x11];
	[sflag:s12] =	ssyncadd.s32 $0xFFFF4000  }
0x86: {  	[hbm4b:s31+s2] =	stream.linear.scatter [tilespmem:s10], [sflag:$0x4], $0xC000, $0x38;
	[tilespmem:$0x18000] =	vst v63  }
0x87: {  	s30 =	rddreg [dreg:$0x12]  }
0x88: {  	[tilespmem:s2], [sflag:$0x1] =	stream.linear.gather [hbm4b:s30+s2], $0xC000, $0x38;
	[tilespmem:$0x18000] =	vst v63  }
0x89: {  	_ =	swait.ge [sflag:s16], $0xC000  }
0x8a: {  	[sflag:s16] =	ssyncset.done $0x0  }
0x8b: {  	[sflag:s16] =	ssyncadd.s32 $0xFFFF4000  }
0x8c: {  	_ =	swait.ge [sflag:s11], $0xC000  }
0x8d: {  	[sflag:s11] =	ssyncset.done $0x0  }
0x8e: {  	s31 =	rddreg [dreg:$0x13];
	[sflag:s11] =	ssyncadd.s32 $0xFFFF4000  }
0x8f: {  	[hbm4b:s31+s2] =	stream.linear.scatter [tilespmem:s2], [sflag:$0x3], $0xC000, $0x38;
	[tilespmem:$0x18000] =	vst v63  }
0x90: {  	s30 =	rddreg [dreg:$0x14]  }
0x91: {  	[tilespmem:s10], [sflag:$0x2] =	stream.linear.gather [hbm4b:s30+s2], $0xC000, $0x38;
	[tilespmem:$0x18000] =	vst v63  }
0x92: {  	_ =	swait.ge [sflag:s15], $0xC000  }
0x93: {  	[sflag:s15] =	ssyncset.done $0x0  }
0x94: {  	[sflag:s15] =	ssyncadd.s32 $0xFFFF4000  }
0x95: {  	_ =	swait.ge [sflag:s12], $0xC000  }
0x96: {  	[sflag:s12] =	ssyncset.done $0x0  }
0x97: {  	s31 =	rddreg [dreg:$0x15];
	[sflag:s12] =	ssyncadd.s32 $0xFFFF4000  }
0x98: {  	[hbm4b:s31+s2] =	stream.linear.scatter [tilespmem:s10], [sflag:$0x4], $0xC000, $0x38;
	[tilespmem:$0x18000] =	vst v63  }
0x99: {  	s30 =	rddreg [dreg:$0x16]  }
0x9a: {  	[tilespmem:s2], [sflag:$0x1] =	stream.linear.gather [hbm4b:s30+s2], $0xC000, $0x38;
	[tilespmem:$0x18000] =	vst v63  }
0x9b: {  	_ =	swait.ge [sflag:s16], $0xC000  }
0x9c: {  	[sflag:s16] =	ssyncset.done $0x0  }
0x9d: {  	[sflag:s16] =	ssyncadd.s32 $0xFFFF4000  }
0x9e: {  	_ =	swait.ge [sflag:s11], $0xC000  }
0x9f: {  	[sflag:s11] =	ssyncset.done $0x0  }
0xa0: {  	s31 =	rddreg [dreg:$0x17];
	[sflag:s11] =	ssyncadd.s32 $0xFFFF4000  }
0xa1: {  	[hbm4b:s31+s2] =	stream.linear.scatter [tilespmem:s2], [sflag:$0x3], $0xC000, $0x38;
	[tilespmem:$0x18000] =	vst v63  }
0xa2: {  	s30 =	rddreg [dreg:$0x18]  }
0xa3: {  	[tilespmem:s10], [sflag:$0x2] =	stream.linear.gather [hbm4b:s30+s2], $0xC000, $0x38;
	[tilespmem:$0x18000] =	vst v63  }
0xa4: {  	_ =	swait.ge [sflag:s15], $0xC000  }
0xa5: {  	[sflag:s15] =	ssyncset.done $0x0  }
0xa6: {  	[sflag:s15] =	ssyncadd.s32 $0xFFFF4000  }
0xa7: {  	_ =	swait.ge [sflag:s12], $0xC000  }
0xa8: {  	[sflag:s12] =	ssyncset.done $0x0  }
0xa9: {  	s31 =	rddreg [dreg:$0x19];
	[sflag:s12] =	ssyncadd.s32 $0xFFFF4000  }
0xaa: {  	[hbm4b:s31+s2] =	stream.linear.scatter [tilespmem:s10], [sflag:$0x4], $0xC000, $0x38;
	[tilespmem:$0x18000] =	vst v63  }
0xab: {  	s30 =	rddreg [dreg:$0x1a]  }
0xac: {  	[tilespmem:s2], [sflag:$0x1] =	stream.linear.gather [hbm4b:s30+s2], $0xC000, $0x38;
	[tilespmem:$0x18000] =	vst v63  }
0xad: {  	_ =	swait.ge [sflag:s16], $0xC000  }
0xae: {  	[sflag:s16] =	ssyncset.done $0x0  }
0xaf: {  	[sflag:s16] =	ssyncadd.s32 $0xFFFF4000  }
0xb0: {  	_ =	swait.ge [sflag:s11], $0xC000  }
0xb1: {  	[sflag:s11] =	ssyncset.done $0x0  }
0xb2: {  	s31 =	rddreg [dreg:$0x1b];
	[sflag:s11] =	ssyncadd.s32 $0xFFFF4000  }
0xb3: {  	[hbm4b:s31+s2] =	stream.linear.scatter [tilespmem:s2], [sflag:$0x3], $0xC000, $0x38;
	[tilespmem:$0x18000] =	vst v63  }
0xb4: {  	s30 =	rddreg [dreg:$0x1c]  }
0xb5: {  	[tilespmem:s10], [sflag:$0x2] =	stream.linear.gather [hbm4b:s30+s2], $0xC000, $0x38;
	[tilespmem:$0x18000] =	vst v63  }
0xb6: {  	_ =	swait.ge [sflag:s15], $0xC000  }
0xb7: {  	[sflag:s15] =	ssyncset.done $0x0  }
0xb8: {  	[sflag:s15] =	ssyncadd.s32 $0xFFFF4000  }
0xb9: {  	_ =	swait.ge [sflag:s12], $0xC000  }
0xba: {  	[sflag:s12] =	ssyncset.done $0x0  }
0xbb: {  	s31 =	rddreg [dreg:$0x1d];
	[sflag:s12] =	ssyncadd.s32 $0xFFFF4000  }
0xbc: {  	[hbm4b:s31+s2] =	stream.linear.scatter [tilespmem:s10], [sflag:$0x4], $0xC000, $0x38;
	[tilespmem:$0x18000] =	vst v63  }
0xbd: {  	s30 =	rddreg [dreg:$0x1e]  }
0xbe: {  	[tilespmem:s2], [sflag:$0x1] =	stream.linear.gather [hbm4b:s30+s2], $0xC000, $0x38;
	[tilespmem:$0x18000] =	vst v63  }
0xbf: {  	_ =	swait.ge [sflag:s16], $0xC000  }
0xc0: {  	[sflag:s16] =	ssyncset.done $0x0  }
0xc1: {  	[sflag:s16] =	ssyncadd.s32 $0xFFFF4000  }
0xc2: {  	_ =	swait.ge [sflag:s11], $0xC000  }
0xc3: {  	s31 =	rddreg [dreg:$0x1f];
	[sflag:s11] =	ssyncset.done $0x0  }
0xc4: {  	s30 =	sld [smem:$0x7EF];
	[sflag:s11] =	ssyncadd.s32 $0xFFFF4000  }
0xc5: {  	[hbm4b:s31+s2] =	stream.linear.scatter [tilespmem:s2], [sflag:$0x3], $0xC000, $0x38;
	[tilespmem:$0x18000] =	vst v63  }
0xc6: {  	_ = 	snop  }
0xc7: {  	[tilespmem:s10], [sflag:$0x2] =	stream.linear.gather [hbm4b:s30+s2], $0xC000, $0x38;
	[tilespmem:$0x18000] =	vst v63  }
0xc8: {  	_ =	swait.ge [sflag:s15], $0xC000  }
0xc9: {  	[sflag:s15] =	ssyncset.done $0x0  }
0xca: {  	[sflag:s15] =	ssyncadd.s32 $0xFFFF4000  }
0xcb: {  	_ =	swait.ge [sflag:s12], $0xC000  }
0xcc: {  	s31 =	sld [smem:$0x7F0]  }
0xcd: {  	[sflag:s12] =	ssyncset.done $0x0  }
0xce: {  	s30 =	sld [smem:$0x7F1];
	[sflag:s12] =	ssyncadd.s32 $0xFFFF4000  }
0xcf: {  	[hbm4b:s31+s2] =	stream.linear.scatter [tilespmem:s10], [sflag:$0x4], $0xC000, $0x38;
	[tilespmem:$0x18000] =	vst v63  }
0xd0: {  	_ = 	snop  }
0xd1: {  	[tilespmem:s2], [sflag:$0x1] =	stream.linear.gather [hbm4b:s30+s2], $0xC000, $0x38;
	[tilespmem:$0x18000] =	vst v63  }
0xd2: {  	_ =	swait.ge [sflag:s16], $0xC000  }
0xd3: {  	[sflag:s16] =	ssyncset.done $0x0  }
0xd4: {  	[sflag:s16] =	ssyncadd.s32 $0xFFFF4000  }
0xd5: {  	_ =	swait.ge [sflag:s11], $0xC000  }
0xd6: {  	s31 =	sld [smem:$0x7F2]  }
0xd7: {  	[sflag:s11] =	ssyncset.done $0x0  }
0xd8: {  	s30 =	sld [smem:$0x7F3];
	[sflag:s11] =	ssyncadd.s32 $0xFFFF4000  }
0xd9: {  	[hbm4b:s31+s2] =	stream.linear.scatter [tilespmem:s2], [sflag:$0x3], $0xC000, $0x38;
	[tilespmem:$0x18000] =	vst v63  }
0xda: {  	_ = 	snop  }
0xdb: {  	[tilespmem:s10], [sflag:$0x2] =	stream.linear.gather [hbm4b:s30+s2], $0xC000, $0x38;
	[tilespmem:$0x18000] =	vst v63  }
0xdc: {  	_ =	swait.ge [sflag:s15], $0xC000  }
0xdd: {  	[sflag:s15] =	ssyncset.done $0x0  }
0xde: {  	[sflag:s15] =	ssyncadd.s32 $0xFFFF4000  }
0xdf: {  	_ =	swait.ge [sflag:s12], $0xC000  }
0xe0: {  	s31 =	sld [smem:$0x7F4]  }
0xe1: {  	[sflag:s12] =	ssyncset.done $0x0  }
0xe2: {  	s30 =	sld [smem:$0x7F5];
	[sflag:s12] =	ssyncadd.s32 $0xFFFF4000  }
0xe3: {  	[hbm4b:s31+s2] =	stream.linear.scatter [tilespmem:s10], [sflag:$0x4], $0xC000, $0x38;
	[tilespmem:$0x18000] =	vst v63  }
0xe4: {  	_ = 	snop  }
0xe5: {  	[tilespmem:s2], [sflag:$0x1] =	stream.linear.gather [hbm4b:s30+s2], $0xC000, $0x38;
	[tilespmem:$0x18000] =	vst v63  }
0xe6: {  	_ =	swait.ge [sflag:s16], $0xC000  }
0xe7: {  	[sflag:s16] =	ssyncset.done $0x0  }
0xe8: {  	[sflag:s16] =	ssyncadd.s32 $0xFFFF4000  }
0xe9: {  	_ =	swait.ge [sflag:s11], $0xC000  }
0xea: {  	s31 =	sld [smem:$0x7F6]  }
0xeb: {  	[sflag:s11] =	ssyncset.done $0x0  }
0xec: {  	s30 =	sld [smem:$0x7F7];
	[sflag:s11] =	ssyncadd.s32 $0xFFFF4000  }
0xed: {  	[hbm4b:s31+s2] =	stream.linear.scatter [tilespmem:s2], [sflag:$0x3], $0xC000, $0x38;
	[tilespmem:$0x18000] =	vst v63  }
0xee: {  	_ = 	snop  }
0xef: {  	[tilespmem:s10], [sflag:$0x2] =	stream.linear.gather [hbm4b:s30+s2], $0xC000, $0x38;
	[tilespmem:$0x18000] =	vst v63  }
0xf0: {  	_ =	swait.ge [sflag:s15], $0xC000  }
0xf1: {  	[sflag:s15] =	ssyncset.done $0x0  }
0xf2: {  	[sflag:s15] =	ssyncadd.s32 $0xFFFF4000  }
0xf3: {  	_ =	swait.ge [sflag:s12], $0xC000  }
0xf4: {  	s31 =	sld [smem:$0x7F8]  }
0xf5: {  	[sflag:s12] =	ssyncset.done $0x0  }
0xf6: {  	s30 =	sld [smem:$0x7F9];
	[sflag:s12] =	ssyncadd.s32 $0xFFFF4000  }
0xf7: {  	[hbm4b:s31+s2] =	stream.linear.scatter [tilespmem:s10], [sflag:$0x4], $0xC000, $0x38;
	[tilespmem:$0x18000] =	vst v63  }
0xf8: {  	_ = 	snop  }
0xf9: {  	[tilespmem:s2], [sflag:$0x1] =	stream.linear.gather [hbm4b:s30+s2], $0xC000, $0x38;
	[tilespmem:$0x18000] =	vst v63  }
0xfa: {  	_ =	swait.ge [sflag:s16], $0xC000  }
0xfb: {  	[sflag:s16] =	ssyncset.done $0x0  }
0xfc: {  	[sflag:s16] =	ssyncadd.s32 $0xFFFF4000  }
0xfd: {  	_ =	swait.ge [sflag:s11], $0xC000  }
0xfe: {  	s31 =	sld [smem:$0x7FA]  }
0xff: {  	[sflag:s11] =	ssyncset.done $0x0  }
0x100: {  	s30 =	sld [smem:$0x7FB];
	[sflag:s11] =	ssyncadd.s32 $0xFFFF4000  }
0x101: {  	[hbm4b:s31+s2] =	stream.linear.scatter [tilespmem:s2], [sflag:$0x3], $0xC000, $0x38;
	[tilespmem:$0x18000] =	vst v63  }
0x102: {  	_ = 	snop  }
0x103: {  	[tilespmem:s10], [sflag:$0x2] =	stream.linear.gather [hbm4b:s30+s2], $0xC000, $0x38;
	[tilespmem:$0x18000] =	vst v63  }
0x104: {  	_ =	swait.ge [sflag:s15], $0xC000  }
0x105: {  	[sflag:s15] =	ssyncset.done $0x0  }
0x106: {  	[sflag:s15] =	ssyncadd.s32 $0xFFFF4000  }
0x107: {  	_ =	swait.ge [sflag:s12], $0xC000  }
0x108: {  	s31 =	sld [smem:$0x7FC]  }
0x109: {  	[sflag:s12] =	ssyncset.done $0x0  }
0x10a: {  	s30 =	sld [smem:$0x7FD];
	[sflag:s12] =	ssyncadd.s32 $0xFFFF4000  }
0x10b: {  	[hbm4b:s31+s2] =	stream.linear.scatter [tilespmem:s10], [sflag:$0x4], $0xC000, $0x38;
	[tilespmem:$0x18000] =	vst v63  }
0x10c: {  	_ = 	snop  }
0x10d: {  	[tilespmem:s2], [sflag:$0x1] =	stream.linear.gather [hbm4b:s30+s2], $0xC000, $0x38;
	[tilespmem:$0x18000] =	vst v63  }
0x10e: {  	_ =	swait.ge [sflag:s16], $0xC000  }
0x10f: {  	[sflag:s16] =	ssyncset.done $0x0  }
0x110: {  	[sflag:s16] =	ssyncadd.s32 $0xFFFF4000  }
0x111: {  	_ =	swait.ge [sflag:s11], $0xC000  }
0x112: {  	[sflag:s11] =	ssyncset.done $0x0  }
0x113: {  	[sflag:s11] =	ssyncadd.s32 $0xFFFF4000  }
0x114: {  	[hbm4b:s28+s2] =	stream.linear.scatter [tilespmem:s2], [sflag:$0x3], $0xC000, $0x38;
	[tilespmem:$0x18000] =	vst v63  }
0x115: {  	_ = 	snop  }
0x116: {  	[tilespmem:s10], [sflag:$0x2] =	stream.linear.gather [hbm4b:s29+s2], $0xC000, $0x38;
	[tilespmem:$0x18000] =	vst v63  }
0x117: {  	_ =	swait.ge [sflag:s15], $0xC000  }
0x118: {  	[sflag:s15] =	ssyncset.done $0x0  }
0x119: {  	[sflag:s15] =	ssyncadd.s32 $0xFFFF4000  }
0x11a: {  	_ =	swait.ge [sflag:s12], $0xC000  }
0x11b: {  	[sflag:s12] =	ssyncset.done $0x0  }
0x11c: {  	[sflag:s12] =	ssyncadd.s32 $0xFFFF4000  }
0x11d: {  	[hbm4b:s25+s2] =	stream.linear.scatter [tilespmem:s10], [sflag:$0x4], $0xC000, $0x38;
	[tilespmem:$0x18000] =	vst v63  }
0x11e: {  	_ = 	snop  }
0x11f: {  	[tilespmem:s2], [sflag:$0x1] =	stream.linear.gather [hbm4b:s26+s2], $0xC000, $0x38;
	[tilespmem:$0x18000] =	vst v63  }
0x120: {  	_ =	swait.ge [sflag:s16], $0xC000  }
0x121: {  	[sflag:s16] =	ssyncset.done $0x0  }
0x122: {  	[sflag:s16] =	ssyncadd.s32 $0xFFFF4000  }
0x123: {  	_ =	swait.ge [sflag:s11], $0xC000  }
0x124: {  	[sflag:s11] =	ssyncset.done $0x0  }
0x125: {  	[sflag:s11] =	ssyncadd.s32 $0xFFFF4000  }
0x126: {  	[hbm4b:s23+s2] =	stream.linear.scatter [tilespmem:s2], [sflag:$0x3], $0xC000, $0x38;
	[tilespmem:$0x18000] =	vst v63  }
0x127: {  	_ = 	snop  }
0x128: {  	[tilespmem:s10], [sflag:$0x2] =	stream.linear.gather [hbm4b:s24+s2], $0xC000, $0x38;
	[tilespmem:$0x18000] =	vst v63  }
0x129: {  	_ =	swait.ge [sflag:s15], $0xC000  }
0x12a: {  	[sflag:s15] =	ssyncset.done $0x0  }
0x12b: {  	[sflag:s15] =	ssyncadd.s32 $0xFFFF4000  }
0x12c: {  	_ =	swait.ge [sflag:s12], $0xC000  }
0x12d: {  	[sflag:s12] =	ssyncset.done $0x0  }
0x12e: {  	[sflag:s12] =	ssyncadd.s32 $0xFFFF4000  }
0x12f: {  	[hbm4b:s21+s2] =	stream.linear.scatter [tilespmem:s10], [sflag:$0x4], $0xC000, $0x38;
	[tilespmem:$0x18000] =	vst v63  }
0x130: {  	_ = 	snop  }
0x131: {  	[tilespmem:s2], [sflag:$0x1] =	stream.linear.gather [hbm4b:s22+s2], $0xC000, $0x38;
	[tilespmem:$0x18000] =	vst v63  }
0x132: {  	_ =	swait.ge [sflag:s16], $0xC000  }
0x133: {  	[sflag:s16] =	ssyncset.done $0x0  }
0x134: {  	[sflag:s16] =	ssyncadd.s32 $0xFFFF4000  }
0x135: {  	_ =	swait.ge [sflag:s11], $0xC000  }
0x136: {  	[sflag:s11] =	ssyncset.done $0x0  }
0x137: {  	[sflag:s11] =	ssyncadd.s32 $0xFFFF4000  }
0x138: {  	[hbm4b:s19+s2] =	stream.linear.scatter [tilespmem:s2], [sflag:$0x3], $0xC000, $0x38;
	[tilespmem:$0x18000] =	vst v63  }
0x139: {  	_ = 	snop  }
0x13a: {  	[tilespmem:s10], [sflag:$0x2] =	stream.linear.gather [hbm4b:s20+s2], $0xC000, $0x38;
	[tilespmem:$0x18000] =	vst v63  }
0x13b: {  	_ =	swait.ge [sflag:s15], $0xC000  }
0x13c: {  	[sflag:s15] =	ssyncset.done $0x0  }
0x13d: {  	[sflag:s15] =	ssyncadd.s32 $0xFFFF4000  }
0x13e: {  	_ =	swait.ge [sflag:s12], $0xC000  }
0x13f: {  	[sflag:s12] =	ssyncset.done $0x0  }
0x140: {  	[sflag:s12] =	ssyncadd.s32 $0xFFFF4000  }
0x141: {  	[hbm4b:s17+s2] =	stream.linear.scatter [tilespmem:s10], [sflag:$0x4], $0xC000, $0x38;
	[tilespmem:$0x18000] =	vst v63  }
0x142: {  	_ = 	snop  }
0x143: {  	[tilespmem:s2], [sflag:$0x1] =	stream.linear.gather [hbm4b:s18+s2], $0xC000, $0x38;
	[tilespmem:$0x18000] =	vst v63  }
0x144: {  	_ =	swait.ge [sflag:s16], $0xC000  }
0x145: {  	[sflag:s16] =	ssyncset.done $0x0  }
0x146: {  	[sflag:s16] =	ssyncadd.s32 $0xFFFF4000  }
0x147: {  	_ =	swait.ge [sflag:s11], $0xC000  }
0x148: {  	[sflag:s11] =	ssyncset.done $0x0  }
0x149: {  	[sflag:s11] =	ssyncadd.s32 $0xFFFF4000  }
0x14a: {  	[hbm4b:s13+s2] =	stream.linear.scatter [tilespmem:s2], [sflag:$0x3], $0xC000, $0x38;
	[tilespmem:$0x18000] =	vst v63  }
0x14b: {  	_ = 	snop  }
0x14c: {  	[tilespmem:s10], [sflag:$0x2] =	stream.linear.gather [hbm4b:s14+s2], $0xC000, $0x38;
	[tilespmem:$0x18000] =	vst v63  }
0x14d: {  	_ =	swait.ge [sflag:s15], $0xC000  }
0x14e: {  	[sflag:s15] =	ssyncset.done $0x0  }
0x14f: {  	[sflag:s15] =	ssyncadd.s32 $0xFFFF4000  }
0x150: {  	_ =	swait.ge [sflag:s12], $0xC000  }
0x151: {  	[sflag:s12] =	ssyncset.done $0x0  }
0x152: {  	[sflag:s12] =	ssyncadd.s32 $0xFFFF4000  }
0x153: {  	[hbm4b:s8+s2] =	stream.linear.scatter [tilespmem:s10], [sflag:$0x4], $0xC000, $0x38;
	[tilespmem:$0x18000] =	vst v63  }
0x154: {  	_ = 	snop  }
0x155: {  	[tilespmem:s2], [sflag:$0x1] =	stream.linear.gather [hbm4b:s9+s2], $0xC000, $0x38;
	[tilespmem:$0x18000] =	vst v63  }
0x156: {  	_ =	swait.ge [sflag:s16], $0xC000  }
0x157: {  	[sflag:s16] =	ssyncset.done $0x0  }
0x158: {  	[sflag:s16] =	ssyncadd.s32 $0xFFFF4000  }
0x159: {  	_ =	swait.ge [sflag:s11], $0xC000  }
0x15a: {  	[sflag:s11] =	ssyncset.done $0x0  }
0x15b: {  	[sflag:s11] =	ssyncadd.s32 $0xFFFF4000  }
0x15c: {  	[hbm4b:s6+s2] =	stream.linear.scatter [tilespmem:s2], [sflag:$0x3], $0xC000, $0x38;
	[tilespmem:$0x18000] =	vst v63  }
0x15d: {  	_ = 	snop  }
0x15e: {  	[tilespmem:s10], [sflag:$0x2] =	stream.linear.gather [hbm4b:s7+s2], $0xC000, $0x38;
	[tilespmem:$0x18000] =	vst v63  }
0x15f: {  	_ =	swait.ge [sflag:s15], $0xC000  }
0x160: {  	[sflag:s15] =	ssyncset.done $0x0  }
0x161: {  	[sflag:s15] =	ssyncadd.s32 $0xFFFF4000  }
0x162: {  	_ =	swait.ge [sflag:s12], $0xC000  }
0x163: {  	[sflag:s12] =	ssyncset.done $0x0  }
0x164: {  	[sflag:s12] =	ssyncadd.s32 $0xFFFF4000  }
0x165: {  	[hbm4b:s5+s2] =	stream.linear.scatter [tilespmem:s10], [sflag:$0x4], $0xC000, $0x38;
	[tilespmem:$0x18000] =	vst v63  }
0x166: {  	_ =	swait.ge [sflag:s11], $0xC000  }
0x167: {  	s0 =	simm.s32 @!p0 $0x0;
	[sflag:s11] =	ssyncset.done $0x0  }
0x168: {  	s1 =	sadd.s32 $0xFFFFFFFF, s1;
	s30 =	simm.s32 @!p0 $0x5;
	[sflag:s11] =	ssyncadd.s32 $0xFFFF4000  }
0x169: {  	[tilespmem:s0], [sflag:$0x5] =	stream.linear.gather @!p0 [hbm4b:s4+s0], $0x1800, $0x38;
	[tilespmem:$0x18000] =	vst v63  }
0x16a: {  	p2 =	sne.s32 s1, $0x0;
	_ =	swait.ge @!p0 [sflag:s30], $0x1800  }
.Ltmp1:
0x16b: {  	[sflag:s30] =	ssyncset.done @!p0 $0x0;
	(pc) =	sbr.rel @!p2 .LBB2_3-.Ltmp1, $4  }
0x16c: {  	[sflag:s30] =	ssyncadd.s32 @!p0 $0xFFFFE800  }
0x16d: {  	[hbm4b:s3+s0] =	stream.linear.scatter @!p0 [tilespmem:s0], [sflag:$0x5], $0x1800, $0x38;
	[tilespmem:$0x18000] =	vst v63  }
0x16e: {  	_ =	swait.ge @!p0 [sflag:s30], $0x1800  }
0x16f: {  	p1 =	por $0x1, $0x1;
	s0 =	rddreg [dreg:$0x2];
	[sflag:s30] =	ssyncset.done @!p0 $0x0  }
.LBB2_4:
0x170: {  	[sflag:s30] =	ssyncadd.s32 @!p0 $0xFFFFE800;
	s31 =	smov.u32 s29;
	s29 =	smov.u32 s28  }
0x171: {  	s28 =	smov.u32 s26;
	s26 =	smov.u32 s25;
	s25 =	smov.u32 s24  }
0x172: {  	s24 =	smov.u32 s23;
	s23 =	smov.u32 s22;
	s22 =	smov.u32 s21  }
0x173: {  	s21 =	smov.u32 s20;
	s20 =	smov.u32 s19;
	s19 =	smov.u32 s18  }
0x174: {  	s18 =	smov.u32 s17;
	s17 =	smov.u32 s14;
	s14 =	smov.u32 s13  }
0x175: {  	[tilespmem:s2], [sflag:$0x1] =	stream.linear.gather [hbm4b:s0+s2], $0xC000, $0x38;
	[tilespmem:$0x18000] =	vst v63  }
0x176: {  	s13 =	smov.u32 s9;
	s9 =	smov.u32 s8;
	_ =	swait.ge [sflag:s16], $0xC000  }
0x177: {  	s8 =	smov.u32 s7;
	s7 =	smov.u32 s6;
	[sflag:s16] =	ssyncset.done $0x0  }
0x178: {  	s6 =	smov.u32 s5;
	s0 =	rddreg [dreg:$0x3];
	[sflag:s16] =	ssyncadd.s32 $0xFFFF4000  }
0x179: {  	[hbm4b:s0+s2] =	stream.linear.scatter [tilespmem:s2], [sflag:$0x3], $0xC000, $0x38;
	[tilespmem:$0x18000] =	vst v63  }
0x17a: {  	s5 =	smov.u32 s4;
	s4 =	smov.u32 s3;
	s3 =	rddreg [dreg:$0x4]  }
0x17b: {  	[tilespmem:s10], [sflag:$0x2] =	stream.linear.gather [hbm4b:s3+s2], $0xC000, $0x38;
	[tilespmem:$0x18000] =	vst v63  }
0x17c: {  	_ =	swait.ge [sflag:s15], $0xC000  }
0x17d: {  	[sflag:s15] =	ssyncset.done $0x0  }
0x17e: {  	[sflag:s15] =	ssyncadd.s32 $0xFFFF4000  }
0x17f: {  	_ =	swait.ge [sflag:s12], $0xC000  }
0x180: {  	[sflag:s12] =	ssyncset.done $0x0  }
0x181: {  	s0 =	rddreg [dreg:$0x5];
	[sflag:s12] =	ssyncadd.s32 $0xFFFF4000  }
0x182: {  	[hbm4b:s0+s2] =	stream.linear.scatter [tilespmem:s10], [sflag:$0x4], $0xC000, $0x38;
	[tilespmem:$0x18000] =	vst v63  }
0x183: {  	s3 =	rddreg [dreg:$0x6]  }
0x184: {  	[tilespmem:s2], [sflag:$0x1] =	stream.linear.gather [hbm4b:s3+s2], $0xC000, $0x38;
	[tilespmem:$0x18000] =	vst v63  }
0x185: {  	_ =	swait.ge [sflag:s16], $0xC000  }
0x186: {  	[sflag:s16] =	ssyncset.done $0x0  }
0x187: {  	[sflag:s16] =	ssyncadd.s32 $0xFFFF4000  }
0x188: {  	_ =	swait.ge [sflag:s11], $0xC000  }
0x189: {  	[sflag:s11] =	ssyncset.done $0x0  }
0x18a: {  	s0 =	rddreg [dreg:$0x7];
	[sflag:s11] =	ssyncadd.s32 $0xFFFF4000  }
0x18b: {  	[hbm4b:s0+s2] =	stream.linear.scatter [tilespmem:s2], [sflag:$0x3], $0xC000, $0x38;
	[tilespmem:$0x18000] =	vst v63  }
0x18c: {  	s3 =	rddreg [dreg:$0x8]  }
0x18d: {  	[tilespmem:s10], [sflag:$0x2] =	stream.linear.gather [hbm4b:s3+s2], $0xC000, $0x38;
	[tilespmem:$0x18000] =	vst v63  }
0x18e: {  	_ =	swait.ge [sflag:s15], $0xC000  }
0x18f: {  	[sflag:s15] =	ssyncset.done $0x0  }
0x190: {  	[sflag:s15] =	ssyncadd.s32 $0xFFFF4000  }
0x191: {  	_ =	swait.ge [sflag:s12], $0xC000  }
0x192: {  	[sflag:s12] =	ssyncset.done $0x0  }
0x193: {  	s0 =	rddreg [dreg:$0x9];
	[sflag:s12] =	ssyncadd.s32 $0xFFFF4000  }
0x194: {  	[hbm4b:s0+s2] =	stream.linear.scatter [tilespmem:s10], [sflag:$0x4], $0xC000, $0x38;
	[tilespmem:$0x18000] =	vst v63  }
0x195: {  	s3 =	rddreg [dreg:$0xa]  }
0x196: {  	[tilespmem:s2], [sflag:$0x1] =	stream.linear.gather [hbm4b:s3+s2], $0xC000, $0x38;
	[tilespmem:$0x18000] =	vst v63  }
0x197: {  	_ =	swait.ge [sflag:s16], $0xC000  }
0x198: {  	[sflag:s16] =	ssyncset.done $0x0  }
0x199: {  	[sflag:s16] =	ssyncadd.s32 $0xFFFF4000  }
0x19a: {  	_ =	swait.ge [sflag:s11], $0xC000  }
0x19b: {  	[sflag:s11] =	ssyncset.done $0x0  }
0x19c: {  	s0 =	rddreg [dreg:$0xb];
	[sflag:s11] =	ssyncadd.s32 $0xFFFF4000  }
0x19d: {  	[hbm4b:s0+s2] =	stream.linear.scatter [tilespmem:s2], [sflag:$0x3], $0xC000, $0x38;
	[tilespmem:$0x18000] =	vst v63  }
0x19e: {  	s3 =	rddreg [dreg:$0xc]  }
0x19f: {  	[tilespmem:s10], [sflag:$0x2] =	stream.linear.gather [hbm4b:s3+s2], $0xC000, $0x38;
	[tilespmem:$0x18000] =	vst v63  }
0x1a0: {  	_ =	swait.ge [sflag:s15], $0xC000  }
0x1a1: {  	[sflag:s15] =	ssyncset.done $0x0  }
0x1a2: {  	[sflag:s15] =	ssyncadd.s32 $0xFFFF4000  }
0x1a3: {  	_ =	swait.ge [sflag:s12], $0xC000  }
0x1a4: {  	[sflag:s12] =	ssyncset.done $0x0  }
0x1a5: {  	s0 =	rddreg [dreg:$0xd];
	[sflag:s12] =	ssyncadd.s32 $0xFFFF4000  }
0x1a6: {  	[hbm4b:s0+s2] =	stream.linear.scatter [tilespmem:s10], [sflag:$0x4], $0xC000, $0x38;
	[tilespmem:$0x18000] =	vst v63  }
0x1a7: {  	s3 =	rddreg [dreg:$0xe]  }
0x1a8: {  	[tilespmem:s2], [sflag:$0x1] =	stream.linear.gather [hbm4b:s3+s2], $0xC000, $0x38;
	[tilespmem:$0x18000] =	vst v63  }
0x1a9: {  	_ =	swait.ge [sflag:s16], $0xC000  }
0x1aa: {  	[sflag:s16] =	ssyncset.done $0x0  }
0x1ab: {  	[sflag:s16] =	ssyncadd.s32 $0xFFFF4000  }
0x1ac: {  	_ =	swait.ge [sflag:s11], $0xC000  }
0x1ad: {  	[sflag:s11] =	ssyncset.done $0x0  }
0x1ae: {  	s0 =	rddreg [dreg:$0xf];
	[sflag:s11] =	ssyncadd.s32 $0xFFFF4000  }
0x1af: {  	[hbm4b:s0+s2] =	stream.linear.scatter [tilespmem:s2], [sflag:$0x3], $0xC000, $0x38;
	[tilespmem:$0x18000] =	vst v63  }
0x1b0: {  	s3 =	rddreg [dreg:$0x10]  }
0x1b1: {  	[tilespmem:s10], [sflag:$0x2] =	stream.linear.gather [hbm4b:s3+s2], $0xC000, $0x38;
	[tilespmem:$0x18000] =	vst v63  }
0x1b2: {  	_ =	swait.ge [sflag:s15], $0xC000  }
0x1b3: {  	[sflag:s15] =	ssyncset.done $0x0  }
0x1b4: {  	[sflag:s15] =	ssyncadd.s32 $0xFFFF4000  }
0x1b5: {  	_ =	swait.ge [sflag:s12], $0xC000  }
0x1b6: {  	[sflag:s12] =	ssyncset.done $0x0  }
0x1b7: {  	s0 =	rddreg [dreg:$0x11];
	[sflag:s12] =	ssyncadd.s32 $0xFFFF4000  }
0x1b8: {  	[hbm4b:s0+s2] =	stream.linear.scatter [tilespmem:s10], [sflag:$0x4], $0xC000, $0x38;
	[tilespmem:$0x18000] =	vst v63  }
0x1b9: {  	s3 =	rddreg [dreg:$0x12]  }
0x1ba: {  	[tilespmem:s2], [sflag:$0x1] =	stream.linear.gather [hbm4b:s3+s2], $0xC000, $0x38;
	[tilespmem:$0x18000] =	vst v63  }
0x1bb: {  	_ =	swait.ge [sflag:s16], $0xC000  }
0x1bc: {  	[sflag:s16] =	ssyncset.done $0x0  }
0x1bd: {  	[sflag:s16] =	ssyncadd.s32 $0xFFFF4000  }
0x1be: {  	_ =	swait.ge [sflag:s11], $0xC000  }
0x1bf: {  	[sflag:s11] =	ssyncset.done $0x0  }
0x1c0: {  	s0 =	rddreg [dreg:$0x13];
	[sflag:s11] =	ssyncadd.s32 $0xFFFF4000  }
0x1c1: {  	[hbm4b:s0+s2] =	stream.linear.scatter [tilespmem:s2], [sflag:$0x3], $0xC000, $0x38;
	[tilespmem:$0x18000] =	vst v63  }
0x1c2: {  	s3 =	rddreg [dreg:$0x14]  }
0x1c3: {  	[tilespmem:s10], [sflag:$0x2] =	stream.linear.gather [hbm4b:s3+s2], $0xC000, $0x38;
	[tilespmem:$0x18000] =	vst v63  }
0x1c4: {  	_ =	swait.ge [sflag:s15], $0xC000  }
0x1c5: {  	[sflag:s15] =	ssyncset.done $0x0  }
0x1c6: {  	[sflag:s15] =	ssyncadd.s32 $0xFFFF4000  }
0x1c7: {  	_ =	swait.ge [sflag:s12], $0xC000  }
0x1c8: {  	[sflag:s12] =	ssyncset.done $0x0  }
0x1c9: {  	s0 =	rddreg [dreg:$0x15];
	[sflag:s12] =	ssyncadd.s32 $0xFFFF4000  }
0x1ca: {  	[hbm4b:s0+s2] =	stream.linear.scatter [tilespmem:s10], [sflag:$0x4], $0xC000, $0x38;
	[tilespmem:$0x18000] =	vst v63  }
0x1cb: {  	s3 =	rddreg [dreg:$0x16]  }
0x1cc: {  	[tilespmem:s2], [sflag:$0x1] =	stream.linear.gather [hbm4b:s3+s2], $0xC000, $0x38;
	[tilespmem:$0x18000] =	vst v63  }
0x1cd: {  	_ =	swait.ge [sflag:s16], $0xC000  }
0x1ce: {  	[sflag:s16] =	ssyncset.done $0x0  }
0x1cf: {  	[sflag:s16] =	ssyncadd.s32 $0xFFFF4000  }
0x1d0: {  	_ =	swait.ge [sflag:s11], $0xC000  }
0x1d1: {  	[sflag:s11] =	ssyncset.done $0x0  }
0x1d2: {  	s0 =	rddreg [dreg:$0x17];
	[sflag:s11] =	ssyncadd.s32 $0xFFFF4000  }
0x1d3: {  	[hbm4b:s0+s2] =	stream.linear.scatter [tilespmem:s2], [sflag:$0x3], $0xC000, $0x38;
	[tilespmem:$0x18000] =	vst v63  }
0x1d4: {  	s3 =	rddreg [dreg:$0x18]  }
0x1d5: {  	[tilespmem:s10], [sflag:$0x2] =	stream.linear.gather [hbm4b:s3+s2], $0xC000, $0x38;
	[tilespmem:$0x18000] =	vst v63  }
0x1d6: {  	_ =	swait.ge [sflag:s15], $0xC000  }
0x1d7: {  	[sflag:s15] =	ssyncset.done $0x0  }
0x1d8: {  	[sflag:s15] =	ssyncadd.s32 $0xFFFF4000  }
0x1d9: {  	_ =	swait.ge [sflag:s12], $0xC000  }
0x1da: {  	[sflag:s12] =	ssyncset.done $0x0  }
0x1db: {  	s0 =	rddreg [dreg:$0x19];
	[sflag:s12] =	ssyncadd.s32 $0xFFFF4000  }
0x1dc: {  	[hbm4b:s0+s2] =	stream.linear.scatter [tilespmem:s10], [sflag:$0x4], $0xC000, $0x38;
	[tilespmem:$0x18000] =	vst v63  }
0x1dd: {  	s3 =	rddreg [dreg:$0x1a]  }
0x1de: {  	[tilespmem:s2], [sflag:$0x1] =	stream.linear.gather [hbm4b:s3+s2], $0xC000, $0x38;
	[tilespmem:$0x18000] =	vst v63  }
0x1df: {  	_ =	swait.ge [sflag:s16], $0xC000  }
0x1e0: {  	[sflag:s16] =	ssyncset.done $0x0  }
0x1e1: {  	[sflag:s16] =	ssyncadd.s32 $0xFFFF4000  }
0x1e2: {  	_ =	swait.ge [sflag:s11], $0xC000  }
0x1e3: {  	[sflag:s11] =	ssyncset.done $0x0  }
0x1e4: {  	s0 =	rddreg [dreg:$0x1b];
	[sflag:s11] =	ssyncadd.s32 $0xFFFF4000  }
0x1e5: {  	[hbm4b:s0+s2] =	stream.linear.scatter [tilespmem:s2], [sflag:$0x3], $0xC000, $0x38;
	[tilespmem:$0x18000] =	vst v63  }
0x1e6: {  	s3 =	rddreg [dreg:$0x1c]  }
0x1e7: {  	[tilespmem:s10], [sflag:$0x2] =	stream.linear.gather [hbm4b:s3+s2], $0xC000, $0x38;
	[tilespmem:$0x18000] =	vst v63  }
0x1e8: {  	_ =	swait.ge [sflag:s15], $0xC000  }
0x1e9: {  	[sflag:s15] =	ssyncset.done $0x0  }
0x1ea: {  	[sflag:s15] =	ssyncadd.s32 $0xFFFF4000  }
0x1eb: {  	_ =	swait.ge [sflag:s12], $0xC000  }
0x1ec: {  	[sflag:s12] =	ssyncset.done $0x0  }
0x1ed: {  	s0 =	rddreg [dreg:$0x1d];
	[sflag:s12] =	ssyncadd.s32 $0xFFFF4000  }
0x1ee: {  	[hbm4b:s0+s2] =	stream.linear.scatter [tilespmem:s10], [sflag:$0x4], $0xC000, $0x38;
	[tilespmem:$0x18000] =	vst v63  }
0x1ef: {  	s3 =	rddreg [dreg:$0x1e]  }
0x1f0: {  	[tilespmem:s2], [sflag:$0x1] =	stream.linear.gather [hbm4b:s3+s2], $0xC000, $0x38;
	[tilespmem:$0x18000] =	vst v63  }
0x1f1: {  	_ =	swait.ge [sflag:s16], $0xC000  }
0x1f2: {  	[sflag:s16] =	ssyncset.done $0x0  }
0x1f3: {  	[sflag:s16] =	ssyncadd.s32 $0xFFFF4000  }
0x1f4: {  	_ =	swait.ge [sflag:s11], $0xC000  }
0x1f5: {  	s0 =	rddreg [dreg:$0x1f];
	[sflag:s11] =	ssyncset.done $0x0  }
0x1f6: {  	s3 =	sld [smem:$0x7EF];
	[sflag:s11] =	ssyncadd.s32 $0xFFFF4000  }
0x1f7: {  	[hbm4b:s0+s2] =	stream.linear.scatter [tilespmem:s2], [sflag:$0x3], $0xC000, $0x38;
	[tilespmem:$0x18000] =	vst v63  }
0x1f8: {  	_ = 	snop  }
0x1f9: {  	[tilespmem:s10], [sflag:$0x2] =	stream.linear.gather [hbm4b:s3+s2], $0xC000, $0x38;
	[tilespmem:$0x18000] =	vst v63  }
0x1fa: {  	_ =	swait.ge [sflag:s15], $0xC000  }
0x1fb: {  	[sflag:s15] =	ssyncset.done $0x0  }
0x1fc: {  	[sflag:s15] =	ssyncadd.s32 $0xFFFF4000  }
0x1fd: {  	_ =	swait.ge [sflag:s12], $0xC000  }
0x1fe: {  	s0 =	sld [smem:$0x7F0]  }
0x1ff: {  	[sflag:s12] =	ssyncset.done $0x0  }
0x200: {  	s3 =	sld [smem:$0x7F1];
	[sflag:s12] =	ssyncadd.s32 $0xFFFF4000  }
0x201: {  	[hbm4b:s0+s2] =	stream.linear.scatter [tilespmem:s10], [sflag:$0x4], $0xC000, $0x38;
	[tilespmem:$0x18000] =	vst v63  }
0x202: {  	_ = 	snop  }
0x203: {  	[tilespmem:s2], [sflag:$0x1] =	stream.linear.gather [hbm4b:s3+s2], $0xC000, $0x38;
	[tilespmem:$0x18000] =	vst v63  }
0x204: {  	_ =	swait.ge [sflag:s16], $0xC000  }
0x205: {  	[sflag:s16] =	ssyncset.done $0x0  }
0x206: {  	[sflag:s16] =	ssyncadd.s32 $0xFFFF4000  }
0x207: {  	_ =	swait.ge [sflag:s11], $0xC000  }
0x208: {  	s0 =	sld [smem:$0x7F2]  }
0x209: {  	[sflag:s11] =	ssyncset.done $0x0  }
0x20a: {  	s3 =	sld [smem:$0x7F3];
	[sflag:s11] =	ssyncadd.s32 $0xFFFF4000  }
0x20b: {  	[hbm4b:s0+s2] =	stream.linear.scatter [tilespmem:s2], [sflag:$0x3], $0xC000, $0x38;
	[tilespmem:$0x18000] =	vst v63  }
0x20c: {  	_ = 	snop  }
0x20d: {  	[tilespmem:s10], [sflag:$0x2] =	stream.linear.gather [hbm4b:s3+s2], $0xC000, $0x38;
	[tilespmem:$0x18000] =	vst v63  }
0x20e: {  	_ =	swait.ge [sflag:s15], $0xC000  }
0x20f: {  	[sflag:s15] =	ssyncset.done $0x0  }
0x210: {  	[sflag:s15] =	ssyncadd.s32 $0xFFFF4000  }
0x211: {  	_ =	swait.ge [sflag:s12], $0xC000  }
0x212: {  	s0 =	sld [smem:$0x7F4]  }
0x213: {  	[sflag:s12] =	ssyncset.done $0x0  }
0x214: {  	s3 =	sld [smem:$0x7F5];
	[sflag:s12] =	ssyncadd.s32 $0xFFFF4000  }
0x215: {  	[hbm4b:s0+s2] =	stream.linear.scatter [tilespmem:s10], [sflag:$0x4], $0xC000, $0x38;
	[tilespmem:$0x18000] =	vst v63  }
0x216: {  	_ = 	snop  }
0x217: {  	[tilespmem:s2], [sflag:$0x1] =	stream.linear.gather [hbm4b:s3+s2], $0xC000, $0x38;
	[tilespmem:$0x18000] =	vst v63  }
0x218: {  	_ =	swait.ge [sflag:s16], $0xC000  }
0x219: {  	[sflag:s16] =	ssyncset.done $0x0  }
0x21a: {  	[sflag:s16] =	ssyncadd.s32 $0xFFFF4000  }
0x21b: {  	_ =	swait.ge [sflag:s11], $0xC000  }
0x21c: {  	s0 =	sld [smem:$0x7F6]  }
0x21d: {  	[sflag:s11] =	ssyncset.done $0x0  }
0x21e: {  	s3 =	sld [smem:$0x7F7];
	[sflag:s11] =	ssyncadd.s32 $0xFFFF4000  }
0x21f: {  	[hbm4b:s0+s2] =	stream.linear.scatter [tilespmem:s2], [sflag:$0x3], $0xC000, $0x38;
	[tilespmem:$0x18000] =	vst v63  }
0x220: {  	_ = 	snop  }
0x221: {  	[tilespmem:s10], [sflag:$0x2] =	stream.linear.gather [hbm4b:s3+s2], $0xC000, $0x38;
	[tilespmem:$0x18000] =	vst v63  }
0x222: {  	_ =	swait.ge [sflag:s15], $0xC000  }
0x223: {  	[sflag:s15] =	ssyncset.done $0x0  }
0x224: {  	[sflag:s15] =	ssyncadd.s32 $0xFFFF4000  }
0x225: {  	_ =	swait.ge [sflag:s12], $0xC000  }
0x226: {  	s0 =	sld [smem:$0x7F8]  }
0x227: {  	[sflag:s12] =	ssyncset.done $0x0  }
0x228: {  	s3 =	sld [smem:$0x7F9];
	[sflag:s12] =	ssyncadd.s32 $0xFFFF4000  }
0x229: {  	[hbm4b:s0+s2] =	stream.linear.scatter [tilespmem:s10], [sflag:$0x4], $0xC000, $0x38;
	[tilespmem:$0x18000] =	vst v63  }
0x22a: {  	_ = 	snop  }
0x22b: {  	[tilespmem:s2], [sflag:$0x1] =	stream.linear.gather [hbm4b:s3+s2], $0xC000, $0x38;
	[tilespmem:$0x18000] =	vst v63  }
0x22c: {  	_ =	swait.ge [sflag:s16], $0xC000  }
0x22d: {  	[sflag:s16] =	ssyncset.done $0x0  }
0x22e: {  	[sflag:s16] =	ssyncadd.s32 $0xFFFF4000  }
0x22f: {  	_ =	swait.ge [sflag:s11], $0xC000  }
0x230: {  	s0 =	sld [smem:$0x7FA]  }
0x231: {  	[sflag:s11] =	ssyncset.done $0x0  }
0x232: {  	s3 =	sld [smem:$0x7FB];
	[sflag:s11] =	ssyncadd.s32 $0xFFFF4000  }
0x233: {  	[hbm4b:s0+s2] =	stream.linear.scatter [tilespmem:s2], [sflag:$0x3], $0xC000, $0x38;
	[tilespmem:$0x18000] =	vst v63  }
0x234: {  	_ = 	snop  }
0x235: {  	[tilespmem:s10], [sflag:$0x2] =	stream.linear.gather [hbm4b:s3+s2], $0xC000, $0x38;
	[tilespmem:$0x18000] =	vst v63  }
0x236: {  	_ =	swait.ge [sflag:s15], $0xC000  }
0x237: {  	[sflag:s15] =	ssyncset.done $0x0  }
0x238: {  	[sflag:s15] =	ssyncadd.s32 $0xFFFF4000  }
0x239: {  	_ =	swait.ge [sflag:s12], $0xC000  }
0x23a: {  	s0 =	sld [smem:$0x7FC]  }
0x23b: {  	[sflag:s12] =	ssyncset.done $0x0  }
0x23c: {  	s3 =	sld [smem:$0x7FD];
	[sflag:s12] =	ssyncadd.s32 $0xFFFF4000  }
0x23d: {  	[hbm4b:s0+s2] =	stream.linear.scatter [tilespmem:s10], [sflag:$0x4], $0xC000, $0x38;
	[tilespmem:$0x18000] =	vst v63  }
0x23e: {  	_ = 	snop  }
0x23f: {  	[tilespmem:s2], [sflag:$0x1] =	stream.linear.gather [hbm4b:s3+s2], $0xC000, $0x38;
	[tilespmem:$0x18000] =	vst v63  }
0x240: {  	s3 =	smov.u32 s4;
	s4 =	smov.u32 s5  }
0x241: {  	s5 =	smov.u32 s6;
	s6 =	smov.u32 s7;
	s7 =	smov.u32 s8  }
0x242: {  	s8 =	smov.u32 s9;
	s9 =	smov.u32 s13;
	s13 =	smov.u32 s14  }
0x243: {  	s14 =	smov.u32 s17;
	s17 =	smov.u32 s18;
	_ =	swait.ge [sflag:s16], $0xC000  }
0x244: {  	s18 =	smov.u32 s19;
	s19 =	smov.u32 s20;
	[sflag:s16] =	ssyncset.done $0x0  }
0x245: {  	s20 =	smov.u32 s21;
	s21 =	smov.u32 s22;
	[sflag:s16] =	ssyncadd.s32 $0xFFFF4000  }
0x246: {  	s22 =	smov.u32 s23;
	s23 =	smov.u32 s24;
	_ =	swait.ge [sflag:s11], $0xC000  }
0x247: {  	s24 =	smov.u32 s25;
	s25 =	smov.u32 s26;
	[sflag:s11] =	ssyncset.done $0x0  }
0x248: {  	s26 =	smov.u32 s28;
	s28 =	smov.u32 s29;
	[sflag:s11] =	ssyncadd.s32 $0xFFFF4000  }
0x249: {  	[hbm4b:s28+s2] =	stream.linear.scatter [tilespmem:s2], [sflag:$0x3], $0xC000, $0x38;
	[tilespmem:$0x18000] =	vst v63  }
0x24a: {  	_ = 	snop  }
0x24b: {  	[tilespmem:s10], [sflag:$0x2] =	stream.linear.gather [hbm4b:s31+s2], $0xC000, $0x38;
	[tilespmem:$0x18000] =	vst v63  }
0x24c: {  	_ =	swait.ge [sflag:s15], $0xC000  }
0x24d: {  	[sflag:s15] =	ssyncset.done $0x0  }
0x24e: {  	[sflag:s15] =	ssyncadd.s32 $0xFFFF4000  }
0x24f: {  	_ =	swait.ge [sflag:s12], $0xC000  }
0x250: {  	[sflag:s12] =	ssyncset.done $0x0  }
0x251: {  	[sflag:s12] =	ssyncadd.s32 $0xFFFF4000  }
0x252: {  	[hbm4b:s25+s2] =	stream.linear.scatter [tilespmem:s10], [sflag:$0x4], $0xC000, $0x38;
	[tilespmem:$0x18000] =	vst v63  }
0x253: {  	_ = 	snop  }
0x254: {  	[tilespmem:s2], [sflag:$0x1] =	stream.linear.gather [hbm4b:s26+s2], $0xC000, $0x38;
	[tilespmem:$0x18000] =	vst v63  }
0x255: {  	_ =	swait.ge [sflag:s16], $0xC000  }
0x256: {  	[sflag:s16] =	ssyncset.done $0x0  }
0x257: {  	[sflag:s16] =	ssyncadd.s32 $0xFFFF4000  }
0x258: {  	_ =	swait.ge [sflag:s11], $0xC000  }
0x259: {  	[sflag:s11] =	ssyncset.done $0x0  }
0x25a: {  	[sflag:s11] =	ssyncadd.s32 $0xFFFF4000  }
0x25b: {  	[hbm4b:s23+s2] =	stream.linear.scatter [tilespmem:s2], [sflag:$0x3], $0xC000, $0x38;
	[tilespmem:$0x18000] =	vst v63  }
0x25c: {  	_ = 	snop  }
0x25d: {  	[tilespmem:s10], [sflag:$0x2] =	stream.linear.gather [hbm4b:s24+s2], $0xC000, $0x38;
	[tilespmem:$0x18000] =	vst v63  }
0x25e: {  	_ =	swait.ge [sflag:s15], $0xC000  }
0x25f: {  	[sflag:s15] =	ssyncset.done $0x0  }
0x260: {  	[sflag:s15] =	ssyncadd.s32 $0xFFFF4000  }
0x261: {  	_ =	swait.ge [sflag:s12], $0xC000  }
0x262: {  	[sflag:s12] =	ssyncset.done $0x0  }
0x263: {  	[sflag:s12] =	ssyncadd.s32 $0xFFFF4000  }
0x264: {  	[hbm4b:s21+s2] =	stream.linear.scatter [tilespmem:s10], [sflag:$0x4], $0xC000, $0x38;
	[tilespmem:$0x18000] =	vst v63  }
0x265: {  	_ = 	snop  }
0x266: {  	[tilespmem:s2], [sflag:$0x1] =	stream.linear.gather [hbm4b:s22+s2], $0xC000, $0x38;
	[tilespmem:$0x18000] =	vst v63  }
0x267: {  	_ =	swait.ge [sflag:s16], $0xC000  }
0x268: {  	[sflag:s16] =	ssyncset.done $0x0  }
0x269: {  	[sflag:s16] =	ssyncadd.s32 $0xFFFF4000  }
0x26a: {  	_ =	swait.ge [sflag:s11], $0xC000  }
0x26b: {  	[sflag:s11] =	ssyncset.done $0x0  }
0x26c: {  	[sflag:s11] =	ssyncadd.s32 $0xFFFF4000  }
0x26d: {  	[hbm4b:s19+s2] =	stream.linear.scatter [tilespmem:s2], [sflag:$0x3], $0xC000, $0x38;
	[tilespmem:$0x18000] =	vst v63  }
0x26e: {  	_ = 	snop  }
0x26f: {  	[tilespmem:s10], [sflag:$0x2] =	stream.linear.gather [hbm4b:s20+s2], $0xC000, $0x38;
	[tilespmem:$0x18000] =	vst v63  }
0x270: {  	_ =	swait.ge [sflag:s15], $0xC000  }
0x271: {  	[sflag:s15] =	ssyncset.done $0x0  }
0x272: {  	[sflag:s15] =	ssyncadd.s32 $0xFFFF4000  }
0x273: {  	_ =	swait.ge [sflag:s12], $0xC000  }
0x274: {  	[sflag:s12] =	ssyncset.done $0x0  }
0x275: {  	[sflag:s12] =	ssyncadd.s32 $0xFFFF4000  }
0x276: {  	[hbm4b:s17+s2] =	stream.linear.scatter [tilespmem:s10], [sflag:$0x4], $0xC000, $0x38;
	[tilespmem:$0x18000] =	vst v63  }
0x277: {  	_ = 	snop  }
0x278: {  	[tilespmem:s2], [sflag:$0x1] =	stream.linear.gather [hbm4b:s18+s2], $0xC000, $0x38;
	[tilespmem:$0x18000] =	vst v63  }
0x279: {  	_ =	swait.ge [sflag:s16], $0xC000  }
0x27a: {  	[sflag:s16] =	ssyncset.done $0x0  }
0x27b: {  	[sflag:s16] =	ssyncadd.s32 $0xFFFF4000  }
0x27c: {  	_ =	swait.ge [sflag:s11], $0xC000  }
0x27d: {  	[sflag:s11] =	ssyncset.done $0x0  }
0x27e: {  	[sflag:s11] =	ssyncadd.s32 $0xFFFF4000  }
0x27f: {  	[hbm4b:s13+s2] =	stream.linear.scatter [tilespmem:s2], [sflag:$0x3], $0xC000, $0x38;
	[tilespmem:$0x18000] =	vst v63  }
0x280: {  	_ = 	snop  }
0x281: {  	[tilespmem:s10], [sflag:$0x2] =	stream.linear.gather [hbm4b:s14+s2], $0xC000, $0x38;
	[tilespmem:$0x18000] =	vst v63  }
0x282: {  	_ =	swait.ge [sflag:s15], $0xC000  }
0x283: {  	[sflag:s15] =	ssyncset.done $0x0  }
0x284: {  	[sflag:s15] =	ssyncadd.s32 $0xFFFF4000  }
0x285: {  	_ =	swait.ge [sflag:s12], $0xC000  }
0x286: {  	[sflag:s12] =	ssyncset.done $0x0  }
0x287: {  	[sflag:s12] =	ssyncadd.s32 $0xFFFF4000  }
0x288: {  	[hbm4b:s8+s2] =	stream.linear.scatter [tilespmem:s10], [sflag:$0x4], $0xC000, $0x38;
	[tilespmem:$0x18000] =	vst v63  }
0x289: {  	_ = 	snop  }
0x28a: {  	[tilespmem:s2], [sflag:$0x1] =	stream.linear.gather [hbm4b:s9+s2], $0xC000, $0x38;
	[tilespmem:$0x18000] =	vst v63  }
0x28b: {  	_ =	swait.ge [sflag:s16], $0xC000  }
0x28c: {  	[sflag:s16] =	ssyncset.done $0x0  }
0x28d: {  	[sflag:s16] =	ssyncadd.s32 $0xFFFF4000  }
0x28e: {  	_ =	swait.ge [sflag:s11], $0xC000  }
0x28f: {  	[sflag:s11] =	ssyncset.done $0x0  }
0x290: {  	[sflag:s11] =	ssyncadd.s32 $0xFFFF4000  }
0x291: {  	[hbm4b:s6+s2] =	stream.linear.scatter [tilespmem:s2], [sflag:$0x3], $0xC000, $0x38;
	[tilespmem:$0x18000] =	vst v63  }
0x292: {  	_ = 	snop  }
0x293: {  	[tilespmem:s10], [sflag:$0x2] =	stream.linear.gather [hbm4b:s7+s2], $0xC000, $0x38;
	[tilespmem:$0x18000] =	vst v63  }
0x294: {  	_ =	swait.ge [sflag:s15], $0xC000  }
0x295: {  	[sflag:s15] =	ssyncset.done $0x0  }
0x296: {  	[sflag:s15] =	ssyncadd.s32 $0xFFFF4000  }
0x297: {  	_ =	swait.ge [sflag:s12], $0xC000  }
0x298: {  	[sflag:s12] =	ssyncset.done $0x0  }
0x299: {  	[sflag:s12] =	ssyncadd.s32 $0xFFFF4000  }
0x29a: {  	[hbm4b:s5+s2] =	stream.linear.scatter [tilespmem:s10], [sflag:$0x4], $0xC000, $0x38;
	[tilespmem:$0x18000] =	vst v63  }
0x29b: {  	_ =	swait.ge [sflag:s11], $0xC000  }
0x29c: {  	[sflag:s11] =	ssyncset.done $0x0  }
0x29d: {  	s1 =	sadd.s32 $0xFFFFFFFF, s1;
	s0 =	simm.s32 @!p0 $0x0;
	[sflag:s11] =	ssyncadd.s32 $0xFFFF4000  }
0x29e: {  	[tilespmem:s0], [sflag:$0x5] =	stream.linear.gather @!p0 [hbm4b:s4+s0], $0x1800, $0x38;
	[tilespmem:$0x18000] =	vst v63  }
0x29f: {  	p2 =	sne.s32 s1, $0x0;
	_ =	swait.ge @!p0 [sflag:s30], $0x1800  }
.Ltmp2:
0x2a0: {  	[sflag:s30] =	ssyncset.done @!p0 $0x0;
	(pc) =	sbr.rel @p2 .LBB2_4-.Ltmp2, $4  }
0x2a1: {  	[sflag:s30] =	ssyncadd.s32 @!p0 $0xFFFFE800  }
0x2a2: {  	[hbm4b:s3+s0] =	stream.linear.scatter @!p0 [tilespmem:s0], [sflag:$0x5], $0x1800, $0x38;
	[tilespmem:$0x18000] =	vst v63  }
0x2a3: {  	_ =	swait.ge @!p0 [sflag:s30], $0x1800  }
0x2a4: {  	s29 =	smov.u32 s31;
	s0 =	rddreg [dreg:$0x2];
	[sflag:s30] =	ssyncset.done @!p0 $0x0  }
0x2a5: {  	s31 =	stileid.u32  }
.LBB2_6:
0x2a6: {  	p1 =	por p0, !p1  }
0x2a7: {  	[sflag:s30] =	ssyncadd.s32 @!p1 $0xFFFFE800  }
0x2a8: {  	[tilespmem:s2], [sflag:$0x1] =	stream.linear.gather [hbm4b:s0+s2], $0xC000, $0x38;
	[tilespmem:$0x18000] =	vst v63  }
0x2a9: {  	_ =	swait.ge [sflag:s16], $0xC000  }
0x2aa: {  	[sflag:s16] =	ssyncset.done $0x0  }
0x2ab: {  	s30 =	rddreg [dreg:$0x3];
	[sflag:s16] =	ssyncadd.s32 $0xFFFF4000  }
0x2ac: {  	[hbm4b:s30+s2] =	stream.linear.scatter [tilespmem:s2], [sflag:$0x3], $0xC000, $0x38;
	[tilespmem:$0x18000] =	vst v63  }
0x2ad: {  	s1 =	rddreg [dreg:$0x4]  }
0x2ae: {  	[tilespmem:s10], [sflag:$0x2] =	stream.linear.gather [hbm4b:s1+s2], $0xC000, $0x38;
	[tilespmem:$0x18000] =	vst v63  }
0x2af: {  	_ =	swait.ge [sflag:s15], $0xC000  }
0x2b0: {  	[sflag:s15] =	ssyncset.done $0x0  }
0x2b1: {  	[sflag:s15] =	ssyncadd.s32 $0xFFFF4000  }
0x2b2: {  	_ =	swait.ge [sflag:s12], $0xC000  }
0x2b3: {  	[sflag:s12] =	ssyncset.done $0x0  }
0x2b4: {  	s1 =	rddreg [dreg:$0x5];
	[sflag:s12] =	ssyncadd.s32 $0xFFFF4000  }
0x2b5: {  	[hbm4b:s1+s2] =	stream.linear.scatter [tilespmem:s10], [sflag:$0x4], $0xC000, $0x38;
	[tilespmem:$0x18000] =	vst v63  }
0x2b6: {  	s30 =	rddreg [dreg:$0x6]  }
0x2b7: {  	[tilespmem:s2], [sflag:$0x1] =	stream.linear.gather [hbm4b:s30+s2], $0xC000, $0x38;
	[tilespmem:$0x18000] =	vst v63  }
0x2b8: {  	_ =	swait.ge [sflag:s16], $0xC000  }
0x2b9: {  	[sflag:s16] =	ssyncset.done $0x0  }
0x2ba: {  	[sflag:s16] =	ssyncadd.s32 $0xFFFF4000  }
0x2bb: {  	_ =	swait.ge [sflag:s11], $0xC000  }
0x2bc: {  	[sflag:s11] =	ssyncset.done $0x0  }
0x2bd: {  	s1 =	rddreg [dreg:$0x7];
	[sflag:s11] =	ssyncadd.s32 $0xFFFF4000  }
0x2be: {  	[hbm4b:s1+s2] =	stream.linear.scatter [tilespmem:s2], [sflag:$0x3], $0xC000, $0x38;
	[tilespmem:$0x18000] =	vst v63  }
0x2bf: {  	s30 =	rddreg [dreg:$0x8]  }
0x2c0: {  	[tilespmem:s10], [sflag:$0x2] =	stream.linear.gather [hbm4b:s30+s2], $0xC000, $0x38;
	[tilespmem:$0x18000] =	vst v63  }
0x2c1: {  	_ =	swait.ge [sflag:s15], $0xC000  }
0x2c2: {  	[sflag:s15] =	ssyncset.done $0x0  }
0x2c3: {  	[sflag:s15] =	ssyncadd.s32 $0xFFFF4000  }
0x2c4: {  	_ =	swait.ge [sflag:s12], $0xC000  }
0x2c5: {  	[sflag:s12] =	ssyncset.done $0x0  }
0x2c6: {  	s1 =	rddreg [dreg:$0x9];
	[sflag:s12] =	ssyncadd.s32 $0xFFFF4000  }
0x2c7: {  	[hbm4b:s1+s2] =	stream.linear.scatter [tilespmem:s10], [sflag:$0x4], $0xC000, $0x38;
	[tilespmem:$0x18000] =	vst v63  }
0x2c8: {  	s30 =	rddreg [dreg:$0xa]  }
0x2c9: {  	[tilespmem:s2], [sflag:$0x1] =	stream.linear.gather [hbm4b:s30+s2], $0xC000, $0x38;
	[tilespmem:$0x18000] =	vst v63  }
0x2ca: {  	_ =	swait.ge [sflag:s16], $0xC000  }
0x2cb: {  	[sflag:s16] =	ssyncset.done $0x0  }
0x2cc: {  	[sflag:s16] =	ssyncadd.s32 $0xFFFF4000  }
0x2cd: {  	_ =	swait.ge [sflag:s11], $0xC000  }
0x2ce: {  	[sflag:s11] =	ssyncset.done $0x0  }
0x2cf: {  	s1 =	rddreg [dreg:$0xb];
	[sflag:s11] =	ssyncadd.s32 $0xFFFF4000  }
0x2d0: {  	[hbm4b:s1+s2] =	stream.linear.scatter [tilespmem:s2], [sflag:$0x3], $0xC000, $0x38;
	[tilespmem:$0x18000] =	vst v63  }
0x2d1: {  	s30 =	rddreg [dreg:$0xc]  }
0x2d2: {  	[tilespmem:s10], [sflag:$0x2] =	stream.linear.gather [hbm4b:s30+s2], $0xC000, $0x38;
	[tilespmem:$0x18000] =	vst v63  }
0x2d3: {  	_ =	swait.ge [sflag:s15], $0xC000  }
0x2d4: {  	[sflag:s15] =	ssyncset.done $0x0  }
0x2d5: {  	[sflag:s15] =	ssyncadd.s32 $0xFFFF4000  }
0x2d6: {  	_ =	swait.ge [sflag:s12], $0xC000  }
0x2d7: {  	[sflag:s12] =	ssyncset.done $0x0  }
0x2d8: {  	s1 =	rddreg [dreg:$0xd];
	[sflag:s12] =	ssyncadd.s32 $0xFFFF4000  }
0x2d9: {  	[hbm4b:s1+s2] =	stream.linear.scatter [tilespmem:s10], [sflag:$0x4], $0xC000, $0x38;
	[tilespmem:$0x18000] =	vst v63  }
0x2da: {  	s30 =	rddreg [dreg:$0xe]  }
0x2db: {  	[tilespmem:s2], [sflag:$0x1] =	stream.linear.gather [hbm4b:s30+s2], $0xC000, $0x38;
	[tilespmem:$0x18000] =	vst v63  }
0x2dc: {  	_ =	swait.ge [sflag:s16], $0xC000  }
0x2dd: {  	[sflag:s16] =	ssyncset.done $0x0  }
0x2de: {  	[sflag:s16] =	ssyncadd.s32 $0xFFFF4000  }
0x2df: {  	_ =	swait.ge [sflag:s11], $0xC000  }
0x2e0: {  	[sflag:s11] =	ssyncset.done $0x0  }
0x2e1: {  	s1 =	rddreg [dreg:$0xf];
	[sflag:s11] =	ssyncadd.s32 $0xFFFF4000  }
0x2e2: {  	[hbm4b:s1+s2] =	stream.linear.scatter [tilespmem:s2], [sflag:$0x3], $0xC000, $0x38;
	[tilespmem:$0x18000] =	vst v63  }
0x2e3: {  	s30 =	rddreg [dreg:$0x10]  }
0x2e4: {  	[tilespmem:s10], [sflag:$0x2] =	stream.linear.gather [hbm4b:s30+s2], $0xC000, $0x38;
	[tilespmem:$0x18000] =	vst v63  }
0x2e5: {  	_ =	swait.ge [sflag:s15], $0xC000  }
0x2e6: {  	[sflag:s15] =	ssyncset.done $0x0  }
0x2e7: {  	[sflag:s15] =	ssyncadd.s32 $0xFFFF4000  }
0x2e8: {  	_ =	swait.ge [sflag:s12], $0xC000  }
0x2e9: {  	[sflag:s12] =	ssyncset.done $0x0  }
0x2ea: {  	s1 =	rddreg [dreg:$0x11];
	[sflag:s12] =	ssyncadd.s32 $0xFFFF4000  }
0x2eb: {  	[hbm4b:s1+s2] =	stream.linear.scatter [tilespmem:s10], [sflag:$0x4], $0xC000, $0x38;
	[tilespmem:$0x18000] =	vst v63  }
0x2ec: {  	s30 =	rddreg [dreg:$0x12]  }
0x2ed: {  	[tilespmem:s2], [sflag:$0x1] =	stream.linear.gather [hbm4b:s30+s2], $0xC000, $0x38;
	[tilespmem:$0x18000] =	vst v63  }
0x2ee: {  	_ =	swait.ge [sflag:s16], $0xC000  }
0x2ef: {  	[sflag:s16] =	ssyncset.done $0x0  }
0x2f0: {  	[sflag:s16] =	ssyncadd.s32 $0xFFFF4000  }
0x2f1: {  	_ =	swait.ge [sflag:s11], $0xC000  }
0x2f2: {  	[sflag:s11] =	ssyncset.done $0x0  }
0x2f3: {  	s1 =	rddreg [dreg:$0x13];
	[sflag:s11] =	ssyncadd.s32 $0xFFFF4000  }
0x2f4: {  	[hbm4b:s1+s2] =	stream.linear.scatter [tilespmem:s2], [sflag:$0x3], $0xC000, $0x38;
	[tilespmem:$0x18000] =	vst v63  }
0x2f5: {  	s30 =	rddreg [dreg:$0x14]  }
0x2f6: {  	[tilespmem:s10], [sflag:$0x2] =	stream.linear.gather [hbm4b:s30+s2], $0xC000, $0x38;
	[tilespmem:$0x18000] =	vst v63  }
0x2f7: {  	_ =	swait.ge [sflag:s15], $0xC000  }
0x2f8: {  	[sflag:s15] =	ssyncset.done $0x0  }
0x2f9: {  	[sflag:s15] =	ssyncadd.s32 $0xFFFF4000  }
0x2fa: {  	_ =	swait.ge [sflag:s12], $0xC000  }
0x2fb: {  	[sflag:s12] =	ssyncset.done $0x0  }
0x2fc: {  	s1 =	rddreg [dreg:$0x15];
	[sflag:s12] =	ssyncadd.s32 $0xFFFF4000  }
0x2fd: {  	[hbm4b:s1+s2] =	stream.linear.scatter [tilespmem:s10], [sflag:$0x4], $0xC000, $0x38;
	[tilespmem:$0x18000] =	vst v63  }
0x2fe: {  	s30 =	rddreg [dreg:$0x16]  }
0x2ff: {  	[tilespmem:s2], [sflag:$0x1] =	stream.linear.gather [hbm4b:s30+s2], $0xC000, $0x38;
	[tilespmem:$0x18000] =	vst v63  }
0x300: {  	_ =	swait.ge [sflag:s16], $0xC000  }
0x301: {  	[sflag:s16] =	ssyncset.done $0x0  }
0x302: {  	[sflag:s16] =	ssyncadd.s32 $0xFFFF4000  }
0x303: {  	_ =	swait.ge [sflag:s11], $0xC000  }
0x304: {  	[sflag:s11] =	ssyncset.done $0x0  }
0x305: {  	s1 =	rddreg [dreg:$0x17];
	[sflag:s11] =	ssyncadd.s32 $0xFFFF4000  }
0x306: {  	[hbm4b:s1+s2] =	stream.linear.scatter [tilespmem:s2], [sflag:$0x3], $0xC000, $0x38;
	[tilespmem:$0x18000] =	vst v63  }
0x307: {  	s30 =	rddreg [dreg:$0x18]  }
0x308: {  	[tilespmem:s10], [sflag:$0x2] =	stream.linear.gather [hbm4b:s30+s2], $0xC000, $0x38;
	[tilespmem:$0x18000] =	vst v63  }
0x309: {  	_ =	swait.ge [sflag:s15], $0xC000  }
0x30a: {  	[sflag:s15] =	ssyncset.done $0x0  }
0x30b: {  	[sflag:s15] =	ssyncadd.s32 $0xFFFF4000  }
0x30c: {  	_ =	swait.ge [sflag:s12], $0xC000  }
0x30d: {  	[sflag:s12] =	ssyncset.done $0x0  }
0x30e: {  	s1 =	rddreg [dreg:$0x19];
	[sflag:s12] =	ssyncadd.s32 $0xFFFF4000  }
0x30f: {  	[hbm4b:s1+s2] =	stream.linear.scatter [tilespmem:s10], [sflag:$0x4], $0xC000, $0x38;
	[tilespmem:$0x18000] =	vst v63  }
0x310: {  	s30 =	rddreg [dreg:$0x1a]  }
0x311: {  	[tilespmem:s2], [sflag:$0x1] =	stream.linear.gather [hbm4b:s30+s2], $0xC000, $0x38;
	[tilespmem:$0x18000] =	vst v63  }
0x312: {  	_ =	swait.ge [sflag:s16], $0xC000  }
0x313: {  	[sflag:s16] =	ssyncset.done $0x0  }
0x314: {  	[sflag:s16] =	ssyncadd.s32 $0xFFFF4000  }
0x315: {  	_ =	swait.ge [sflag:s11], $0xC000  }
0x316: {  	[sflag:s11] =	ssyncset.done $0x0  }
0x317: {  	s1 =	rddreg [dreg:$0x1b];
	[sflag:s11] =	ssyncadd.s32 $0xFFFF4000  }
0x318: {  	[hbm4b:s1+s2] =	stream.linear.scatter [tilespmem:s2], [sflag:$0x3], $0xC000, $0x38;
	[tilespmem:$0x18000] =	vst v63  }
0x319: {  	s30 =	rddreg [dreg:$0x1c]  }
0x31a: {  	[tilespmem:s10], [sflag:$0x2] =	stream.linear.gather [hbm4b:s30+s2], $0xC000, $0x38;
	[tilespmem:$0x18000] =	vst v63  }
0x31b: {  	_ =	swait.ge [sflag:s15], $0xC000  }
0x31c: {  	[sflag:s15] =	ssyncset.done $0x0  }
0x31d: {  	[sflag:s15] =	ssyncadd.s32 $0xFFFF4000  }
0x31e: {  	_ =	swait.ge [sflag:s12], $0xC000  }
0x31f: {  	[sflag:s12] =	ssyncset.done $0x0  }
0x320: {  	s1 =	rddreg [dreg:$0x1d];
	[sflag:s12] =	ssyncadd.s32 $0xFFFF4000  }
0x321: {  	[hbm4b:s1+s2] =	stream.linear.scatter [tilespmem:s10], [sflag:$0x4], $0xC000, $0x38;
	[tilespmem:$0x18000] =	vst v63  }
0x322: {  	s30 =	rddreg [dreg:$0x1e]  }
0x323: {  	[tilespmem:s2], [sflag:$0x1] =	stream.linear.gather [hbm4b:s30+s2], $0xC000, $0x38;
	[tilespmem:$0x18000] =	vst v63  }
0x324: {  	_ =	swait.ge [sflag:s16], $0xC000  }
0x325: {  	[sflag:s16] =	ssyncset.done $0x0  }
0x326: {  	[sflag:s16] =	ssyncadd.s32 $0xFFFF4000  }
0x327: {  	_ =	swait.ge [sflag:s11], $0xC000  }
0x328: {  	s1 =	rddreg [dreg:$0x1f];
	[sflag:s11] =	ssyncset.done $0x0  }
0x329: {  	s30 =	sld [smem:$0x7EF];
	[sflag:s11] =	ssyncadd.s32 $0xFFFF4000  }
0x32a: {  	[hbm4b:s1+s2] =	stream.linear.scatter [tilespmem:s2], [sflag:$0x3], $0xC000, $0x38;
	[tilespmem:$0x18000] =	vst v63  }
0x32b: {  	_ = 	snop  }
0x32c: {  	[tilespmem:s10], [sflag:$0x2] =	stream.linear.gather [hbm4b:s30+s2], $0xC000, $0x38;
	[tilespmem:$0x18000] =	vst v63  }
0x32d: {  	_ =	swait.ge [sflag:s15], $0xC000  }
0x32e: {  	[sflag:s15] =	ssyncset.done $0x0  }
0x32f: {  	[sflag:s15] =	ssyncadd.s32 $0xFFFF4000  }
0x330: {  	_ =	swait.ge [sflag:s12], $0xC000  }
0x331: {  	s1 =	sld [smem:$0x7F0]  }
0x332: {  	[sflag:s12] =	ssyncset.done $0x0  }
0x333: {  	s30 =	sld [smem:$0x7F1];
	[sflag:s12] =	ssyncadd.s32 $0xFFFF4000  }
0x334: {  	[hbm4b:s1+s2] =	stream.linear.scatter [tilespmem:s10], [sflag:$0x4], $0xC000, $0x38;
	[tilespmem:$0x18000] =	vst v63  }
0x335: {  	_ = 	snop  }
0x336: {  	[tilespmem:s2], [sflag:$0x1] =	stream.linear.gather [hbm4b:s30+s2], $0xC000, $0x38;
	[tilespmem:$0x18000] =	vst v63  }
0x337: {  	_ =	swait.ge [sflag:s16], $0xC000  }
0x338: {  	[sflag:s16] =	ssyncset.done $0x0  }
0x339: {  	[sflag:s16] =	ssyncadd.s32 $0xFFFF4000  }
0x33a: {  	_ =	swait.ge [sflag:s11], $0xC000  }
0x33b: {  	s1 =	sld [smem:$0x7F2]  }
0x33c: {  	[sflag:s11] =	ssyncset.done $0x0  }
0x33d: {  	s30 =	sld [smem:$0x7F3];
	[sflag:s11] =	ssyncadd.s32 $0xFFFF4000  }
0x33e: {  	[hbm4b:s1+s2] =	stream.linear.scatter [tilespmem:s2], [sflag:$0x3], $0xC000, $0x38;
	[tilespmem:$0x18000] =	vst v63  }
0x33f: {  	_ = 	snop  }
0x340: {  	[tilespmem:s10], [sflag:$0x2] =	stream.linear.gather [hbm4b:s30+s2], $0xC000, $0x38;
	[tilespmem:$0x18000] =	vst v63  }
0x341: {  	_ =	swait.ge [sflag:s15], $0xC000  }
0x342: {  	[sflag:s15] =	ssyncset.done $0x0  }
0x343: {  	[sflag:s15] =	ssyncadd.s32 $0xFFFF4000  }
0x344: {  	_ =	swait.ge [sflag:s12], $0xC000  }
0x345: {  	s1 =	sld [smem:$0x7F4]  }
0x346: {  	[sflag:s12] =	ssyncset.done $0x0  }
0x347: {  	s30 =	sld [smem:$0x7F5];
	[sflag:s12] =	ssyncadd.s32 $0xFFFF4000  }
0x348: {  	[hbm4b:s1+s2] =	stream.linear.scatter [tilespmem:s10], [sflag:$0x4], $0xC000, $0x38;
	[tilespmem:$0x18000] =	vst v63  }
0x349: {  	_ = 	snop  }
0x34a: {  	[tilespmem:s2], [sflag:$0x1] =	stream.linear.gather [hbm4b:s30+s2], $0xC000, $0x38;
	[tilespmem:$0x18000] =	vst v63  }
0x34b: {  	_ =	swait.ge [sflag:s16], $0xC000  }
0x34c: {  	[sflag:s16] =	ssyncset.done $0x0  }
0x34d: {  	[sflag:s16] =	ssyncadd.s32 $0xFFFF4000  }
0x34e: {  	_ =	swait.ge [sflag:s11], $0xC000  }
0x34f: {  	s1 =	sld [smem:$0x7F6]  }
0x350: {  	[sflag:s11] =	ssyncset.done $0x0  }
0x351: {  	s30 =	sld [smem:$0x7F7];
	[sflag:s11] =	ssyncadd.s32 $0xFFFF4000  }
0x352: {  	[hbm4b:s1+s2] =	stream.linear.scatter [tilespmem:s2], [sflag:$0x3], $0xC000, $0x38;
	[tilespmem:$0x18000] =	vst v63  }
0x353: {  	_ = 	snop  }
0x354: {  	[tilespmem:s10], [sflag:$0x2] =	stream.linear.gather [hbm4b:s30+s2], $0xC000, $0x38;
	[tilespmem:$0x18000] =	vst v63  }
0x355: {  	_ =	swait.ge [sflag:s15], $0xC000  }
0x356: {  	[sflag:s15] =	ssyncset.done $0x0  }
0x357: {  	[sflag:s15] =	ssyncadd.s32 $0xFFFF4000  }
0x358: {  	_ =	swait.ge [sflag:s12], $0xC000  }
0x359: {  	s1 =	sld [smem:$0x7F8]  }
0x35a: {  	[sflag:s12] =	ssyncset.done $0x0  }
0x35b: {  	s30 =	sld [smem:$0x7F9];
	[sflag:s12] =	ssyncadd.s32 $0xFFFF4000  }
0x35c: {  	[hbm4b:s1+s2] =	stream.linear.scatter [tilespmem:s10], [sflag:$0x4], $0xC000, $0x38;
	[tilespmem:$0x18000] =	vst v63  }
0x35d: {  	_ = 	snop  }
0x35e: {  	[tilespmem:s2], [sflag:$0x1] =	stream.linear.gather [hbm4b:s30+s2], $0xC000, $0x38;
	[tilespmem:$0x18000] =	vst v63  }
0x35f: {  	_ =	swait.ge [sflag:s16], $0xC000  }
0x360: {  	[sflag:s16] =	ssyncset.done $0x0  }
0x361: {  	[sflag:s16] =	ssyncadd.s32 $0xFFFF4000  }
0x362: {  	_ =	swait.ge [sflag:s11], $0xC000  }
0x363: {  	s1 =	sld [smem:$0x7FA]  }
0x364: {  	[sflag:s11] =	ssyncset.done $0x0  }
0x365: {  	s30 =	sld [smem:$0x7FB];
	[sflag:s11] =	ssyncadd.s32 $0xFFFF4000  }
0x366: {  	[hbm4b:s1+s2] =	stream.linear.scatter [tilespmem:s2], [sflag:$0x3], $0xC000, $0x38;
	[tilespmem:$0x18000] =	vst v63  }
0x367: {  	_ = 	snop  }
0x368: {  	[tilespmem:s10], [sflag:$0x2] =	stream.linear.gather [hbm4b:s30+s2], $0xC000, $0x38;
	[tilespmem:$0x18000] =	vst v63  }
0x369: {  	_ =	swait.ge [sflag:s15], $0xC000  }
0x36a: {  	[sflag:s15] =	ssyncset.done $0x0  }
0x36b: {  	[sflag:s15] =	ssyncadd.s32 $0xFFFF4000  }
0x36c: {  	_ =	swait.ge [sflag:s12], $0xC000  }
0x36d: {  	s1 =	sld [smem:$0x7FC]  }
0x36e: {  	[sflag:s12] =	ssyncset.done $0x0  }
0x36f: {  	s30 =	sld [smem:$0x7FD];
	[sflag:s12] =	ssyncadd.s32 $0xFFFF4000  }
0x370: {  	[hbm4b:s1+s2] =	stream.linear.scatter [tilespmem:s10], [sflag:$0x4], $0xC000, $0x38;
	[tilespmem:$0x18000] =	vst v63  }
0x371: {  	_ = 	snop  }
0x372: {  	[tilespmem:s2], [sflag:$0x1] =	stream.linear.gather [hbm4b:s30+s2], $0xC000, $0x38;
	[tilespmem:$0x18000] =	vst v63  }
0x373: {  	_ =	swait.ge [sflag:s16], $0xC000  }
0x374: {  	[sflag:s16] =	ssyncset.done $0x0  }
0x375: {  	[sflag:s16] =	ssyncadd.s32 $0xFFFF4000  }
0x376: {  	_ =	swait.ge [sflag:s11], $0xC000  }
0x377: {  	[sflag:s11] =	ssyncset.done $0x0  }
0x378: {  	[sflag:s11] =	ssyncadd.s32 $0xFFFF4000  }
0x379: {  	[hbm4b:s28+s2] =	stream.linear.scatter [tilespmem:s2], [sflag:$0x3], $0xC000, $0x38;
	[tilespmem:$0x18000] =	vst v63  }
0x37a: {  	_ = 	snop  }
0x37b: {  	[tilespmem:s10], [sflag:$0x2] =	stream.linear.gather [hbm4b:s29+s2], $0xC000, $0x38;
	[tilespmem:$0x18000] =	vst v63  }
0x37c: {  	_ =	swait.ge [sflag:s15], $0xC000  }
0x37d: {  	[sflag:s15] =	ssyncset.done $0x0  }
0x37e: {  	[sflag:s15] =	ssyncadd.s32 $0xFFFF4000  }
0x37f: {  	_ =	swait.ge [sflag:s12], $0xC000  }
0x380: {  	[sflag:s12] =	ssyncset.done $0x0  }
0x381: {  	[sflag:s12] =	ssyncadd.s32 $0xFFFF4000  }
0x382: {  	[hbm4b:s25+s2] =	stream.linear.scatter [tilespmem:s10], [sflag:$0x4], $0xC000, $0x38;
	[tilespmem:$0x18000] =	vst v63  }
0x383: {  	_ = 	snop  }
0x384: {  	[tilespmem:s2], [sflag:$0x1] =	stream.linear.gather [hbm4b:s26+s2], $0xC000, $0x38;
	[tilespmem:$0x18000] =	vst v63  }
0x385: {  	_ =	swait.ge [sflag:s16], $0xC000  }
0x386: {  	[sflag:s16] =	ssyncset.done $0x0  }
0x387: {  	[sflag:s16] =	ssyncadd.s32 $0xFFFF4000  }
0x388: {  	_ =	swait.ge [sflag:s11], $0xC000  }
0x389: {  	[sflag:s11] =	ssyncset.done $0x0  }
0x38a: {  	[sflag:s11] =	ssyncadd.s32 $0xFFFF4000  }
0x38b: {  	[hbm4b:s23+s2] =	stream.linear.scatter [tilespmem:s2], [sflag:$0x3], $0xC000, $0x38;
	[tilespmem:$0x18000] =	vst v63  }
0x38c: {  	_ = 	snop  }
0x38d: {  	[tilespmem:s10], [sflag:$0x2] =	stream.linear.gather [hbm4b:s24+s2], $0xC000, $0x38;
	[tilespmem:$0x18000] =	vst v63  }
0x38e: {  	_ =	swait.ge [sflag:s15], $0xC000  }
0x38f: {  	[sflag:s15] =	ssyncset.done $0x0  }
0x390: {  	[sflag:s15] =	ssyncadd.s32 $0xFFFF4000  }
0x391: {  	_ =	swait.ge [sflag:s12], $0xC000  }
0x392: {  	[sflag:s12] =	ssyncset.done $0x0  }
0x393: {  	[sflag:s12] =	ssyncadd.s32 $0xFFFF4000  }
0x394: {  	[hbm4b:s21+s2] =	stream.linear.scatter [tilespmem:s10], [sflag:$0x4], $0xC000, $0x38;
	[tilespmem:$0x18000] =	vst v63  }
0x395: {  	_ = 	snop  }
0x396: {  	[tilespmem:s2], [sflag:$0x1] =	stream.linear.gather [hbm4b:s22+s2], $0xC000, $0x38;
	[tilespmem:$0x18000] =	vst v63  }
0x397: {  	_ =	swait.ge [sflag:s16], $0xC000  }
0x398: {  	[sflag:s16] =	ssyncset.done $0x0  }
0x399: {  	[sflag:s16] =	ssyncadd.s32 $0xFFFF4000  }
0x39a: {  	_ =	swait.ge [sflag:s11], $0xC000  }
0x39b: {  	[sflag:s11] =	ssyncset.done $0x0  }
0x39c: {  	[sflag:s11] =	ssyncadd.s32 $0xFFFF4000  }
0x39d: {  	[hbm4b:s19+s2] =	stream.linear.scatter [tilespmem:s2], [sflag:$0x3], $0xC000, $0x38;
	[tilespmem:$0x18000] =	vst v63  }
0x39e: {  	_ = 	snop  }
0x39f: {  	[tilespmem:s10], [sflag:$0x2] =	stream.linear.gather [hbm4b:s20+s2], $0xC000, $0x38;
	[tilespmem:$0x18000] =	vst v63  }
0x3a0: {  	_ =	swait.ge [sflag:s15], $0xC000  }
0x3a1: {  	[sflag:s15] =	ssyncset.done $0x0  }
0x3a2: {  	[sflag:s15] =	ssyncadd.s32 $0xFFFF4000  }
0x3a3: {  	_ =	swait.ge [sflag:s12], $0xC000  }
0x3a4: {  	[sflag:s12] =	ssyncset.done $0x0  }
0x3a5: {  	[sflag:s12] =	ssyncadd.s32 $0xFFFF4000  }
0x3a6: {  	[hbm4b:s17+s2] =	stream.linear.scatter [tilespmem:s10], [sflag:$0x4], $0xC000, $0x38;
	[tilespmem:$0x18000] =	vst v63  }
0x3a7: {  	_ = 	snop  }
0x3a8: {  	[tilespmem:s2], [sflag:$0x1] =	stream.linear.gather [hbm4b:s18+s2], $0xC000, $0x38;
	[tilespmem:$0x18000] =	vst v63  }
0x3a9: {  	_ =	swait.ge [sflag:s16], $0xC000  }
0x3aa: {  	[sflag:s16] =	ssyncset.done $0x0  }
0x3ab: {  	[sflag:s16] =	ssyncadd.s32 $0xFFFF4000  }
0x3ac: {  	_ =	swait.ge [sflag:s11], $0xC000  }
0x3ad: {  	[sflag:s11] =	ssyncset.done $0x0  }
0x3ae: {  	[sflag:s11] =	ssyncadd.s32 $0xFFFF4000  }
0x3af: {  	[hbm4b:s13+s2] =	stream.linear.scatter [tilespmem:s2], [sflag:$0x3], $0xC000, $0x38;
	[tilespmem:$0x18000] =	vst v63  }
0x3b0: {  	_ = 	snop  }
0x3b1: {  	[tilespmem:s10], [sflag:$0x2] =	stream.linear.gather [hbm4b:s14+s2], $0xC000, $0x38;
	[tilespmem:$0x18000] =	vst v63  }
0x3b2: {  	_ =	swait.ge [sflag:s15], $0xC000  }
0x3b3: {  	[sflag:s15] =	ssyncset.done $0x0  }
0x3b4: {  	[sflag:s15] =	ssyncadd.s32 $0xFFFF4000  }
0x3b5: {  	_ =	swait.ge [sflag:s12], $0xC000  }
0x3b6: {  	[sflag:s12] =	ssyncset.done $0x0  }
0x3b7: {  	[sflag:s12] =	ssyncadd.s32 $0xFFFF4000  }
0x3b8: {  	[hbm4b:s8+s2] =	stream.linear.scatter [tilespmem:s10], [sflag:$0x4], $0xC000, $0x38;
	[tilespmem:$0x18000] =	vst v63  }
0x3b9: {  	_ = 	snop  }
0x3ba: {  	[tilespmem:s2], [sflag:$0x1] =	stream.linear.gather [hbm4b:s9+s2], $0xC000, $0x38;
	[tilespmem:$0x18000] =	vst v63  }
0x3bb: {  	_ =	swait.ge [sflag:s16], $0xC000  }
0x3bc: {  	[sflag:s16] =	ssyncset.done $0x0  }
0x3bd: {  	[sflag:s16] =	ssyncadd.s32 $0xFFFF4000  }
0x3be: {  	_ =	swait.ge [sflag:s11], $0xC000  }
0x3bf: {  	[sflag:s11] =	ssyncset.done $0x0  }
0x3c0: {  	[sflag:s11] =	ssyncadd.s32 $0xFFFF4000  }
0x3c1: {  	[hbm4b:s6+s2] =	stream.linear.scatter [tilespmem:s2], [sflag:$0x3], $0xC000, $0x38;
	[tilespmem:$0x18000] =	vst v63  }
0x3c2: {  	_ = 	snop  }
0x3c3: {  	[tilespmem:s10], [sflag:$0x2] =	stream.linear.gather [hbm4b:s7+s2], $0xC000, $0x38;
	[tilespmem:$0x18000] =	vst v63  }
0x3c4: {  	_ =	swait.ge [sflag:s15], $0xC000  }
0x3c5: {  	[sflag:s15] =	ssyncset.done $0x0  }
0x3c6: {  	[sflag:s15] =	ssyncadd.s32 $0xFFFF4000  }
0x3c7: {  	_ =	swait.ge [sflag:s12], $0xC000  }
0x3c8: {  	[sflag:s12] =	ssyncset.done $0x0  }
0x3c9: {  	[sflag:s12] =	ssyncadd.s32 $0xFFFF4000  }
0x3ca: {  	[hbm4b:s5+s2] =	stream.linear.scatter [tilespmem:s10], [sflag:$0x4], $0xC000, $0x38;
	[tilespmem:$0x18000] =	vst v63  }
0x3cb: {  	_ =	swait.ge [sflag:s11], $0xC000  }
0x3cc: {  	[sflag:s11] =	ssyncset.done $0x0  }
0x3cd: {  	s0 =	simm.s32 @!p0 $0x0;
	s1 =	simm.s32 @!p0 $0x5;
	[sflag:s11] =	ssyncadd.s32 $0xFFFF4000  }
0x3ce: {  	[tilespmem:s0], [sflag:$0x5] =	stream.linear.gather @!p0 [hbm4b:s4+s0], $0x1800, $0x38;
	[tilespmem:$0x18000] =	vst v63  }
0x3cf: {  	_ =	swait.ge @!p0 [sflag:s1], $0x1800  }
0x3d0: {  	[sflag:s1] =	ssyncset.done @!p0 $0x0  }
0x3d1: {  	[sflag:s1] =	ssyncadd.s32 @!p0 $0xFFFFE800  }
0x3d2: {  	[hbm4b:s3+s0] =	stream.linear.scatter @!p0 [tilespmem:s0], [sflag:$0x5], $0x1800, $0x38;
	[tilespmem:$0x18000] =	vst v63  }
0x3d3: {  	_ =	swait.ge @!p0 [sflag:s1], $0x1800  }
0x3d4: {  	[sflag:s1] =	ssyncset.done @!p0 $0x0  }
0x3d5: {  	[sflag:s1] =	ssyncadd.s32 @!p0 $0xFFFFE800  }
0x3d6: {  	_ =	sfence.sel $0x180000  }
0x3d7: {  	[bflag:$0x0] =	sbarrier.arrive $0xFFFF  }
0x3d8: {  	_ =	strace $0x90000047  }
0x3d9: {  	[bflag:$0x2] =	sbarrier.arrive $0xFFFF  }
0x3da: {  	p0 =	sne.s32 s31, $0x0;
	s0 =	rddreg [dreg:$0x1]  }
0x3db: {  	s0 =	sadd.s32 @!p0 $0x100000, s0  }
0x3dc: {  	[sflag:s0] =	ssyncadd.tile.s32 @!p0 $0x1;
	_ =	shalt  }
.LBB2_1:
.Ltmp3:
0x3dd: {  	(pc) =	sbr.rel .LBB2_6-.Ltmp3, $2  }
0x3de: {  	_ =	sdelay $0x2  }
0x3df: {  	_ = 	snop  }
.LBB2_3:
.Ltmp4:
0x3e0: {  	(pc) =	sbr.rel .LBB2_6-.Ltmp4, $2  }
0x3e1: {  	_ =	sdelay $0x2  }
0x3e2: {  	s31 =	stileid.u32  }
.Lfunc_end2:
_tile_overlayer_lowered:
.L_overlay_start_2:
0x3e3: {  	(tag) =	ssettag $0x2  }
0x3e4: {  	s0 =	rddreg [dreg:$0x0];
	s2 =	stileid.u32  }
0x3e5: {  	s1 =	rddreg [dreg:$0x1];
	p0 =	sne.s32 s2, $0x0  }
0x3e6: {  	s3 =	rddreg [dreg:$0x2];
	[bflag:$0x3] =	sbarrier.arrive $0xFFFF;
	s2 =	simm.s32 @!p0 $0x1C05  }
0x3e7: {  	[timem:s3], [sflag:s2] =	dma.local @!p0 [hbm:s0], s1  }
0x3e8: {  	s0 =	simm.s32 @!p0 $0x5  }
0x3e9: {  	_ =	swait.ge @!p0 [sflag:s0], s1  }
0x3ea: {  	s1 =	ssub.s32 @!p0 $0x0, s1;
	[sflag:s0] =	ssyncset.done @!p0 $0x0  }
0x3eb: {  	[sflag:s0] =	ssyncadd.s32 @!p0 s1  }
0x3ec: {  	[bflag:$0x3] =	sbarrier.arrive $0xFFFF  }
0x3ed: {  	_ =	shalt  }

</sc_bundles>
